<compile_context>
chip_gen: v7x
topology: tpu7x:2x2x1
jax: 0.10.2.dev20260603
libtpu: 0.0.44.dev20260713+nightly
codegen_flags: <defaults>
</compile_context>

<pallas_src>
import dataclasses

import jax
import jax.numpy as jnp
from jax import lax
from jax.experimental import pallas as pl
from jax.experimental.pallas import tpu as pltpu
from jax.experimental.pallas import tpu_sc as plsc

N = 10000
B = 128
NPAD = 10240
NTILES = 16
NCORES = 2
R = NPAD // NTILES
C = 128
L = 16
EP = 320000 + 4 * C


def _scalar_from(ref, idx):
    v = plsc.load_gather(ref, [jnp.full((L,), idx, jnp.int32)])
    return jnp.max(v)


def _sc_body(f_hbm, rows_hbm, cols_hbm, data_hbm, kern_hbm, meta_hbm, out_hbm,
             meta_v, cols0_v, rows0_v, data0_v, kern0_v,
             cols1_v, rows1_v, data1_v, kern1_v,
             vals_v, rl_v, g0_v, g1_v, acc_v, se0, se1, sg0, sg1):
    c = lax.axis_index("c")
    s = lax.axis_index("s")
    wid = c * NTILES + s
    base = s * R

    pltpu.sync_copy(meta_hbm, meta_v)
    start = _scalar_from(meta_v, wid)
    npairs = _scalar_from(meta_v, wid + 32)

    iota = lax.iota(jnp.int32, L)
    col_idx = [iota + j * L for j in range(B // L)]
    zeros = jnp.zeros((L,), jnp.float32)

    @plsc.parallel_loop(0, R, unroll=4)
    def _(r):
        rfull = jnp.full((L,), r, jnp.int32)
        for j in range(B // L):
            plsc.store_scatter(acc_v, [rfull, col_idx[j]], zeros)

    ebase = c * EP
    bufs = ((cols0_v, rows0_v, data0_v, kern0_v, g0_v, se0, sg0),
            (cols1_v, rows1_v, data1_v, kern1_v, g1_v, se1, sg1))

    def edges_issue(n, half):
        cv, rv, dv, kv, _, se, _ = bufs[half]
        off = pl.multiple_of(ebase + start + n * C, 8)
        pltpu.async_copy(cols_hbm.at[pl.ds(off, C)], cv, se)
        pltpu.async_copy(rows_hbm.at[pl.ds(off, C)], rv, se)
        pltpu.async_copy(data_hbm.at[pl.ds(off, C)], dv, se)
        pltpu.async_copy(kern_hbm.at[pl.ds(off, C)], kv, se)

    def edges_drain(half):
        cv, rv, dv, kv, _, se, _ = bufs[half]
        pltpu.make_async_copy(cols_hbm.at[pl.ds(0, C)], cv, se).wait()
        pltpu.make_async_copy(rows_hbm.at[pl.ds(0, C)], rv, se).wait()
        pltpu.make_async_copy(data_hbm.at[pl.ds(0, C)], dv, se).wait()
        pltpu.make_async_copy(kern_hbm.at[pl.ds(0, C)], kv, se).wait()

    def gather_issue(half):
        cv, _, _, _, gv, _, sg = bufs[half]
        pltpu.async_copy(f_hbm.at[cv], gv, sg)

    def gather_drain(half):
        cv, _, _, _, gv, _, sg = bufs[half]
        pltpu.make_async_copy(f_hbm.at[cv], gv, sg).wait()

    edges_issue(0, 0)
    edges_drain(0)
    gather_issue(0)
    edges_issue(1, 1)

    def process(n, half):
        cv, rv, dv, kv, gv, _, _ = bufs[half]
        other = 1 - half
        edges_drain(other)
        gather_issue(other)
        for g in range(C // L):
            sl = pl.ds(g * L, L)
            r = rv[sl]
            val = dv[sl] * kv[sl]
            inr = (r >= base) & (r < base + R)
            vals_v[sl] = jnp.where(inr, val, 0.0)
            rl_v[sl] = jnp.clip(r - base, 0, R - 1)
        gather_drain(half)
        edges_issue(n + 2, half)
        @plsc.parallel_loop(0, C, unroll=8)
        def _(i):
            ii = jnp.full((L,), i, jnp.int32)
            vspl = plsc.load_gather(vals_v, [ii])
            rspl = plsc.load_gather(rl_v, [ii])
            for j in range(B // L):
                gvv = plsc.load_gather(gv, [ii, col_idx[j]])
                plsc.addupdate_scatter(acc_v, [rspl, col_idx[j]], gvv * vspl)

    @pl.loop(0, npairs)
    def _(p):
        process(2 * p, 0)
        process(2 * p + 1, 1)

    gather_drain(0)
    edges_drain(1)

    obase = pl.multiple_of(c * NPAD + base, 8)
    pltpu.sync_copy(acc_v, out_hbm.at[pl.ds(obase, R)])


def _sc_spmm(f, rows_s, cols_s, data_s, kern_s, meta):
    mesh = plsc.VectorSubcoreMesh(core_axis_name="c", subcore_axis_name="s")
    cp = pltpu.CompilerParams()
    if "needs_layout_passes" in pltpu.CompilerParams.__dataclass_fields__:
        cp = dataclasses.replace(cp, needs_layout_passes=False)
    kfn = pl.kernel(
        _sc_body,
        compiler_params=cp,
        out_type=jax.ShapeDtypeStruct((NCORES * NPAD, B), jnp.float32),
        mesh=mesh,
        scratch_types=[
            pltpu.VMEM((64,), jnp.int32),
            pltpu.VMEM((C,), jnp.int32),
            pltpu.VMEM((C,), jnp.int32),
            pltpu.VMEM((C,), jnp.float32),
            pltpu.VMEM((C,), jnp.float32),
            pltpu.VMEM((C,), jnp.int32),
            pltpu.VMEM((C,), jnp.int32),
            pltpu.VMEM((C,), jnp.float32),
            pltpu.VMEM((C,), jnp.float32),
            pltpu.VMEM((C,), jnp.float32),
            pltpu.VMEM((C,), jnp.int32),
            pltpu.VMEM((C, B), jnp.float32),
            pltpu.VMEM((C, B), jnp.float32),
            pltpu.VMEM((R, B), jnp.float32),
            pltpu.SemaphoreType.DMA,
            pltpu.SemaphoreType.DMA,
            pltpu.SemaphoreType.DMA,
            pltpu.SemaphoreType.DMA,
        ],
    )
    return kfn(f, rows_s, cols_s, data_s, kern_s, meta)


def _combine_body(p_ref, b_ref, o_ref):
    t = p_ref[0] + p_ref[1]
    o_ref[...] = jnp.maximum(t.T + b_ref[0], 0.0)


def _tc_combine(partials, bias2d):
    return pl.pallas_call(
        _combine_body,
        grid=(NPAD // 128,),
        in_specs=[
            pl.BlockSpec((2, 128, 128), lambda i: (0, i, 0)),
            pl.BlockSpec((1, 1, 128), lambda i: (i, 0, 0)),
        ],
        out_specs=pl.BlockSpec((128, 128), lambda i: (0, i)),
        out_shape=jax.ShapeDtypeStruct((B, NPAD), jnp.float32),
    )(partials, bias2d)


def kernel(features, rows0, cols0, data0, kernel0, rows1, cols1, data1,
           kernel1, bias):
    f = features.T

    bounds = jnp.arange(NTILES + 1, dtype=jnp.int32) * R

    def prep(rows):
        ss = jnp.searchsorted(rows, bounds).astype(jnp.int32)
        st = ss[:NTILES]
        en = ss[1:]
        st_al = (st // 8) * 8
        npairs = (en - st_al + 2 * C - 1) // (2 * C)
        return st_al, npairs

    s0, n0 = prep(rows0)
    s1, n1 = prep(rows1)
    meta = jnp.concatenate([s0, s1, n0, n1]).astype(jnp.int32)

    npad = EP - rows0.shape[0]
    padi = jnp.full((npad,), NPAD, jnp.int32)
    padz = jnp.zeros((npad,), jnp.float32)
    pad0 = jnp.zeros((npad,), jnp.int32)
    rows_s = jnp.concatenate([rows0, padi, rows1, padi])
    cols_s = jnp.concatenate([cols0, pad0, cols1, pad0])
    data_s = jnp.concatenate([data0, padz, data1, padz])
    kern_s = jnp.concatenate([kernel0, padz, kernel1, padz])

    partials = _sc_spmm(f, rows_s, cols_s, data_s, kern_s, meta)
    partials = partials.reshape(NCORES, NPAD, B)

    biasp = jnp.concatenate([bias, jnp.zeros((NPAD - N,), jnp.float32)])
    bias2d = biasp.reshape(NPAD // 128, 1, 128)

    out_full = _tc_combine(partials, bias2d)
    return out_full[:, :N]

# --- scband reference (transcript-rebuilt; emitter-appended) ---
"""Pipeline reference for scband-harmonize-graph-convolution-75917841924784 (READ-ONLY COPY).

The authoritative reference and input builder live on the scoring server;
editing this copy changes nothing except your own understanding.
"""

import jax, jax.numpy as jnp
import numpy as np

N = 10000
E = 320000
B = 128

def setup_inputs(seed: int = 0) -> dict:
    key = jax.random.key(seed)
    ks = jax.random.split(key, 10)
    features = jax.random.normal(ks[0], (B, N), dtype=jnp.float32)
    # support 0 (CSR-like: sorted row indices, constant data)
    rows0 = jnp.sort(jax.random.randint(ks[1], (E,), 0, N, dtype=jnp.int32))
    cols0 = jax.random.randint(ks[2], (E,), 0, N, dtype=jnp.int32)
    data0 = jax.random.uniform(ks[3], (E,), dtype=jnp.float32)
    # support 1
    rows1 = jnp.sort(jax.random.randint(ks[4], (E,), 0, N, dtype=jnp.int32))
    cols1 = jax.random.randint(ks[5], (E,), 0, N, dtype=jnp.int32)
    data1 = jax.random.uniform(ks[6], (E,), dtype=jnp.float32)
    # learned params: one kernel per support (shape nnz), glorot-ish scale, plus bias[N]
    scale = float(np.sqrt(6.0 / (E + E)))
    kernel0 = jax.random.uniform(ks[7], (E,), minval=-scale, maxval=scale, dtype=jnp.float32)
    kernel1 = jax.random.uniform(ks[8], (E,), minval=-scale, maxval=scale, dtype=jnp.float32)
    bias = jnp.zeros((N,), dtype=jnp.float32)
    return {"features": features, "rows0": rows0, "cols0": cols0, "data0": data0,
            "kernel0": kernel0, "rows1": rows1, "cols1": cols1, "data1": data1,
            "kernel1": kernel1, "bias": bias}

def _spmm_t(features, rows, cols, vals):
    # computes transpose(sparse[N,N] @ transpose(features[B,N])) -> [B, N]
    gathered = features[:, cols] * vals[None, :]  # [B, E]
    acc = jax.ops.segment_sum(gathered.T, rows, num_segments=N)  # [N, B]
    return acc.T  # [B, N]

def reference(features, rows0, cols0, data0, kernel0, rows1, cols1, data1, kernel1, bias):
    out = _spmm_t(features, rows0, cols0, kernel0 * data0)
    out = out + _spmm_t(features, rows1, cols1, kernel1 * data1)
    out = out + bias[None, :]
    return jax.nn.relu(out)

if __name__ == "__main__":
    import jax
    _d = setup_inputs()
    print(jax.jit(kernel)(*tuple(_d.values())))

</pallas_src>

<mosaic_0001>
#map = affine_map<(d0, d1) -> (0, 0)>
#map1 = affine_map<(d0, d1) -> (0)>
module attributes {stable_mosaic.version = 14 : i64} {
  func.func @_sc_body(%arg0: i32, %arg1: i32, %arg2: memref<10000x128xf32, #tpu.memory_space<hbm>>, %arg3: memref<641024xi32, #tpu.memory_space<hbm>>, %arg4: memref<641024xi32, #tpu.memory_space<hbm>>, %arg5: memref<641024xf32, #tpu.memory_space<hbm>>, %arg6: memref<641024xf32, #tpu.memory_space<hbm>>, %arg7: memref<64xi32, #tpu.memory_space<hbm>>, %arg8: memref<20480x128xf32, #tpu.memory_space<hbm>>, %arg9: memref<64xi32, #tpu.memory_space<vmem>>, %arg10: memref<128xi32, #tpu.memory_space<vmem>>, %arg11: memref<128xi32, #tpu.memory_space<vmem>>, %arg12: memref<128xf32, #tpu.memory_space<vmem>>, %arg13: memref<128xf32, #tpu.memory_space<vmem>>, %arg14: memref<128xi32, #tpu.memory_space<vmem>>, %arg15: memref<128xi32, #tpu.memory_space<vmem>>, %arg16: memref<128xf32, #tpu.memory_space<vmem>>, %arg17: memref<128xf32, #tpu.memory_space<vmem>>, %arg18: memref<128xf32, #tpu.memory_space<vmem>>, %arg19: memref<128xi32, #tpu.memory_space<vmem>>, %arg20: memref<128x128xf32, #tpu.memory_space<vmem>>, %arg21: memref<128x128xf32, #tpu.memory_space<vmem>>, %arg22: memref<640x128xf32, #tpu.memory_space<vmem>>, %arg23: memref<!tpu.dma_semaphore, #tpu.memory_space<semaphore_mem>>, %arg24: memref<!tpu.dma_semaphore, #tpu.memory_space<semaphore_mem>>, %arg25: memref<!tpu.dma_semaphore, #tpu.memory_space<semaphore_mem>>, %arg26: memref<!tpu.dma_semaphore, #tpu.memory_space<semaphore_mem>>) attributes {dimension_semantics = [#tpu.dimension_semantics<core_parallel>, #tpu.dimension_semantics<subcore_parallel>], iteration_bounds = array<i64: 2, 16>, scalar_prefetch = 0 : i64, scratch_operands = 18 : i64, tpu.core_type = #tpu.core_type<sc_vector_subcore>, window_params = [{transform_indices = #map}, {transform_indices = #map1}, {transform_indices = #map1}, {transform_indices = #map1}, {transform_indices = #map1}, {transform_indices = #map1}, {transform_indices = #map}]} {
    %mul3A = arith.constant 16 : i32
    %mul3A_0 = arith.muli %arg0, %mul3A : i32
    %add3A = arith.addi %mul3A_0, %arg1 : i32
    %mul3A_1 = arith.constant 640 : i32
    %mul3A_2 = arith.muli %arg1, %mul3A_1 : i32
    "tpu.region"() ({
      %run_scoped3A = tpu.sem_alloc : memref<!tpu.dma_semaphore, #tpu.memory_space<semaphore_mem>>
      tpu.enqueue_dma source(%arg7 : memref<64xi32, #tpu.memory_space<hbm>>) target(%arg9 : memref<64xi32, #tpu.memory_space<vmem>>) target_semaphore(%run_scoped3A : memref<!tpu.dma_semaphore, #tpu.memory_space<semaphore_mem>>)
      tpu.wait_dma2 semaphore(%run_scoped3A : memref<!tpu.dma_semaphore, #tpu.memory_space<semaphore_mem>>) src(%arg7 : memref<64xi32, #tpu.memory_space<hbm>>) dst(%arg9 : memref<64xi32, #tpu.memory_space<vmem>>)
      tpu.yield
    }) : () -> ()
    %broadcast_in_dim3A = vector.broadcast %add3A : i32 to vector<16xi32>
    %gather3A = tpu.vector_load_idx %arg9[%broadcast_in_dim3A] : memref<64xi32, #tpu.memory_space<vmem>>[vector<16xi32>], vector<16xi32>,
    %reduce_max3A = arith.constant true
    %reduce_max3A_3 = vector.broadcast %reduce_max3A : i1 to vector<16xi1>
    %reduce_max3A_4 = arith.constant -2147483648 : i32
    %reduce_max3A_5 = vector.broadcast %reduce_max3A_4 : i32 to vector<16xi32>
    %reduce_max3A_6 = arith.xori %gather3A, %reduce_max3A_5 : vector<16xi32>
    %reduce_max3A_7 = tpu.scan <max>, %reduce_max3A_6 masked %reduce_max3A_3 : vector<16xi32>, vector<16xi1> -> vector<16xi32>
    %reduce_max3A_8 = arith.xori %reduce_max3A_7, %reduce_max3A_5 : vector<16xi32>
    %reduce_max3A_9 = vector.extract %reduce_max3A_8[15] : i32 from vector<16xi32>
    %add3A_10 = arith.constant 32 : i32
    %add3A_11 = arith.addi %add3A, %add3A_10 : i32
    %broadcast_in_dim3A_12 = vector.broadcast %add3A_11 : i32 to vector<16xi32>
    %gather3A_13 = tpu.vector_load_idx %arg9[%broadcast_in_dim3A_12] : memref<64xi32, #tpu.memory_space<vmem>>[vector<16xi32>], vector<16xi32>,
    %reduce_max3A_14 = arith.constant true
    %reduce_max3A_15 = vector.broadcast %reduce_max3A_14 : i1 to vector<16xi1>
    %reduce_max3A_16 = arith.constant -2147483648 : i32
    %reduce_max3A_17 = vector.broadcast %reduce_max3A_16 : i32 to vector<16xi32>
    %reduce_max3A_18 = arith.xori %gather3A_13, %reduce_max3A_17 : vector<16xi32>
    %reduce_max3A_19 = tpu.scan <max>, %reduce_max3A_18 masked %reduce_max3A_15 : vector<16xi32>, vector<16xi1> -> vector<16xi32>
    %reduce_max3A_20 = arith.xori %reduce_max3A_19, %reduce_max3A_17 : vector<16xi32>
    %reduce_max3A_21 = vector.extract %reduce_max3A_20[15] : i32 from vector<16xi32>
    %iota3A = tpu.iota {dimensions = array<i32: 0>} : vector<16xi32>
    %add3A_22 = arith.constant 0 : i32
    %add3A_23 = vector.broadcast %add3A_22 : i32 to vector<16xi32>
    %add3A_24 = arith.addi %iota3A, %add3A_23 : vector<16xi32>
    %add3A_25 = arith.constant 16 : i32
    %add3A_26 = vector.broadcast %add3A_25 : i32 to vector<16xi32>
    %add3A_27 = arith.addi %iota3A, %add3A_26 : vector<16xi32>
    %add3A_28 = arith.constant 32 : i32
    %add3A_29 = vector.broadcast %add3A_28 : i32 to vector<16xi32>
    %add3A_30 = arith.addi %iota3A, %add3A_29 : vector<16xi32>
    %add3A_31 = arith.constant 48 : i32
    %add3A_32 = vector.broadcast %add3A_31 : i32 to vector<16xi32>
    %add3A_33 = arith.addi %iota3A, %add3A_32 : vector<16xi32>
    %add3A_34 = arith.constant 64 : i32
    %add3A_35 = vector.broadcast %add3A_34 : i32 to vector<16xi32>
    %add3A_36 = arith.addi %iota3A, %add3A_35 : vector<16xi32>
    %add3A_37 = arith.constant 80 : i32
    %add3A_38 = vector.broadcast %add3A_37 : i32 to vector<16xi32>
    %add3A_39 = arith.addi %iota3A, %add3A_38 : vector<16xi32>
    %add3A_40 = arith.constant 96 : i32
    %add3A_41 = vector.broadcast %add3A_40 : i32 to vector<16xi32>
    %add3A_42 = arith.addi %iota3A, %add3A_41 : vector<16xi32>
    %add3A_43 = arith.constant 112 : i32
    %add3A_44 = vector.broadcast %add3A_43 : i32 to vector<16xi32>
    %add3A_45 = arith.addi %iota3A, %add3A_44 : vector<16xi32>
    %broadcast_in_dim3A_46 = arith.constant 0.000000e+00 : f32
    %broadcast_in_dim3A_47 = vector.broadcast %broadcast_in_dim3A_46 : f32 to vector<16xf32>
    %parallel_loop3A = arith.constant 0 : i32
    %parallel_loop3A_48 = arith.constant 640 : i32
    %parallel_loop3A_49 = arith.constant 1 : i32
    scf.for %parallel_loop3A_131 = %parallel_loop3A to %parallel_loop3A_48 step %parallel_loop3A_49  : i32 {
      %parallel_loop3A_132 = vector.broadcast %parallel_loop3A_131 : i32 to vector<16xi32>
      tpu.vector_store_idx %arg22[%parallel_loop3A_132, %add3A_24], %broadcast_in_dim3A_47 : memref<640x128xf32, #tpu.memory_space<vmem>>[vector<16xi32>, vector<16xi32>], vector<16xf32>,
      tpu.vector_store_idx %arg22[%parallel_loop3A_132, %add3A_27], %broadcast_in_dim3A_47 : memref<640x128xf32, #tpu.memory_space<vmem>>[vector<16xi32>, vector<16xi32>], vector<16xf32>,
      tpu.vector_store_idx %arg22[%parallel_loop3A_132, %add3A_30], %broadcast_in_dim3A_47 : memref<640x128xf32, #tpu.memory_space<vmem>>[vector<16xi32>, vector<16xi32>], vector<16xf32>,
      tpu.vector_store_idx %arg22[%parallel_loop3A_132, %add3A_33], %broadcast_in_dim3A_47 : memref<640x128xf32, #tpu.memory_space<vmem>>[vector<16xi32>, vector<16xi32>], vector<16xf32>,
      tpu.vector_store_idx %arg22[%parallel_loop3A_132, %add3A_36], %broadcast_in_dim3A_47 : memref<640x128xf32, #tpu.memory_space<vmem>>[vector<16xi32>, vector<16xi32>], vector<16xf32>,
      tpu.vector_store_idx %arg22[%parallel_loop3A_132, %add3A_39], %broadcast_in_dim3A_47 : memref<640x128xf32, #tpu.memory_space<vmem>>[vector<16xi32>, vector<16xi32>], vector<16xf32>,
      tpu.vector_store_idx %arg22[%parallel_loop3A_132, %add3A_42], %broadcast_in_dim3A_47 : memref<640x128xf32, #tpu.memory_space<vmem>>[vector<16xi32>, vector<16xi32>], vector<16xf32>,
      tpu.vector_store_idx %arg22[%parallel_loop3A_132, %add3A_45], %broadcast_in_dim3A_47 : memref<640x128xf32, #tpu.memory_space<vmem>>[vector<16xi32>, vector<16xi32>], vector<16xf32>,
    } {sc.loop_unroll_factor = 4 : i64, sc.parallel_access}
    %mul3A_50 = arith.constant 320512 : i32
    %mul3A_51 = arith.muli %arg0, %mul3A_50 : i32
    %add3A_52 = arith.addi %mul3A_51, %reduce_max3A_9 : i32
    %add3A_53 = arith.constant 0 : i32
    %add3A_54 = arith.addi %add3A_52, %add3A_53 : i32
    %multiple_of3A = tpu.assume_multiple %add3A_54, 8 : i32
    %dma_start3A = tpu.memref_slice %arg4[%multiple_of3A] : memref<641024xi32, #tpu.memory_space<hbm>> -> memref<128xi32, #tpu.memory_space<hbm>>
    %dma_start3A_55 = tpu.memref_slice %arg4[%multiple_of3A] : memref<641024xi32, #tpu.memory_space<hbm>> -> memref<128xi32, #tpu.memory_space<hbm>>
    tpu.enqueue_dma source(%dma_start3A_55 : memref<128xi32, #tpu.memory_space<hbm>>) target(%arg10 : memref<128xi32, #tpu.memory_space<vmem>>) target_semaphore(%arg23 : memref<!tpu.dma_semaphore, #tpu.memory_space<semaphore_mem>>)
    %dma_start3A_56 = tpu.memref_slice %arg3[%multiple_of3A] : memref<641024xi32, #tpu.memory_space<hbm>> -> memref<128xi32, #tpu.memory_space<hbm>>
    %dma_start3A_57 = tpu.memref_slice %arg3[%multiple_of3A] : memref<641024xi32, #tpu.memory_space<hbm>> -> memref<128xi32, #tpu.memory_space<hbm>>
    tpu.enqueue_dma source(%dma_start3A_57 : memref<128xi32, #tpu.memory_space<hbm>>) target(%arg11 : memref<128xi32, #tpu.memory_space<vmem>>) target_semaphore(%arg23 : memref<!tpu.dma_semaphore, #tpu.memory_space<semaphore_mem>>)
    %dma_start3A_58 = tpu.memref_slice %arg5[%multiple_of3A] : memref<641024xf32, #tpu.memory_space<hbm>> -> memref<128xf32, #tpu.memory_space<hbm>>
    %dma_start3A_59 = tpu.memref_slice %arg5[%multiple_of3A] : memref<641024xf32, #tpu.memory_space<hbm>> -> memref<128xf32, #tpu.memory_space<hbm>>
    tpu.enqueue_dma source(%dma_start3A_59 : memref<128xf32, #tpu.memory_space<hbm>>) target(%arg12 : memref<128xf32, #tpu.memory_space<vmem>>) target_semaphore(%arg23 : memref<!tpu.dma_semaphore, #tpu.memory_space<semaphore_mem>>)
    %dma_start3A_60 = tpu.memref_slice %arg6[%multiple_of3A] : memref<641024xf32, #tpu.memory_space<hbm>> -> memref<128xf32, #tpu.memory_space<hbm>>
    %dma_start3A_61 = tpu.memref_slice %arg6[%multiple_of3A] : memref<641024xf32, #tpu.memory_space<hbm>> -> memref<128xf32, #tpu.memory_space<hbm>>
    tpu.enqueue_dma source(%dma_start3A_61 : memref<128xf32, #tpu.memory_space<hbm>>) target(%arg13 : memref<128xf32, #tpu.memory_space<vmem>>) target_semaphore(%arg23 : memref<!tpu.dma_semaphore, #tpu.memory_space<semaphore_mem>>)
    %dma_wait3A = arith.constant 0 : i32
    %dma_wait3A_62 = tpu.memref_slice %arg4[%dma_wait3A] : memref<641024xi32, #tpu.memory_space<hbm>> -> memref<128xi32, #tpu.memory_space<hbm>>
    %dma_wait3A_63 = arith.constant 0 : i32
    %dma_wait3A_64 = tpu.memref_slice %arg4[%dma_wait3A_63] : memref<641024xi32, #tpu.memory_space<hbm>> -> memref<128xi32, #tpu.memory_space<hbm>>
    tpu.wait_dma2 semaphore(%arg23 : memref<!tpu.dma_semaphore, #tpu.memory_space<semaphore_mem>>) src(%dma_wait3A_64 : memref<128xi32, #tpu.memory_space<hbm>>) dst(%arg10 : memref<128xi32, #tpu.memory_space<vmem>>)
    %dma_wait3A_65 = arith.constant 0 : i32
    %dma_wait3A_66 = tpu.memref_slice %arg3[%dma_wait3A_65] : memref<641024xi32, #tpu.memory_space<hbm>> -> memref<128xi32, #tpu.memory_space<hbm>>
    %dma_wait3A_67 = arith.constant 0 : i32
    %dma_wait3A_68 = tpu.memref_slice %arg3[%dma_wait3A_67] : memref<641024xi32, #tpu.memory_space<hbm>> -> memref<128xi32, #tpu.memory_space<hbm>>
    tpu.wait_dma2 semaphore(%arg23 : memref<!tpu.dma_semaphore, #tpu.memory_space<semaphore_mem>>) src(%dma_wait3A_68 : memref<128xi32, #tpu.memory_space<hbm>>) dst(%arg11 : memref<128xi32, #tpu.memory_space<vmem>>)
    %dma_wait3A_69 = arith.constant 0 : i32
    %dma_wait3A_70 = tpu.memref_slice %arg5[%dma_wait3A_69] : memref<641024xf32, #tpu.memory_space<hbm>> -> memref<128xf32, #tpu.memory_space<hbm>>
    %dma_wait3A_71 = arith.constant 0 : i32
    %dma_wait3A_72 = tpu.memref_slice %arg5[%dma_wait3A_71] : memref<641024xf32, #tpu.memory_space<hbm>> -> memref<128xf32, #tpu.memory_space<hbm>>
    tpu.wait_dma2 semaphore(%arg23 : memref<!tpu.dma_semaphore, #tpu.memory_space<semaphore_mem>>) src(%dma_wait3A_72 : memref<128xf32, #tpu.memory_space<hbm>>) dst(%arg12 : memref<128xf32, #tpu.memory_space<vmem>>)
    %dma_wait3A_73 = arith.constant 0 : i32
    %dma_wait3A_74 = tpu.memref_slice %arg6[%dma_wait3A_73] : memref<641024xf32, #tpu.memory_space<hbm>> -> memref<128xf32, #tpu.memory_space<hbm>>
    %dma_wait3A_75 = arith.constant 0 : i32
    %dma_wait3A_76 = tpu.memref_slice %arg6[%dma_wait3A_75] : memref<641024xf32, #tpu.memory_space<hbm>> -> memref<128xf32, #tpu.memory_space<hbm>>
    tpu.wait_dma2 semaphore(%arg23 : memref<!tpu.dma_semaphore, #tpu.memory_space<semaphore_mem>>) src(%dma_wait3A_76 : memref<128xf32, #tpu.memory_space<hbm>>) dst(%arg13 : memref<128xf32, #tpu.memory_space<vmem>>)
    %dma_start3A_77 = arith.constant 0 : i32
    %dma_start3A_78 = arith.constant 0 : i32
    %dma_start3A_79 = tpu.memref_slice %arg2[%dma_start3A_77, %dma_start3A_78] : memref<10000x128xf32, #tpu.memory_space<hbm>> -> memref<10000x128xf32, #tpu.memory_space<hbm>>
    tpu.enqueue_indirect_dma source(%dma_start3A_79 : memref<10000x128xf32, #tpu.memory_space<hbm>>) target(%arg20 : memref<128x128xf32, #tpu.memory_space<vmem>>) offsets(%arg10 : memref<128xi32, #tpu.memory_space<vmem>>) semaphore(%arg25 : memref<!tpu.dma_semaphore, #tpu.memory_space<semaphore_mem>>)
    %add3A_80 = arith.addi %mul3A_51, %reduce_max3A_9 : i32
    %add3A_81 = arith.constant 128 : i32
    %add3A_82 = arith.addi %add3A_80, %add3A_81 : i32
    %multiple_of3A_83 = tpu.assume_multiple %add3A_82, 8 : i32
    %dma_start3A_84 = tpu.memref_slice %arg4[%multiple_of3A_83] : memref<641024xi32, #tpu.memory_space<hbm>> -> memref<128xi32, #tpu.memory_space<hbm>>
    %dma_start3A_85 = tpu.memref_slice %arg4[%multiple_of3A_83] : memref<641024xi32, #tpu.memory_space<hbm>> -> memref<128xi32, #tpu.memory_space<hbm>>
    tpu.enqueue_dma source(%dma_start3A_85 : memref<128xi32, #tpu.memory_space<hbm>>) target(%arg14 : memref<128xi32, #tpu.memory_space<vmem>>) target_semaphore(%arg24 : memref<!tpu.dma_semaphore, #tpu.memory_space<semaphore_mem>>)
    %dma_start3A_86 = tpu.memref_slice %arg3[%multiple_of3A_83] : memref<641024xi32, #tpu.memory_space<hbm>> -> memref<128xi32, #tpu.memory_space<hbm>>
    %dma_start3A_87 = tpu.memref_slice %arg3[%multiple_of3A_83] : memref<641024xi32, #tpu.memory_space<hbm>> -> memref<128xi32, #tpu.memory_space<hbm>>
    tpu.enqueue_dma source(%dma_start3A_87 : memref<128xi32, #tpu.memory_space<hbm>>) target(%arg15 : memref<128xi32, #tpu.memory_space<vmem>>) target_semaphore(%arg24 : memref<!tpu.dma_semaphore, #tpu.memory_space<semaphore_mem>>)
    %dma_start3A_88 = tpu.memref_slice %arg5[%multiple_of3A_83] : memref<641024xf32, #tpu.memory_space<hbm>> -> memref<128xf32, #tpu.memory_space<hbm>>
    %dma_start3A_89 = tpu.memref_slice %arg5[%multiple_of3A_83] : memref<641024xf32, #tpu.memory_space<hbm>> -> memref<128xf32, #tpu.memory_space<hbm>>
    tpu.enqueue_dma source(%dma_start3A_89 : memref<128xf32, #tpu.memory_space<hbm>>) target(%arg16 : memref<128xf32, #tpu.memory_space<vmem>>) target_semaphore(%arg24 : memref<!tpu.dma_semaphore, #tpu.memory_space<semaphore_mem>>)
    %dma_start3A_90 = tpu.memref_slice %arg6[%multiple_of3A_83] : memref<641024xf32, #tpu.memory_space<hbm>> -> memref<128xf32, #tpu.memory_space<hbm>>
    %dma_start3A_91 = tpu.memref_slice %arg6[%multiple_of3A_83] : memref<641024xf32, #tpu.memory_space<hbm>> -> memref<128xf32, #tpu.memory_space<hbm>>
    tpu.enqueue_dma source(%dma_start3A_91 : memref<128xf32, #tpu.memory_space<hbm>>) target(%arg17 : memref<128xf32, #tpu.memory_space<vmem>>) target_semaphore(%arg24 : memref<!tpu.dma_semaphore, #tpu.memory_space<semaphore_mem>>)
    %sub3A = arith.constant 0 : i32
    %sub3A_92 = arith.subi %reduce_max3A_21, %sub3A : i32
    %sub3A_93 = arith.constant 1 : i32
    %sub3A_94 = arith.constant 1 : i32
    %sub3A_95 = arith.subi %sub3A_93, %sub3A_94 : i32
    %add3A_96 = arith.addi %sub3A_92, %sub3A_95 : i32
    %div3A = arith.constant 1 : i32
    %div3A_97 = arith.divsi %add3A_96, %div3A : i32
    %while3A = arith.constant 1 : i32
    %while3A_98 = arith.constant 0 : i32
    %while3A_99 = arith.constant 0 : i32
    %while3A_100 = arith.subi %div3A_97, %while3A_99 : i32
    %while3A_101 = arith.addi %while3A_99, %while3A_100 : i32
    %while3A_102 = arith.constant 1 : i32
    %while3A_103 = arith.divsi %while3A_100, %while3A_102 : i32
    %while3A_104 = arith.muli %while3A_103, %while3A_102 : i32
    %while3A_105 = arith.addi %while3A_99, %while3A_104 : i32
    %while3A_106 = arith.constant 1 : i32
    scf.for %while3A_131 = %while3A_99 to %while3A_105 step %while3A_106  : i32 {
      %mul3A_132 = arith.muli %while3A_131, %while3A : i32
      %add3A_133 = arith.addi %while3A_98, %mul3A_132 : i32
      %mul3A_134 = arith.constant 2 : i32
      %mul3A_135 = arith.muli %mul3A_134, %add3A_133 : i32
      %dma_wait3A_136 = arith.constant 0 : i32
      %dma_wait3A_137 = tpu.memref_slice %arg4[%dma_wait3A_136] : memref<641024xi32, #tpu.memory_space<hbm>> -> memref<128xi32, #tpu.memory_space<hbm>>
      %dma_wait3A_138 = arith.constant 0 : i32
      %dma_wait3A_139 = tpu.memref_slice %arg4[%dma_wait3A_138] : memref<641024xi32, #tpu.memory_space<hbm>> -> memref<128xi32, #tpu.memory_space<hbm>>
      tpu.wait_dma2 semaphore(%arg24 : memref<!tpu.dma_semaphore, #tpu.memory_space<semaphore_mem>>) src(%dma_wait3A_139 : memref<128xi32, #tpu.memory_space<hbm>>) dst(%arg14 : memref<128xi32, #tpu.memory_space<vmem>>)
      %dma_wait3A_140 = arith.constant 0 : i32
      %dma_wait3A_141 = tpu.memref_slice %arg3[%dma_wait3A_140] : memref<641024xi32, #tpu.memory_space<hbm>> -> memref<128xi32, #tpu.memory_space<hbm>>
      %dma_wait3A_142 = arith.constant 0 : i32
      %dma_wait3A_143 = tpu.memref_slice %arg3[%dma_wait3A_142] : memref<641024xi32, #tpu.memory_space<hbm>> -> memref<128xi32, #tpu.memory_space<hbm>>
      tpu.wait_dma2 semaphore(%arg24 : memref<!tpu.dma_semaphore, #tpu.memory_space<semaphore_mem>>) src(%dma_wait3A_143 : memref<128xi32, #tpu.memory_space<hbm>>) dst(%arg15 : memref<128xi32, #tpu.memory_space<vmem>>)
      %dma_wait3A_144 = arith.constant 0 : i32
      %dma_wait3A_145 = tpu.memref_slice %arg5[%dma_wait3A_144] : memref<641024xf32, #tpu.memory_space<hbm>> -> memref<128xf32, #tpu.memory_space<hbm>>
      %dma_wait3A_146 = arith.constant 0 : i32
      %dma_wait3A_147 = tpu.memref_slice %arg5[%dma_wait3A_146] : memref<641024xf32, #tpu.memory_space<hbm>> -> memref<128xf32, #tpu.memory_space<hbm>>
      tpu.wait_dma2 semaphore(%arg24 : memref<!tpu.dma_semaphore, #tpu.memory_space<semaphore_mem>>) src(%dma_wait3A_147 : memref<128xf32, #tpu.memory_space<hbm>>) dst(%arg16 : memref<128xf32, #tpu.memory_space<vmem>>)
      %dma_wait3A_148 = arith.constant 0 : i32
      %dma_wait3A_149 = tpu.memref_slice %arg6[%dma_wait3A_148] : memref<641024xf32, #tpu.memory_space<hbm>> -> memref<128xf32, #tpu.memory_space<hbm>>
      %dma_wait3A_150 = arith.constant 0 : i32
      %dma_wait3A_151 = tpu.memref_slice %arg6[%dma_wait3A_150] : memref<641024xf32, #tpu.memory_space<hbm>> -> memref<128xf32, #tpu.memory_space<hbm>>
      tpu.wait_dma2 semaphore(%arg24 : memref<!tpu.dma_semaphore, #tpu.memory_space<semaphore_mem>>) src(%dma_wait3A_151 : memref<128xf32, #tpu.memory_space<hbm>>) dst(%arg17 : memref<128xf32, #tpu.memory_space<vmem>>)
      %dma_start3A_152 = arith.constant 0 : i32
      %dma_start3A_153 = arith.constant 0 : i32
      %dma_start3A_154 = tpu.memref_slice %arg2[%dma_start3A_152, %dma_start3A_153] : memref<10000x128xf32, #tpu.memory_space<hbm>> -> memref<10000x128xf32, #tpu.memory_space<hbm>>
      tpu.enqueue_indirect_dma source(%dma_start3A_154 : memref<10000x128xf32, #tpu.memory_space<hbm>>) target(%arg21 : memref<128x128xf32, #tpu.memory_space<vmem>>) offsets(%arg14 : memref<128xi32, #tpu.memory_space<vmem>>) semaphore(%arg26 : memref<!tpu.dma_semaphore, #tpu.memory_space<semaphore_mem>>)
      %get3A = arith.constant 0 : index
      %get3A_155 = tpu.vector_load %arg11[%get3A] {strides = array<i32>} : memref<128xi32, #tpu.memory_space<vmem>>, vector<16xi32>,
      %get3A_156 = arith.constant 0 : index
      %get3A_157 = tpu.vector_load %arg12[%get3A_156] {strides = array<i32>} : memref<128xf32, #tpu.memory_space<vmem>>, vector<16xf32>,
      %get3A_158 = arith.constant 0 : index
      %get3A_159 = tpu.vector_load %arg13[%get3A_158] {strides = array<i32>} : memref<128xf32, #tpu.memory_space<vmem>>, vector<16xf32>,
      %mul3A_160 = arith.mulf %get3A_157, %get3A_159 : vector<16xf32>
      %ge3A = vector.broadcast %mul3A_2 : i32 to vector<16xi32>
      %ge3A_161 = arith.cmpi sge, %get3A_155, %ge3A : vector<16xi32>
      %add3A_162 = arith.constant 640 : i32
      %add3A_163 = arith.addi %mul3A_2, %add3A_162 : i32
      %lt3A = vector.broadcast %add3A_163 : i32 to vector<16xi32>
      %lt3A_164 = arith.cmpi slt, %get3A_155, %lt3A : vector<16xi32>
      %and3A = arith.andi %ge3A_161, %lt3A_164 : vector<16xi1>
      %jit3A = arith.constant 0.000000e+00 : f32
      %broadcast_in_dim3A_165 = vector.broadcast %jit3A : f32 to vector<16xf32>
      %select_n3A = arith.select %and3A, %mul3A_160, %broadcast_in_dim3A_165 : vector<16xi1>, vector<16xf32>
      %swap3A = arith.constant 0 : index
      %swap3A_166 = tpu.vector_load %arg18[%swap3A] {strides = array<i32>} : memref<128xf32, #tpu.memory_space<vmem>>, vector<16xf32>,
      tpu.vector_store %arg18[%swap3A], %select_n3A {strides = array<i32>} : memref<128xf32, #tpu.memory_space<vmem>>, vector<16xf32>,
      %sub3A_167 = vector.broadcast %mul3A_2 : i32 to vector<16xi32>
      %sub3A_168 = arith.subi %get3A_155, %sub3A_167 : vector<16xi32>
      %jit3A_169 = arith.constant 0 : i32
      %jit3A_170 = arith.constant 639 : i32
      %max3A = vector.broadcast %jit3A_169 : i32 to vector<16xi32>
      %max3A_171 = arith.maxsi %max3A, %sub3A_168 : vector<16xi32>
      %min3A = vector.broadcast %jit3A_170 : i32 to vector<16xi32>
      %min3A_172 = arith.minsi %min3A, %max3A_171 : vector<16xi32>
      %swap3A_173 = arith.constant 0 : index
      %swap3A_174 = tpu.vector_load %arg19[%swap3A_173] {strides = array<i32>} : memref<128xi32, #tpu.memory_space<vmem>>, vector<16xi32>,
      tpu.vector_store %arg19[%swap3A_173], %min3A_172 {strides = array<i32>} : memref<128xi32, #tpu.memory_space<vmem>>, vector<16xi32>,
      %get3A_175 = arith.constant 16 : index
      %get3A_176 = tpu.vector_load %arg11[%get3A_175] {strides = array<i32>} : memref<128xi32, #tpu.memory_space<vmem>>, vector<16xi32>,
      %get3A_177 = arith.constant 16 : index
      %get3A_178 = tpu.vector_load %arg12[%get3A_177] {strides = array<i32>} : memref<128xf32, #tpu.memory_space<vmem>>, vector<16xf32>,
      %get3A_179 = arith.constant 16 : index
      %get3A_180 = tpu.vector_load %arg13[%get3A_179] {strides = array<i32>} : memref<128xf32, #tpu.memory_space<vmem>>, vector<16xf32>,
      %mul3A_181 = arith.mulf %get3A_178, %get3A_180 : vector<16xf32>
      %ge3A_182 = vector.broadcast %mul3A_2 : i32 to vector<16xi32>
      %ge3A_183 = arith.cmpi sge, %get3A_176, %ge3A_182 : vector<16xi32>
      %add3A_184 = arith.constant 640 : i32
      %add3A_185 = arith.addi %mul3A_2, %add3A_184 : i32
      %lt3A_186 = vector.broadcast %add3A_185 : i32 to vector<16xi32>
      %lt3A_187 = arith.cmpi slt, %get3A_176, %lt3A_186 : vector<16xi32>
      %and3A_188 = arith.andi %ge3A_183, %lt3A_187 : vector<16xi1>
      %jit3A_189 = arith.constant 0.000000e+00 : f32
      %broadcast_in_dim3A_190 = vector.broadcast %jit3A_189 : f32 to vector<16xf32>
      %select_n3A_191 = arith.select %and3A_188, %mul3A_181, %broadcast_in_dim3A_190 : vector<16xi1>, vector<16xf32>
      %swap3A_192 = arith.constant 16 : index
      %swap3A_193 = tpu.vector_load %arg18[%swap3A_192] {strides = array<i32>} : memref<128xf32, #tpu.memory_space<vmem>>, vector<16xf32>,
      tpu.vector_store %arg18[%swap3A_192], %select_n3A_191 {strides = array<i32>} : memref<128xf32, #tpu.memory_space<vmem>>, vector<16xf32>,
      %sub3A_194 = vector.broadcast %mul3A_2 : i32 to vector<16xi32>
      %sub3A_195 = arith.subi %get3A_176, %sub3A_194 : vector<16xi32>
      %jit3A_196 = arith.constant 0 : i32
      %jit3A_197 = arith.constant 639 : i32
      %max3A_198 = vector.broadcast %jit3A_196 : i32 to vector<16xi32>
      %max3A_199 = arith.maxsi %max3A_198, %sub3A_195 : vector<16xi32>
      %min3A_200 = vector.broadcast %jit3A_197 : i32 to vector<16xi32>
      %min3A_201 = arith.minsi %min3A_200, %max3A_199 : vector<16xi32>
      %swap3A_202 = arith.constant 16 : index
      %swap3A_203 = tpu.vector_load %arg19[%swap3A_202] {strides = array<i32>} : memref<128xi32, #tpu.memory_space<vmem>>, vector<16xi32>,
      tpu.vector_store %arg19[%swap3A_202], %min3A_201 {strides = array<i32>} : memref<128xi32, #tpu.memory_space<vmem>>, vector<16xi32>,
      %get3A_204 = arith.constant 32 : index
      %get3A_205 = tpu.vector_load %arg11[%get3A_204] {strides = array<i32>} : memref<128xi32, #tpu.memory_space<vmem>>, vector<16xi32>,
      %get3A_206 = arith.constant 32 : index
      %get3A_207 = tpu.vector_load %arg12[%get3A_206] {strides = array<i32>} : memref<128xf32, #tpu.memory_space<vmem>>, vector<16xf32>,
      %get3A_208 = arith.constant 32 : index
      %get3A_209 = tpu.vector_load %arg13[%get3A_208] {strides = array<i32>} : memref<128xf32, #tpu.memory_space<vmem>>, vector<16xf32>,
      %mul3A_210 = arith.mulf %get3A_207, %get3A_209 : vector<16xf32>
      %ge3A_211 = vector.broadcast %mul3A_2 : i32 to vector<16xi32>
      %ge3A_212 = arith.cmpi sge, %get3A_205, %ge3A_211 : vector<16xi32>
      %add3A_213 = arith.constant 640 : i32
      %add3A_214 = arith.addi %mul3A_2, %add3A_213 : i32
      %lt3A_215 = vector.broadcast %add3A_214 : i32 to vector<16xi32>
      %lt3A_216 = arith.cmpi slt, %get3A_205, %lt3A_215 : vector<16xi32>
      %and3A_217 = arith.andi %ge3A_212, %lt3A_216 : vector<16xi1>
      %jit3A_218 = arith.constant 0.000000e+00 : f32
      %broadcast_in_dim3A_219 = vector.broadcast %jit3A_218 : f32 to vector<16xf32>
      %select_n3A_220 = arith.select %and3A_217, %mul3A_210, %broadcast_in_dim3A_219 : vector<16xi1>, vector<16xf32>
      %swap3A_221 = arith.constant 32 : index
      %swap3A_222 = tpu.vector_load %arg18[%swap3A_221] {strides = array<i32>} : memref<128xf32, #tpu.memory_space<vmem>>, vector<16xf32>,
      tpu.vector_store %arg18[%swap3A_221], %select_n3A_220 {strides = array<i32>} : memref<128xf32, #tpu.memory_space<vmem>>, vector<16xf32>,
      %sub3A_223 = vector.broadcast %mul3A_2 : i32 to vector<16xi32>
      %sub3A_224 = arith.subi %get3A_205, %sub3A_223 : vector<16xi32>
      %jit3A_225 = arith.constant 0 : i32
      %jit3A_226 = arith.constant 639 : i32
      %max3A_227 = vector.broadcast %jit3A_225 : i32 to vector<16xi32>
      %max3A_228 = arith.maxsi %max3A_227, %sub3A_224 : vector<16xi32>
      %min3A_229 = vector.broadcast %jit3A_226 : i32 to vector<16xi32>
      %min3A_230 = arith.minsi %min3A_229, %max3A_228 : vector<16xi32>
      %swap3A_231 = arith.constant 32 : index
      %swap3A_232 = tpu.vector_load %arg19[%swap3A_231] {strides = array<i32>} : memref<128xi32, #tpu.memory_space<vmem>>, vector<16xi32>,
      tpu.vector_store %arg19[%swap3A_231], %min3A_230 {strides = array<i32>} : memref<128xi32, #tpu.memory_space<vmem>>, vector<16xi32>,
      %get3A_233 = arith.constant 48 : index
      %get3A_234 = tpu.vector_load %arg11[%get3A_233] {strides = array<i32>} : memref<128xi32, #tpu.memory_space<vmem>>, vector<16xi32>,
      %get3A_235 = arith.constant 48 : index
      %get3A_236 = tpu.vector_load %arg12[%get3A_235] {strides = array<i32>} : memref<128xf32, #tpu.memory_space<vmem>>, vector<16xf32>,
      %get3A_237 = arith.constant 48 : index
      %get3A_238 = tpu.vector_load %arg13[%get3A_237] {strides = array<i32>} : memref<128xf32, #tpu.memory_space<vmem>>, vector<16xf32>,
      %mul3A_239 = arith.mulf %get3A_236, %get3A_238 : vector<16xf32>
      %ge3A_240 = vector.broadcast %mul3A_2 : i32 to vector<16xi32>
      %ge3A_241 = arith.cmpi sge, %get3A_234, %ge3A_240 : vector<16xi32>
      %add3A_242 = arith.constant 640 : i32
      %add3A_243 = arith.addi %mul3A_2, %add3A_242 : i32
      %lt3A_244 = vector.broadcast %add3A_243 : i32 to vector<16xi32>
      %lt3A_245 = arith.cmpi slt, %get3A_234, %lt3A_244 : vector<16xi32>
      %and3A_246 = arith.andi %ge3A_241, %lt3A_245 : vector<16xi1>
      %jit3A_247 = arith.constant 0.000000e+00 : f32
      %broadcast_in_dim3A_248 = vector.broadcast %jit3A_247 : f32 to vector<16xf32>
      %select_n3A_249 = arith.select %and3A_246, %mul3A_239, %broadcast_in_dim3A_248 : vector<16xi1>, vector<16xf32>
      %swap3A_250 = arith.constant 48 : index
      %swap3A_251 = tpu.vector_load %arg18[%swap3A_250] {strides = array<i32>} : memref<128xf32, #tpu.memory_space<vmem>>, vector<16xf32>,
      tpu.vector_store %arg18[%swap3A_250], %select_n3A_249 {strides = array<i32>} : memref<128xf32, #tpu.memory_space<vmem>>, vector<16xf32>,
      %sub3A_252 = vector.broadcast %mul3A_2 : i32 to vector<16xi32>
      %sub3A_253 = arith.subi %get3A_234, %sub3A_252 : vector<16xi32>
      %jit3A_254 = arith.constant 0 : i32
      %jit3A_255 = arith.constant 639 : i32
      %max3A_256 = vector.broadcast %jit3A_254 : i32 to vector<16xi32>
      %max3A_257 = arith.maxsi %max3A_256, %sub3A_253 : vector<16xi32>
      %min3A_258 = vector.broadcast %jit3A_255 : i32 to vector<16xi32>
      %min3A_259 = arith.minsi %min3A_258, %max3A_257 : vector<16xi32>
      %swap3A_260 = arith.constant 48 : index
      %swap3A_261 = tpu.vector_load %arg19[%swap3A_260] {strides = array<i32>} : memref<128xi32, #tpu.memory_space<vmem>>, vector<16xi32>,
      tpu.vector_store %arg19[%swap3A_260], %min3A_259 {strides = array<i32>} : memref<128xi32, #tpu.memory_space<vmem>>, vector<16xi32>,
      %get3A_262 = arith.constant 64 : index
      %get3A_263 = tpu.vector_load %arg11[%get3A_262] {strides = array<i32>} : memref<128xi32, #tpu.memory_space<vmem>>, vector<16xi32>,
      %get3A_264 = arith.constant 64 : index
      %get3A_265 = tpu.vector_load %arg12[%get3A_264] {strides = array<i32>} : memref<128xf32, #tpu.memory_space<vmem>>, vector<16xf32>,
      %get3A_266 = arith.constant 64 : index
      %get3A_267 = tpu.vector_load %arg13[%get3A_266] {strides = array<i32>} : memref<128xf32, #tpu.memory_space<vmem>>, vector<16xf32>,
      %mul3A_268 = arith.mulf %get3A_265, %get3A_267 : vector<16xf32>
      %ge3A_269 = vector.broadcast %mul3A_2 : i32 to vector<16xi32>
      %ge3A_270 = arith.cmpi sge, %get3A_263, %ge3A_269 : vector<16xi32>
      %add3A_271 = arith.constant 640 : i32
      %add3A_272 = arith.addi %mul3A_2, %add3A_271 : i32
      %lt3A_273 = vector.broadcast %add3A_272 : i32 to vector<16xi32>
      %lt3A_274 = arith.cmpi slt, %get3A_263, %lt3A_273 : vector<16xi32>
      %and3A_275 = arith.andi %ge3A_270, %lt3A_274 : vector<16xi1>
      %jit3A_276 = arith.constant 0.000000e+00 : f32
      %broadcast_in_dim3A_277 = vector.broadcast %jit3A_276 : f32 to vector<16xf32>
      %select_n3A_278 = arith.select %and3A_275, %mul3A_268, %broadcast_in_dim3A_277 : vector<16xi1>, vector<16xf32>
      %swap3A_279 = arith.constant 64 : index
      %swap3A_280 = tpu.vector_load %arg18[%swap3A_279] {strides = array<i32>} : memref<128xf32, #tpu.memory_space<vmem>>, vector<16xf32>,
      tpu.vector_store %arg18[%swap3A_279], %select_n3A_278 {strides = array<i32>} : memref<128xf32, #tpu.memory_space<vmem>>, vector<16xf32>,
      %sub3A_281 = vector.broadcast %mul3A_2 : i32 to vector<16xi32>
      %sub3A_282 = arith.subi %get3A_263, %sub3A_281 : vector<16xi32>
      %jit3A_283 = arith.constant 0 : i32
      %jit3A_284 = arith.constant 639 : i32
      %max3A_285 = vector.broadcast %jit3A_283 : i32 to vector<16xi32>
      %max3A_286 = arith.maxsi %max3A_285, %sub3A_282 : vector<16xi32>
      %min3A_287 = vector.broadcast %jit3A_284 : i32 to vector<16xi32>
      %min3A_288 = arith.minsi %min3A_287, %max3A_286 : vector<16xi32>
      %swap3A_289 = arith.constant 64 : index
      %swap3A_290 = tpu.vector_load %arg19[%swap3A_289] {strides = array<i32>} : memref<128xi32, #tpu.memory_space<vmem>>, vector<16xi32>,
      tpu.vector_store %arg19[%swap3A_289], %min3A_288 {strides = array<i32>} : memref<128xi32, #tpu.memory_space<vmem>>, vector<16xi32>,
      %get3A_291 = arith.constant 80 : index
      %get3A_292 = tpu.vector_load %arg11[%get3A_291] {strides = array<i32>} : memref<128xi32, #tpu.memory_space<vmem>>, vector<16xi32>,
      %get3A_293 = arith.constant 80 : index
      %get3A_294 = tpu.vector_load %arg12[%get3A_293] {strides = array<i32>} : memref<128xf32, #tpu.memory_space<vmem>>, vector<16xf32>,
      %get3A_295 = arith.constant 80 : index
      %get3A_296 = tpu.vector_load %arg13[%get3A_295] {strides = array<i32>} : memref<128xf32, #tpu.memory_space<vmem>>, vector<16xf32>,
      %mul3A_297 = arith.mulf %get3A_294, %get3A_296 : vector<16xf32>
      %ge3A_298 = vector.broadcast %mul3A_2 : i32 to vector<16xi32>
      %ge3A_299 = arith.cmpi sge, %get3A_292, %ge3A_298 : vector<16xi32>
      %add3A_300 = arith.constant 640 : i32
      %add3A_301 = arith.addi %mul3A_2, %add3A_300 : i32
      %lt3A_302 = vector.broadcast %add3A_301 : i32 to vector<16xi32>
      %lt3A_303 = arith.cmpi slt, %get3A_292, %lt3A_302 : vector<16xi32>
      %and3A_304 = arith.andi %ge3A_299, %lt3A_303 : vector<16xi1>
      %jit3A_305 = arith.constant 0.000000e+00 : f32
      %broadcast_in_dim3A_306 = vector.broadcast %jit3A_305 : f32 to vector<16xf32>
      %select_n3A_307 = arith.select %and3A_304, %mul3A_297, %broadcast_in_dim3A_306 : vector<16xi1>, vector<16xf32>
      %swap3A_308 = arith.constant 80 : index
      %swap3A_309 = tpu.vector_load %arg18[%swap3A_308] {strides = array<i32>} : memref<128xf32, #tpu.memory_space<vmem>>, vector<16xf32>,
      tpu.vector_store %arg18[%swap3A_308], %select_n3A_307 {strides = array<i32>} : memref<128xf32, #tpu.memory_space<vmem>>, vector<16xf32>,
      %sub3A_310 = vector.broadcast %mul3A_2 : i32 to vector<16xi32>
      %sub3A_311 = arith.subi %get3A_292, %sub3A_310 : vector<16xi32>
      %jit3A_312 = arith.constant 0 : i32
      %jit3A_313 = arith.constant 639 : i32
      %max3A_314 = vector.broadcast %jit3A_312 : i32 to vector<16xi32>
      %max3A_315 = arith.maxsi %max3A_314, %sub3A_311 : vector<16xi32>
      %min3A_316 = vector.broadcast %jit3A_313 : i32 to vector<16xi32>
      %min3A_317 = arith.minsi %min3A_316, %max3A_315 : vector<16xi32>
      %swap3A_318 = arith.constant 80 : index
      %swap3A_319 = tpu.vector_load %arg19[%swap3A_318] {strides = array<i32>} : memref<128xi32, #tpu.memory_space<vmem>>, vector<16xi32>,
      tpu.vector_store %arg19[%swap3A_318], %min3A_317 {strides = array<i32>} : memref<128xi32, #tpu.memory_space<vmem>>, vector<16xi32>,
      %get3A_320 = arith.constant 96 : index
      %get3A_321 = tpu.vector_load %arg11[%get3A_320] {strides = array<i32>} : memref<128xi32, #tpu.memory_space<vmem>>, vector<16xi32>,
      %get3A_322 = arith.constant 96 : index
      %get3A_323 = tpu.vector_load %arg12[%get3A_322] {strides = array<i32>} : memref<128xf32, #tpu.memory_space<vmem>>, vector<16xf32>,
      %get3A_324 = arith.constant 96 : index
      %get3A_325 = tpu.vector_load %arg13[%get3A_324] {strides = array<i32>} : memref<128xf32, #tpu.memory_space<vmem>>, vector<16xf32>,
      %mul3A_326 = arith.mulf %get3A_323, %get3A_325 : vector<16xf32>
      %ge3A_327 = vector.broadcast %mul3A_2 : i32 to vector<16xi32>
      %ge3A_328 = arith.cmpi sge, %get3A_321, %ge3A_327 : vector<16xi32>
      %add3A_329 = arith.constant 640 : i32
      %add3A_330 = arith.addi %mul3A_2, %add3A_329 : i32
      %lt3A_331 = vector.broadcast %add3A_330 : i32 to vector<16xi32>
      %lt3A_332 = arith.cmpi slt, %get3A_321, %lt3A_331 : vector<16xi32>
      %and3A_333 = arith.andi %ge3A_328, %lt3A_332 : vector<16xi1>
      %jit3A_334 = arith.constant 0.000000e+00 : f32
      %broadcast_in_dim3A_335 = vector.broadcast %jit3A_334 : f32 to vector<16xf32>
      %select_n3A_336 = arith.select %and3A_333, %mul3A_326, %broadcast_in_dim3A_335 : vector<16xi1>, vector<16xf32>
      %swap3A_337 = arith.constant 96 : index
      %swap3A_338 = tpu.vector_load %arg18[%swap3A_337] {strides = array<i32>} : memref<128xf32, #tpu.memory_space<vmem>>, vector<16xf32>,
      tpu.vector_store %arg18[%swap3A_337], %select_n3A_336 {strides = array<i32>} : memref<128xf32, #tpu.memory_space<vmem>>, vector<16xf32>,
      %sub3A_339 = vector.broadcast %mul3A_2 : i32 to vector<16xi32>
      %sub3A_340 = arith.subi %get3A_321, %sub3A_339 : vector<16xi32>
      %jit3A_341 = arith.constant 0 : i32
      %jit3A_342 = arith.constant 639 : i32
      %max3A_343 = vector.broadcast %jit3A_341 : i32 to vector<16xi32>
      %max3A_344 = arith.maxsi %max3A_343, %sub3A_340 : vector<16xi32>
      %min3A_345 = vector.broadcast %jit3A_342 : i32 to vector<16xi32>
      %min3A_346 = arith.minsi %min3A_345, %max3A_344 : vector<16xi32>
      %swap3A_347 = arith.constant 96 : index
      %swap3A_348 = tpu.vector_load %arg19[%swap3A_347] {strides = array<i32>} : memref<128xi32, #tpu.memory_space<vmem>>, vector<16xi32>,
      tpu.vector_store %arg19[%swap3A_347], %min3A_346 {strides = array<i32>} : memref<128xi32, #tpu.memory_space<vmem>>, vector<16xi32>,
      %get3A_349 = arith.constant 112 : index
      %get3A_350 = tpu.vector_load %arg11[%get3A_349] {strides = array<i32>} : memref<128xi32, #tpu.memory_space<vmem>>, vector<16xi32>,
      %get3A_351 = arith.constant 112 : index
      %get3A_352 = tpu.vector_load %arg12[%get3A_351] {strides = array<i32>} : memref<128xf32, #tpu.memory_space<vmem>>, vector<16xf32>,
      %get3A_353 = arith.constant 112 : index
      %get3A_354 = tpu.vector_load %arg13[%get3A_353] {strides = array<i32>} : memref<128xf32, #tpu.memory_space<vmem>>, vector<16xf32>,
      %mul3A_355 = arith.mulf %get3A_352, %get3A_354 : vector<16xf32>
      %ge3A_356 = vector.broadcast %mul3A_2 : i32 to vector<16xi32>
      %ge3A_357 = arith.cmpi sge, %get3A_350, %ge3A_356 : vector<16xi32>
      %add3A_358 = arith.constant 640 : i32
      %add3A_359 = arith.addi %mul3A_2, %add3A_358 : i32
      %lt3A_360 = vector.broadcast %add3A_359 : i32 to vector<16xi32>
      %lt3A_361 = arith.cmpi slt, %get3A_350, %lt3A_360 : vector<16xi32>
      %and3A_362 = arith.andi %ge3A_357, %lt3A_361 : vector<16xi1>
      %jit3A_363 = arith.constant 0.000000e+00 : f32
      %broadcast_in_dim3A_364 = vector.broadcast %jit3A_363 : f32 to vector<16xf32>
      %select_n3A_365 = arith.select %and3A_362, %mul3A_355, %broadcast_in_dim3A_364 : vector<16xi1>, vector<16xf32>
      %swap3A_366 = arith.constant 112 : index
      %swap3A_367 = tpu.vector_load %arg18[%swap3A_366] {strides = array<i32>} : memref<128xf32, #tpu.memory_space<vmem>>, vector<16xf32>,
      tpu.vector_store %arg18[%swap3A_366], %select_n3A_365 {strides = array<i32>} : memref<128xf32, #tpu.memory_space<vmem>>, vector<16xf32>,
      %sub3A_368 = vector.broadcast %mul3A_2 : i32 to vector<16xi32>
      %sub3A_369 = arith.subi %get3A_350, %sub3A_368 : vector<16xi32>
      %jit3A_370 = arith.constant 0 : i32
      %jit3A_371 = arith.constant 639 : i32
      %max3A_372 = vector.broadcast %jit3A_370 : i32 to vector<16xi32>
      %max3A_373 = arith.maxsi %max3A_372, %sub3A_369 : vector<16xi32>
      %min3A_374 = vector.broadcast %jit3A_371 : i32 to vector<16xi32>
      %min3A_375 = arith.minsi %min3A_374, %max3A_373 : vector<16xi32>
      %swap3A_376 = arith.constant 112 : index
      %swap3A_377 = tpu.vector_load %arg19[%swap3A_376] {strides = array<i32>} : memref<128xi32, #tpu.memory_space<vmem>>, vector<16xi32>,
      tpu.vector_store %arg19[%swap3A_376], %min3A_375 {strides = array<i32>} : memref<128xi32, #tpu.memory_space<vmem>>, vector<16xi32>,
      %dma_wait3A_378 = arith.constant 0 : i32
      %dma_wait3A_379 = arith.constant 0 : i32
      %dma_wait3A_380 = tpu.memref_slice %arg2[%dma_wait3A_378, %dma_wait3A_379] : memref<10000x128xf32, #tpu.memory_space<hbm>> -> memref<10000x128xf32, #tpu.memory_space<hbm>>
      tpu.wait_indirect_dma semaphore(%arg25 : memref<!tpu.dma_semaphore, #tpu.memory_space<semaphore_mem>>) src(%dma_wait3A_380 : memref<10000x128xf32, #tpu.memory_space<hbm>>) dst(%arg20 : memref<128x128xf32, #tpu.memory_space<vmem>>)
      %add3A_381 = arith.constant 2 : i32
      %add3A_382 = arith.addi %mul3A_135, %add3A_381 : i32
      %add3A_383 = arith.addi %mul3A_51, %reduce_max3A_9 : i32
      %mul3A_384 = arith.constant 128 : i32
      %mul3A_385 = arith.muli %add3A_382, %mul3A_384 : i32
      %add3A_386 = arith.addi %add3A_383, %mul3A_385 : i32
      %multiple_of3A_387 = tpu.assume_multiple %add3A_386, 8 : i32
      %dma_start3A_388 = tpu.memref_slice %arg4[%multiple_of3A_387] : memref<641024xi32, #tpu.memory_space<hbm>> -> memref<128xi32, #tpu.memory_space<hbm>>
      %dma_start3A_389 = tpu.memref_slice %arg4[%multiple_of3A_387] : memref<641024xi32, #tpu.memory_space<hbm>> -> memref<128xi32, #tpu.memory_space<hbm>>
      tpu.enqueue_dma source(%dma_start3A_389 : memref<128xi32, #tpu.memory_space<hbm>>) target(%arg10 : memref<128xi32, #tpu.memory_space<vmem>>) target_semaphore(%arg23 : memref<!tpu.dma_semaphore, #tpu.memory_space<semaphore_mem>>)
      %dma_start3A_390 = tpu.memref_slice %arg3[%multiple_of3A_387] : memref<641024xi32, #tpu.memory_space<hbm>> -> memref<128xi32, #tpu.memory_space<hbm>>
      %dma_start3A_391 = tpu.memref_slice %arg3[%multiple_of3A_387] : memref<641024xi32, #tpu.memory_space<hbm>> -> memref<128xi32, #tpu.memory_space<hbm>>
      tpu.enqueue_dma source(%dma_start3A_391 : memref<128xi32, #tpu.memory_space<hbm>>) target(%arg11 : memref<128xi32, #tpu.memory_space<vmem>>) target_semaphore(%arg23 : memref<!tpu.dma_semaphore, #tpu.memory_space<semaphore_mem>>)
      %dma_start3A_392 = tpu.memref_slice %arg5[%multiple_of3A_387] : memref<641024xf32, #tpu.memory_space<hbm>> -> memref<128xf32, #tpu.memory_space<hbm>>
      %dma_start3A_393 = tpu.memref_slice %arg5[%multiple_of3A_387] : memref<641024xf32, #tpu.memory_space<hbm>> -> memref<128xf32, #tpu.memory_space<hbm>>
      tpu.enqueue_dma source(%dma_start3A_393 : memref<128xf32, #tpu.memory_space<hbm>>) target(%arg12 : memref<128xf32, #tpu.memory_space<vmem>>) target_semaphore(%arg23 : memref<!tpu.dma_semaphore, #tpu.memory_space<semaphore_mem>>)
      %dma_start3A_394 = tpu.memref_slice %arg6[%multiple_of3A_387] : memref<641024xf32, #tpu.memory_space<hbm>> -> memref<128xf32, #tpu.memory_space<hbm>>
      %dma_start3A_395 = tpu.memref_slice %arg6[%multiple_of3A_387] : memref<641024xf32, #tpu.memory_space<hbm>> -> memref<128xf32, #tpu.memory_space<hbm>>
      tpu.enqueue_dma source(%dma_start3A_395 : memref<128xf32, #tpu.memory_space<hbm>>) target(%arg13 : memref<128xf32, #tpu.memory_space<vmem>>) target_semaphore(%arg23 : memref<!tpu.dma_semaphore, #tpu.memory_space<semaphore_mem>>)
      %parallel_loop3A_396 = arith.constant 0 : i32
      %parallel_loop3A_397 = arith.constant 128 : i32
      %parallel_loop3A_398 = arith.constant 1 : i32
      scf.for %parallel_loop3A_675 = %parallel_loop3A_396 to %parallel_loop3A_397 step %parallel_loop3A_398  : i32 {
        %parallel_loop3A_676 = vector.broadcast %parallel_loop3A_675 : i32 to vector<16xi32>
        %parallel_loop3A_677 = tpu.vector_load_idx %arg18[%parallel_loop3A_676] : memref<128xf32, #tpu.memory_space<vmem>>[vector<16xi32>], vector<16xf32>,
        %parallel_loop3A_678 = tpu.vector_load_idx %arg19[%parallel_loop3A_676] : memref<128xi32, #tpu.memory_space<vmem>>[vector<16xi32>], vector<16xi32>,
        %parallel_loop3A_679 = tpu.vector_load_idx %arg20[%parallel_loop3A_676, %add3A_24] : memref<128x128xf32, #tpu.memory_space<vmem>>[vector<16xi32>, vector<16xi32>], vector<16xf32>,
        %parallel_loop3A_680 = arith.mulf %parallel_loop3A_679, %parallel_loop3A_677 : vector<16xf32>
        tpu.vector_store_idx %arg22[%parallel_loop3A_678, %add3A_24], %parallel_loop3A_680 {add = true} : memref<640x128xf32, #tpu.memory_space<vmem>>[vector<16xi32>, vector<16xi32>], vector<16xf32>,
        %parallel_loop3A_681 = tpu.vector_load_idx %arg20[%parallel_loop3A_676, %add3A_27] : memref<128x128xf32, #tpu.memory_space<vmem>>[vector<16xi32>, vector<16xi32>], vector<16xf32>,
        %parallel_loop3A_682 = arith.mulf %parallel_loop3A_681, %parallel_loop3A_677 : vector<16xf32>
        tpu.vector_store_idx %arg22[%parallel_loop3A_678, %add3A_27], %parallel_loop3A_682 {add = true} : memref<640x128xf32, #tpu.memory_space<vmem>>[vector<16xi32>, vector<16xi32>], vector<16xf32>,
        %parallel_loop3A_683 = tpu.vector_load_idx %arg20[%parallel_loop3A_676, %add3A_30] : memref<128x128xf32, #tpu.memory_space<vmem>>[vector<16xi32>, vector<16xi32>], vector<16xf32>,
        %parallel_loop3A_684 = arith.mulf %parallel_loop3A_683, %parallel_loop3A_677 : vector<16xf32>
        tpu.vector_store_idx %arg22[%parallel_loop3A_678, %add3A_30], %parallel_loop3A_684 {add = true} : memref<640x128xf32, #tpu.memory_space<vmem>>[vector<16xi32>, vector<16xi32>], vector<16xf32>,
        %parallel_loop3A_685 = tpu.vector_load_idx %arg20[%parallel_loop3A_676, %add3A_33] : memref<128x128xf32, #tpu.memory_space<vmem>>[vector<16xi32>, vector<16xi32>], vector<16xf32>,
        %parallel_loop3A_686 = arith.mulf %parallel_loop3A_685, %parallel_loop3A_677 : vector<16xf32>
        tpu.vector_store_idx %arg22[%parallel_loop3A_678, %add3A_33], %parallel_loop3A_686 {add = true} : memref<640x128xf32, #tpu.memory_space<vmem>>[vector<16xi32>, vector<16xi32>], vector<16xf32>,
        %parallel_loop3A_687 = tpu.vector_load_idx %arg20[%parallel_loop3A_676, %add3A_36] : memref<128x128xf32, #tpu.memory_space<vmem>>[vector<16xi32>, vector<16xi32>], vector<16xf32>,
        %parallel_loop3A_688 = arith.mulf %parallel_loop3A_687, %parallel_loop3A_677 : vector<16xf32>
        tpu.vector_store_idx %arg22[%parallel_loop3A_678, %add3A_36], %parallel_loop3A_688 {add = true} : memref<640x128xf32, #tpu.memory_space<vmem>>[vector<16xi32>, vector<16xi32>], vector<16xf32>,
        %parallel_loop3A_689 = tpu.vector_load_idx %arg20[%parallel_loop3A_676, %add3A_39] : memref<128x128xf32, #tpu.memory_space<vmem>>[vector<16xi32>, vector<16xi32>], vector<16xf32>,
        %parallel_loop3A_690 = arith.mulf %parallel_loop3A_689, %parallel_loop3A_677 : vector<16xf32>
        tpu.vector_store_idx %arg22[%parallel_loop3A_678, %add3A_39], %parallel_loop3A_690 {add = true} : memref<640x128xf32, #tpu.memory_space<vmem>>[vector<16xi32>, vector<16xi32>], vector<16xf32>,
        %parallel_loop3A_691 = tpu.vector_load_idx %arg20[%parallel_loop3A_676, %add3A_42] : memref<128x128xf32, #tpu.memory_space<vmem>>[vector<16xi32>, vector<16xi32>], vector<16xf32>,
        %parallel_loop3A_692 = arith.mulf %parallel_loop3A_691, %parallel_loop3A_677 : vector<16xf32>
        tpu.vector_store_idx %arg22[%parallel_loop3A_678, %add3A_42], %parallel_loop3A_692 {add = true} : memref<640x128xf32, #tpu.memory_space<vmem>>[vector<16xi32>, vector<16xi32>], vector<16xf32>,
        %parallel_loop3A_693 = tpu.vector_load_idx %arg20[%parallel_loop3A_676, %add3A_45] : memref<128x128xf32, #tpu.memory_space<vmem>>[vector<16xi32>, vector<16xi32>], vector<16xf32>,
        %parallel_loop3A_694 = arith.mulf %parallel_loop3A_693, %parallel_loop3A_677 : vector<16xf32>
        tpu.vector_store_idx %arg22[%parallel_loop3A_678, %add3A_45], %parallel_loop3A_694 {add = true} : memref<640x128xf32, #tpu.memory_space<vmem>>[vector<16xi32>, vector<16xi32>], vector<16xf32>,
      } {sc.loop_unroll_factor = 8 : i64, sc.parallel_access}
      %mul3A_399 = arith.constant 2 : i32
      %mul3A_400 = arith.muli %mul3A_399, %add3A_133 : i32
      %add3A_401 = arith.constant 1 : i32
      %add3A_402 = arith.addi %mul3A_400, %add3A_401 : i32
      %dma_wait3A_403 = arith.constant 0 : i32
      %dma_wait3A_404 = tpu.memref_slice %arg4[%dma_wait3A_403] : memref<641024xi32, #tpu.memory_space<hbm>> -> memref<128xi32, #tpu.memory_space<hbm>>
      %dma_wait3A_405 = arith.constant 0 : i32
      %dma_wait3A_406 = tpu.memref_slice %arg4[%dma_wait3A_405] : memref<641024xi32, #tpu.memory_space<hbm>> -> memref<128xi32, #tpu.memory_space<hbm>>
      tpu.wait_dma2 semaphore(%arg23 : memref<!tpu.dma_semaphore, #tpu.memory_space<semaphore_mem>>) src(%dma_wait3A_406 : memref<128xi32, #tpu.memory_space<hbm>>) dst(%arg10 : memref<128xi32, #tpu.memory_space<vmem>>)
      %dma_wait3A_407 = arith.constant 0 : i32
      %dma_wait3A_408 = tpu.memref_slice %arg3[%dma_wait3A_407] : memref<641024xi32, #tpu.memory_space<hbm>> -> memref<128xi32, #tpu.memory_space<hbm>>
      %dma_wait3A_409 = arith.constant 0 : i32
      %dma_wait3A_410 = tpu.memref_slice %arg3[%dma_wait3A_409] : memref<641024xi32, #tpu.memory_space<hbm>> -> memref<128xi32, #tpu.memory_space<hbm>>
      tpu.wait_dma2 semaphore(%arg23 : memref<!tpu.dma_semaphore, #tpu.memory_space<semaphore_mem>>) src(%dma_wait3A_410 : memref<128xi32, #tpu.memory_space<hbm>>) dst(%arg11 : memref<128xi32, #tpu.memory_space<vmem>>)
      %dma_wait3A_411 = arith.constant 0 : i32
      %dma_wait3A_412 = tpu.memref_slice %arg5[%dma_wait3A_411] : memref<641024xf32, #tpu.memory_space<hbm>> -> memref<128xf32, #tpu.memory_space<hbm>>
      %dma_wait3A_413 = arith.constant 0 : i32
      %dma_wait3A_414 = tpu.memref_slice %arg5[%dma_wait3A_413] : memref<641024xf32, #tpu.memory_space<hbm>> -> memref<128xf32, #tpu.memory_space<hbm>>
      tpu.wait_dma2 semaphore(%arg23 : memref<!tpu.dma_semaphore, #tpu.memory_space<semaphore_mem>>) src(%dma_wait3A_414 : memref<128xf32, #tpu.memory_space<hbm>>) dst(%arg12 : memref<128xf32, #tpu.memory_space<vmem>>)
      %dma_wait3A_415 = arith.constant 0 : i32
      %dma_wait3A_416 = tpu.memref_slice %arg6[%dma_wait3A_415] : memref<641024xf32, #tpu.memory_space<hbm>> -> memref<128xf32, #tpu.memory_space<hbm>>
      %dma_wait3A_417 = arith.constant 0 : i32
      %dma_wait3A_418 = tpu.memref_slice %arg6[%dma_wait3A_417] : memref<641024xf32, #tpu.memory_space<hbm>> -> memref<128xf32, #tpu.memory_space<hbm>>
      tpu.wait_dma2 semaphore(%arg23 : memref<!tpu.dma_semaphore, #tpu.memory_space<semaphore_mem>>) src(%dma_wait3A_418 : memref<128xf32, #tpu.memory_space<hbm>>) dst(%arg13 : memref<128xf32, #tpu.memory_space<vmem>>)
      %dma_start3A_419 = arith.constant 0 : i32
      %dma_start3A_420 = arith.constant 0 : i32
      %dma_start3A_421 = tpu.memref_slice %arg2[%dma_start3A_419, %dma_start3A_420] : memref<10000x128xf32, #tpu.memory_space<hbm>> -> memref<10000x128xf32, #tpu.memory_space<hbm>>
      tpu.enqueue_indirect_dma source(%dma_start3A_421 : memref<10000x128xf32, #tpu.memory_space<hbm>>) target(%arg20 : memref<128x128xf32, #tpu.memory_space<vmem>>) offsets(%arg10 : memref<128xi32, #tpu.memory_space<vmem>>) semaphore(%arg25 : memref<!tpu.dma_semaphore, #tpu.memory_space<semaphore_mem>>)
      %get3A_422 = arith.constant 0 : index
      %get3A_423 = tpu.vector_load %arg15[%get3A_422] {strides = array<i32>} : memref<128xi32, #tpu.memory_space<vmem>>, vector<16xi32>,
      %get3A_424 = arith.constant 0 : index
      %get3A_425 = tpu.vector_load %arg16[%get3A_424] {strides = array<i32>} : memref<128xf32, #tpu.memory_space<vmem>>, vector<16xf32>,
      %get3A_426 = arith.constant 0 : index
      %get3A_427 = tpu.vector_load %arg17[%get3A_426] {strides = array<i32>} : memref<128xf32, #tpu.memory_space<vmem>>, vector<16xf32>,
      %mul3A_428 = arith.mulf %get3A_425, %get3A_427 : vector<16xf32>
      %ge3A_429 = vector.broadcast %mul3A_2 : i32 to vector<16xi32>
      %ge3A_430 = arith.cmpi sge, %get3A_423, %ge3A_429 : vector<16xi32>
      %add3A_431 = arith.constant 640 : i32
      %add3A_432 = arith.addi %mul3A_2, %add3A_431 : i32
      %lt3A_433 = vector.broadcast %add3A_432 : i32 to vector<16xi32>
      %lt3A_434 = arith.cmpi slt, %get3A_423, %lt3A_433 : vector<16xi32>
      %and3A_435 = arith.andi %ge3A_430, %lt3A_434 : vector<16xi1>
      %jit3A_436 = arith.constant 0.000000e+00 : f32
      %broadcast_in_dim3A_437 = vector.broadcast %jit3A_436 : f32 to vector<16xf32>
      %select_n3A_438 = arith.select %and3A_435, %mul3A_428, %broadcast_in_dim3A_437 : vector<16xi1>, vector<16xf32>
      %swap3A_439 = arith.constant 0 : index
      %swap3A_440 = tpu.vector_load %arg18[%swap3A_439] {strides = array<i32>} : memref<128xf32, #tpu.memory_space<vmem>>, vector<16xf32>,
      tpu.vector_store %arg18[%swap3A_439], %select_n3A_438 {strides = array<i32>} : memref<128xf32, #tpu.memory_space<vmem>>, vector<16xf32>,
      %sub3A_441 = vector.broadcast %mul3A_2 : i32 to vector<16xi32>
      %sub3A_442 = arith.subi %get3A_423, %sub3A_441 : vector<16xi32>
      %jit3A_443 = arith.constant 0 : i32
      %jit3A_444 = arith.constant 639 : i32
      %max3A_445 = vector.broadcast %jit3A_443 : i32 to vector<16xi32>
      %max3A_446 = arith.maxsi %max3A_445, %sub3A_442 : vector<16xi32>
      %min3A_447 = vector.broadcast %jit3A_444 : i32 to vector<16xi32>
      %min3A_448 = arith.minsi %min3A_447, %max3A_446 : vector<16xi32>
      %swap3A_449 = arith.constant 0 : index
      %swap3A_450 = tpu.vector_load %arg19[%swap3A_449] {strides = array<i32>} : memref<128xi32, #tpu.memory_space<vmem>>, vector<16xi32>,
      tpu.vector_store %arg19[%swap3A_449], %min3A_448 {strides = array<i32>} : memref<128xi32, #tpu.memory_space<vmem>>, vector<16xi32>,
      %get3A_451 = arith.constant 16 : index
      %get3A_452 = tpu.vector_load %arg15[%get3A_451] {strides = array<i32>} : memref<128xi32, #tpu.memory_space<vmem>>, vector<16xi32>,
      %get3A_453 = arith.constant 16 : index
      %get3A_454 = tpu.vector_load %arg16[%get3A_453] {strides = array<i32>} : memref<128xf32, #tpu.memory_space<vmem>>, vector<16xf32>,
      %get3A_455 = arith.constant 16 : index
      %get3A_456 = tpu.vector_load %arg17[%get3A_455] {strides = array<i32>} : memref<128xf32, #tpu.memory_space<vmem>>, vector<16xf32>,
      %mul3A_457 = arith.mulf %get3A_454, %get3A_456 : vector<16xf32>
      %ge3A_458 = vector.broadcast %mul3A_2 : i32 to vector<16xi32>
      %ge3A_459 = arith.cmpi sge, %get3A_452, %ge3A_458 : vector<16xi32>
      %add3A_460 = arith.constant 640 : i32
      %add3A_461 = arith.addi %mul3A_2, %add3A_460 : i32
      %lt3A_462 = vector.broadcast %add3A_461 : i32 to vector<16xi32>
      %lt3A_463 = arith.cmpi slt, %get3A_452, %lt3A_462 : vector<16xi32>
      %and3A_464 = arith.andi %ge3A_459, %lt3A_463 : vector<16xi1>
      %jit3A_465 = arith.constant 0.000000e+00 : f32
      %broadcast_in_dim3A_466 = vector.broadcast %jit3A_465 : f32 to vector<16xf32>
      %select_n3A_467 = arith.select %and3A_464, %mul3A_457, %broadcast_in_dim3A_466 : vector<16xi1>, vector<16xf32>
      %swap3A_468 = arith.constant 16 : index
      %swap3A_469 = tpu.vector_load %arg18[%swap3A_468] {strides = array<i32>} : memref<128xf32, #tpu.memory_space<vmem>>, vector<16xf32>,
      tpu.vector_store %arg18[%swap3A_468], %select_n3A_467 {strides = array<i32>} : memref<128xf32, #tpu.memory_space<vmem>>, vector<16xf32>,
      %sub3A_470 = vector.broadcast %mul3A_2 : i32 to vector<16xi32>
      %sub3A_471 = arith.subi %get3A_452, %sub3A_470 : vector<16xi32>
      %jit3A_472 = arith.constant 0 : i32
      %jit3A_473 = arith.constant 639 : i32
      %max3A_474 = vector.broadcast %jit3A_472 : i32 to vector<16xi32>
      %max3A_475 = arith.maxsi %max3A_474, %sub3A_471 : vector<16xi32>
      %min3A_476 = vector.broadcast %jit3A_473 : i32 to vector<16xi32>
      %min3A_477 = arith.minsi %min3A_476, %max3A_475 : vector<16xi32>
      %swap3A_478 = arith.constant 16 : index
      %swap3A_479 = tpu.vector_load %arg19[%swap3A_478] {strides = array<i32>} : memref<128xi32, #tpu.memory_space<vmem>>, vector<16xi32>,
      tpu.vector_store %arg19[%swap3A_478], %min3A_477 {strides = array<i32>} : memref<128xi32, #tpu.memory_space<vmem>>, vector<16xi32>,
      %get3A_480 = arith.constant 32 : index
      %get3A_481 = tpu.vector_load %arg15[%get3A_480] {strides = array<i32>} : memref<128xi32, #tpu.memory_space<vmem>>, vector<16xi32>,
      %get3A_482 = arith.constant 32 : index
      %get3A_483 = tpu.vector_load %arg16[%get3A_482] {strides = array<i32>} : memref<128xf32, #tpu.memory_space<vmem>>, vector<16xf32>,
      %get3A_484 = arith.constant 32 : index
      %get3A_485 = tpu.vector_load %arg17[%get3A_484] {strides = array<i32>} : memref<128xf32, #tpu.memory_space<vmem>>, vector<16xf32>,
      %mul3A_486 = arith.mulf %get3A_483, %get3A_485 : vector<16xf32>
      %ge3A_487 = vector.broadcast %mul3A_2 : i32 to vector<16xi32>
      %ge3A_488 = arith.cmpi sge, %get3A_481, %ge3A_487 : vector<16xi32>
      %add3A_489 = arith.constant 640 : i32
      %add3A_490 = arith.addi %mul3A_2, %add3A_489 : i32
      %lt3A_491 = vector.broadcast %add3A_490 : i32 to vector<16xi32>
      %lt3A_492 = arith.cmpi slt, %get3A_481, %lt3A_491 : vector<16xi32>
      %and3A_493 = arith.andi %ge3A_488, %lt3A_492 : vector<16xi1>
      %jit3A_494 = arith.constant 0.000000e+00 : f32
      %broadcast_in_dim3A_495 = vector.broadcast %jit3A_494 : f32 to vector<16xf32>
      %select_n3A_496 = arith.select %and3A_493, %mul3A_486, %broadcast_in_dim3A_495 : vector<16xi1>, vector<16xf32>
      %swap3A_497 = arith.constant 32 : index
      %swap3A_498 = tpu.vector_load %arg18[%swap3A_497] {strides = array<i32>} : memref<128xf32, #tpu.memory_space<vmem>>, vector<16xf32>,
      tpu.vector_store %arg18[%swap3A_497], %select_n3A_496 {strides = array<i32>} : memref<128xf32, #tpu.memory_space<vmem>>, vector<16xf32>,
      %sub3A_499 = vector.broadcast %mul3A_2 : i32 to vector<16xi32>
      %sub3A_500 = arith.subi %get3A_481, %sub3A_499 : vector<16xi32>
      %jit3A_501 = arith.constant 0 : i32
      %jit3A_502 = arith.constant 639 : i32
      %max3A_503 = vector.broadcast %jit3A_501 : i32 to vector<16xi32>
      %max3A_504 = arith.maxsi %max3A_503, %sub3A_500 : vector<16xi32>
      %min3A_505 = vector.broadcast %jit3A_502 : i32 to vector<16xi32>
      %min3A_506 = arith.minsi %min3A_505, %max3A_504 : vector<16xi32>
      %swap3A_507 = arith.constant 32 : index
      %swap3A_508 = tpu.vector_load %arg19[%swap3A_507] {strides = array<i32>} : memref<128xi32, #tpu.memory_space<vmem>>, vector<16xi32>,
      tpu.vector_store %arg19[%swap3A_507], %min3A_506 {strides = array<i32>} : memref<128xi32, #tpu.memory_space<vmem>>, vector<16xi32>,
      %get3A_509 = arith.constant 48 : index
      %get3A_510 = tpu.vector_load %arg15[%get3A_509] {strides = array<i32>} : memref<128xi32, #tpu.memory_space<vmem>>, vector<16xi32>,
      %get3A_511 = arith.constant 48 : index
      %get3A_512 = tpu.vector_load %arg16[%get3A_511] {strides = array<i32>} : memref<128xf32, #tpu.memory_space<vmem>>, vector<16xf32>,
      %get3A_513 = arith.constant 48 : index
      %get3A_514 = tpu.vector_load %arg17[%get3A_513] {strides = array<i32>} : memref<128xf32, #tpu.memory_space<vmem>>, vector<16xf32>,
      %mul3A_515 = arith.mulf %get3A_512, %get3A_514 : vector<16xf32>
      %ge3A_516 = vector.broadcast %mul3A_2 : i32 to vector<16xi32>
      %ge3A_517 = arith.cmpi sge, %get3A_510, %ge3A_516 : vector<16xi32>
      %add3A_518 = arith.constant 640 : i32
      %add3A_519 = arith.addi %mul3A_2, %add3A_518 : i32
      %lt3A_520 = vector.broadcast %add3A_519 : i32 to vector<16xi32>
      %lt3A_521 = arith.cmpi slt, %get3A_510, %lt3A_520 : vector<16xi32>
      %and3A_522 = arith.andi %ge3A_517, %lt3A_521 : vector<16xi1>
      %jit3A_523 = arith.constant 0.000000e+00 : f32
      %broadcast_in_dim3A_524 = vector.broadcast %jit3A_523 : f32 to vector<16xf32>
      %select_n3A_525 = arith.select %and3A_522, %mul3A_515, %broadcast_in_dim3A_524 : vector<16xi1>, vector<16xf32>
      %swap3A_526 = arith.constant 48 : index
      %swap3A_527 = tpu.vector_load %arg18[%swap3A_526] {strides = array<i32>} : memref<128xf32, #tpu.memory_space<vmem>>, vector<16xf32>,
      tpu.vector_store %arg18[%swap3A_526], %select_n3A_525 {strides = array<i32>} : memref<128xf32, #tpu.memory_space<vmem>>, vector<16xf32>,
      %sub3A_528 = vector.broadcast %mul3A_2 : i32 to vector<16xi32>
      %sub3A_529 = arith.subi %get3A_510, %sub3A_528 : vector<16xi32>
      %jit3A_530 = arith.constant 0 : i32
      %jit3A_531 = arith.constant 639 : i32
      %max3A_532 = vector.broadcast %jit3A_530 : i32 to vector<16xi32>
      %max3A_533 = arith.maxsi %max3A_532, %sub3A_529 : vector<16xi32>
      %min3A_534 = vector.broadcast %jit3A_531 : i32 to vector<16xi32>
      %min3A_535 = arith.minsi %min3A_534, %max3A_533 : vector<16xi32>
      %swap3A_536 = arith.constant 48 : index
      %swap3A_537 = tpu.vector_load %arg19[%swap3A_536] {strides = array<i32>} : memref<128xi32, #tpu.memory_space<vmem>>, vector<16xi32>,
      tpu.vector_store %arg19[%swap3A_536], %min3A_535 {strides = array<i32>} : memref<128xi32, #tpu.memory_space<vmem>>, vector<16xi32>,
      %get3A_538 = arith.constant 64 : index
      %get3A_539 = tpu.vector_load %arg15[%get3A_538] {strides = array<i32>} : memref<128xi32, #tpu.memory_space<vmem>>, vector<16xi32>,
      %get3A_540 = arith.constant 64 : index
      %get3A_541 = tpu.vector_load %arg16[%get3A_540] {strides = array<i32>} : memref<128xf32, #tpu.memory_space<vmem>>, vector<16xf32>,
      %get3A_542 = arith.constant 64 : index
      %get3A_543 = tpu.vector_load %arg17[%get3A_542] {strides = array<i32>} : memref<128xf32, #tpu.memory_space<vmem>>, vector<16xf32>,
      %mul3A_544 = arith.mulf %get3A_541, %get3A_543 : vector<16xf32>
      %ge3A_545 = vector.broadcast %mul3A_2 : i32 to vector<16xi32>
      %ge3A_546 = arith.cmpi sge, %get3A_539, %ge3A_545 : vector<16xi32>
      %add3A_547 = arith.constant 640 : i32
      %add3A_548 = arith.addi %mul3A_2, %add3A_547 : i32
      %lt3A_549 = vector.broadcast %add3A_548 : i32 to vector<16xi32>
      %lt3A_550 = arith.cmpi slt, %get3A_539, %lt3A_549 : vector<16xi32>
      %and3A_551 = arith.andi %ge3A_546, %lt3A_550 : vector<16xi1>
      %jit3A_552 = arith.constant 0.000000e+00 : f32
      %broadcast_in_dim3A_553 = vector.broadcast %jit3A_552 : f32 to vector<16xf32>
      %select_n3A_554 = arith.select %and3A_551, %mul3A_544, %broadcast_in_dim3A_553 : vector<16xi1>, vector<16xf32>
      %swap3A_555 = arith.constant 64 : index
      %swap3A_556 = tpu.vector_load %arg18[%swap3A_555] {strides = array<i32>} : memref<128xf32, #tpu.memory_space<vmem>>, vector<16xf32>,
      tpu.vector_store %arg18[%swap3A_555], %select_n3A_554 {strides = array<i32>} : memref<128xf32, #tpu.memory_space<vmem>>, vector<16xf32>,
      %sub3A_557 = vector.broadcast %mul3A_2 : i32 to vector<16xi32>
      %sub3A_558 = arith.subi %get3A_539, %sub3A_557 : vector<16xi32>
      %jit3A_559 = arith.constant 0 : i32
      %jit3A_560 = arith.constant 639 : i32
      %max3A_561 = vector.broadcast %jit3A_559 : i32 to vector<16xi32>
      %max3A_562 = arith.maxsi %max3A_561, %sub3A_558 : vector<16xi32>
      %min3A_563 = vector.broadcast %jit3A_560 : i32 to vector<16xi32>
      %min3A_564 = arith.minsi %min3A_563, %max3A_562 : vector<16xi32>
      %swap3A_565 = arith.constant 64 : index
      %swap3A_566 = tpu.vector_load %arg19[%swap3A_565] {strides = array<i32>} : memref<128xi32, #tpu.memory_space<vmem>>, vector<16xi32>,
      tpu.vector_store %arg19[%swap3A_565], %min3A_564 {strides = array<i32>} : memref<128xi32, #tpu.memory_space<vmem>>, vector<16xi32>,
      %get3A_567 = arith.constant 80 : index
      %get3A_568 = tpu.vector_load %arg15[%get3A_567] {strides = array<i32>} : memref<128xi32, #tpu.memory_space<vmem>>, vector<16xi32>,
      %get3A_569 = arith.constant 80 : index
      %get3A_570 = tpu.vector_load %arg16[%get3A_569] {strides = array<i32>} : memref<128xf32, #tpu.memory_space<vmem>>, vector<16xf32>,
      %get3A_571 = arith.constant 80 : index
      %get3A_572 = tpu.vector_load %arg17[%get3A_571] {strides = array<i32>} : memref<128xf32, #tpu.memory_space<vmem>>, vector<16xf32>,
      %mul3A_573 = arith.mulf %get3A_570, %get3A_572 : vector<16xf32>
      %ge3A_574 = vector.broadcast %mul3A_2 : i32 to vector<16xi32>
      %ge3A_575 = arith.cmpi sge, %get3A_568, %ge3A_574 : vector<16xi32>
      %add3A_576 = arith.constant 640 : i32
      %add3A_577 = arith.addi %mul3A_2, %add3A_576 : i32
      %lt3A_578 = vector.broadcast %add3A_577 : i32 to vector<16xi32>
      %lt3A_579 = arith.cmpi slt, %get3A_568, %lt3A_578 : vector<16xi32>
      %and3A_580 = arith.andi %ge3A_575, %lt3A_579 : vector<16xi1>
      %jit3A_581 = arith.constant 0.000000e+00 : f32
      %broadcast_in_dim3A_582 = vector.broadcast %jit3A_581 : f32 to vector<16xf32>
      %select_n3A_583 = arith.select %and3A_580, %mul3A_573, %broadcast_in_dim3A_582 : vector<16xi1>, vector<16xf32>
      %swap3A_584 = arith.constant 80 : index
      %swap3A_585 = tpu.vector_load %arg18[%swap3A_584] {strides = array<i32>} : memref<128xf32, #tpu.memory_space<vmem>>, vector<16xf32>,
      tpu.vector_store %arg18[%swap3A_584], %select_n3A_583 {strides = array<i32>} : memref<128xf32, #tpu.memory_space<vmem>>, vector<16xf32>,
      %sub3A_586 = vector.broadcast %mul3A_2 : i32 to vector<16xi32>
      %sub3A_587 = arith.subi %get3A_568, %sub3A_586 : vector<16xi32>
      %jit3A_588 = arith.constant 0 : i32
      %jit3A_589 = arith.constant 639 : i32
      %max3A_590 = vector.broadcast %jit3A_588 : i32 to vector<16xi32>
      %max3A_591 = arith.maxsi %max3A_590, %sub3A_587 : vector<16xi32>
      %min3A_592 = vector.broadcast %jit3A_589 : i32 to vector<16xi32>
      %min3A_593 = arith.minsi %min3A_592, %max3A_591 : vector<16xi32>
      %swap3A_594 = arith.constant 80 : index
      %swap3A_595 = tpu.vector_load %arg19[%swap3A_594] {strides = array<i32>} : memref<128xi32, #tpu.memory_space<vmem>>, vector<16xi32>,
      tpu.vector_store %arg19[%swap3A_594], %min3A_593 {strides = array<i32>} : memref<128xi32, #tpu.memory_space<vmem>>, vector<16xi32>,
      %get3A_596 = arith.constant 96 : index
      %get3A_597 = tpu.vector_load %arg15[%get3A_596] {strides = array<i32>} : memref<128xi32, #tpu.memory_space<vmem>>, vector<16xi32>,
      %get3A_598 = arith.constant 96 : index
      %get3A_599 = tpu.vector_load %arg16[%get3A_598] {strides = array<i32>} : memref<128xf32, #tpu.memory_space<vmem>>, vector<16xf32>,
      %get3A_600 = arith.constant 96 : index
      %get3A_601 = tpu.vector_load %arg17[%get3A_600] {strides = array<i32>} : memref<128xf32, #tpu.memory_space<vmem>>, vector<16xf32>,
      %mul3A_602 = arith.mulf %get3A_599, %get3A_601 : vector<16xf32>
      %ge3A_603 = vector.broadcast %mul3A_2 : i32 to vector<16xi32>
      %ge3A_604 = arith.cmpi sge, %get3A_597, %ge3A_603 : vector<16xi32>
      %add3A_605 = arith.constant 640 : i32
      %add3A_606 = arith.addi %mul3A_2, %add3A_605 : i32
      %lt3A_607 = vector.broadcast %add3A_606 : i32 to vector<16xi32>
      %lt3A_608 = arith.cmpi slt, %get3A_597, %lt3A_607 : vector<16xi32>
      %and3A_609 = arith.andi %ge3A_604, %lt3A_608 : vector<16xi1>
      %jit3A_610 = arith.constant 0.000000e+00 : f32
      %broadcast_in_dim3A_611 = vector.broadcast %jit3A_610 : f32 to vector<16xf32>
      %select_n3A_612 = arith.select %and3A_609, %mul3A_602, %broadcast_in_dim3A_611 : vector<16xi1>, vector<16xf32>
      %swap3A_613 = arith.constant 96 : index
      %swap3A_614 = tpu.vector_load %arg18[%swap3A_613] {strides = array<i32>} : memref<128xf32, #tpu.memory_space<vmem>>, vector<16xf32>,
      tpu.vector_store %arg18[%swap3A_613], %select_n3A_612 {strides = array<i32>} : memref<128xf32, #tpu.memory_space<vmem>>, vector<16xf32>,
      %sub3A_615 = vector.broadcast %mul3A_2 : i32 to vector<16xi32>
      %sub3A_616 = arith.subi %get3A_597, %sub3A_615 : vector<16xi32>
      %jit3A_617 = arith.constant 0 : i32
      %jit3A_618 = arith.constant 639 : i32
      %max3A_619 = vector.broadcast %jit3A_617 : i32 to vector<16xi32>
      %max3A_620 = arith.maxsi %max3A_619, %sub3A_616 : vector<16xi32>
      %min3A_621 = vector.broadcast %jit3A_618 : i32 to vector<16xi32>
      %min3A_622 = arith.minsi %min3A_621, %max3A_620 : vector<16xi32>
      %swap3A_623 = arith.constant 96 : index
      %swap3A_624 = tpu.vector_load %arg19[%swap3A_623] {strides = array<i32>} : memref<128xi32, #tpu.memory_space<vmem>>, vector<16xi32>,
      tpu.vector_store %arg19[%swap3A_623], %min3A_622 {strides = array<i32>} : memref<128xi32, #tpu.memory_space<vmem>>, vector<16xi32>,
      %get3A_625 = arith.constant 112 : index
      %get3A_626 = tpu.vector_load %arg15[%get3A_625] {strides = array<i32>} : memref<128xi32, #tpu.memory_space<vmem>>, vector<16xi32>,
      %get3A_627 = arith.constant 112 : index
      %get3A_628 = tpu.vector_load %arg16[%get3A_627] {strides = array<i32>} : memref<128xf32, #tpu.memory_space<vmem>>, vector<16xf32>,
      %get3A_629 = arith.constant 112 : index
      %get3A_630 = tpu.vector_load %arg17[%get3A_629] {strides = array<i32>} : memref<128xf32, #tpu.memory_space<vmem>>, vector<16xf32>,
      %mul3A_631 = arith.mulf %get3A_628, %get3A_630 : vector<16xf32>
      %ge3A_632 = vector.broadcast %mul3A_2 : i32 to vector<16xi32>
      %ge3A_633 = arith.cmpi sge, %get3A_626, %ge3A_632 : vector<16xi32>
      %add3A_634 = arith.constant 640 : i32
      %add3A_635 = arith.addi %mul3A_2, %add3A_634 : i32
      %lt3A_636 = vector.broadcast %add3A_635 : i32 to vector<16xi32>
      %lt3A_637 = arith.cmpi slt, %get3A_626, %lt3A_636 : vector<16xi32>
      %and3A_638 = arith.andi %ge3A_633, %lt3A_637 : vector<16xi1>
      %jit3A_639 = arith.constant 0.000000e+00 : f32
      %broadcast_in_dim3A_640 = vector.broadcast %jit3A_639 : f32 to vector<16xf32>
      %select_n3A_641 = arith.select %and3A_638, %mul3A_631, %broadcast_in_dim3A_640 : vector<16xi1>, vector<16xf32>
      %swap3A_642 = arith.constant 112 : index
      %swap3A_643 = tpu.vector_load %arg18[%swap3A_642] {strides = array<i32>} : memref<128xf32, #tpu.memory_space<vmem>>, vector<16xf32>,
      tpu.vector_store %arg18[%swap3A_642], %select_n3A_641 {strides = array<i32>} : memref<128xf32, #tpu.memory_space<vmem>>, vector<16xf32>,
      %sub3A_644 = vector.broadcast %mul3A_2 : i32 to vector<16xi32>
      %sub3A_645 = arith.subi %get3A_626, %sub3A_644 : vector<16xi32>
      %jit3A_646 = arith.constant 0 : i32
      %jit3A_647 = arith.constant 639 : i32
      %max3A_648 = vector.broadcast %jit3A_646 : i32 to vector<16xi32>
      %max3A_649 = arith.maxsi %max3A_648, %sub3A_645 : vector<16xi32>
      %min3A_650 = vector.broadcast %jit3A_647 : i32 to vector<16xi32>
      %min3A_651 = arith.minsi %min3A_650, %max3A_649 : vector<16xi32>
      %swap3A_652 = arith.constant 112 : index
      %swap3A_653 = tpu.vector_load %arg19[%swap3A_652] {strides = array<i32>} : memref<128xi32, #tpu.memory_space<vmem>>, vector<16xi32>,
      tpu.vector_store %arg19[%swap3A_652], %min3A_651 {strides = array<i32>} : memref<128xi32, #tpu.memory_space<vmem>>, vector<16xi32>,
      %dma_wait3A_654 = arith.constant 0 : i32
      %dma_wait3A_655 = arith.constant 0 : i32
      %dma_wait3A_656 = tpu.memref_slice %arg2[%dma_wait3A_654, %dma_wait3A_655] : memref<10000x128xf32, #tpu.memory_space<hbm>> -> memref<10000x128xf32, #tpu.memory_space<hbm>>
      tpu.wait_indirect_dma semaphore(%arg26 : memref<!tpu.dma_semaphore, #tpu.memory_space<semaphore_mem>>) src(%dma_wait3A_656 : memref<10000x128xf32, #tpu.memory_space<hbm>>) dst(%arg21 : memref<128x128xf32, #tpu.memory_space<vmem>>)
      %add3A_657 = arith.constant 2 : i32
      %add3A_658 = arith.addi %add3A_402, %add3A_657 : i32
      %add3A_659 = arith.addi %mul3A_51, %reduce_max3A_9 : i32
      %mul3A_660 = arith.constant 128 : i32
      %mul3A_661 = arith.muli %add3A_658, %mul3A_660 : i32
      %add3A_662 = arith.addi %add3A_659, %mul3A_661 : i32
      %multiple_of3A_663 = tpu.assume_multiple %add3A_662, 8 : i32
      %dma_start3A_664 = tpu.memref_slice %arg4[%multiple_of3A_663] : memref<641024xi32, #tpu.memory_space<hbm>> -> memref<128xi32, #tpu.memory_space<hbm>>
      %dma_start3A_665 = tpu.memref_slice %arg4[%multiple_of3A_663] : memref<641024xi32, #tpu.memory_space<hbm>> -> memref<128xi32, #tpu.memory_space<hbm>>
      tpu.enqueue_dma source(%dma_start3A_665 : memref<128xi32, #tpu.memory_space<hbm>>) target(%arg14 : memref<128xi32, #tpu.memory_space<vmem>>) target_semaphore(%arg24 : memref<!tpu.dma_semaphore, #tpu.memory_space<semaphore_mem>>)
      %dma_start3A_666 = tpu.memref_slice %arg3[%multiple_of3A_663] : memref<641024xi32, #tpu.memory_space<hbm>> -> memref<128xi32, #tpu.memory_space<hbm>>
      %dma_start3A_667 = tpu.memref_slice %arg3[%multiple_of3A_663] : memref<641024xi32, #tpu.memory_space<hbm>> -> memref<128xi32, #tpu.memory_space<hbm>>
      tpu.enqueue_dma source(%dma_start3A_667 : memref<128xi32, #tpu.memory_space<hbm>>) target(%arg15 : memref<128xi32, #tpu.memory_space<vmem>>) target_semaphore(%arg24 : memref<!tpu.dma_semaphore, #tpu.memory_space<semaphore_mem>>)
      %dma_start3A_668 = tpu.memref_slice %arg5[%multiple_of3A_663] : memref<641024xf32, #tpu.memory_space<hbm>> -> memref<128xf32, #tpu.memory_space<hbm>>
      %dma_start3A_669 = tpu.memref_slice %arg5[%multiple_of3A_663] : memref<641024xf32, #tpu.memory_space<hbm>> -> memref<128xf32, #tpu.memory_space<hbm>>
      tpu.enqueue_dma source(%dma_start3A_669 : memref<128xf32, #tpu.memory_space<hbm>>) target(%arg16 : memref<128xf32, #tpu.memory_space<vmem>>) target_semaphore(%arg24 : memref<!tpu.dma_semaphore, #tpu.memory_space<semaphore_mem>>)
      %dma_start3A_670 = tpu.memref_slice %arg6[%multiple_of3A_663] : memref<641024xf32, #tpu.memory_space<hbm>> -> memref<128xf32, #tpu.memory_space<hbm>>
      %dma_start3A_671 = tpu.memref_slice %arg6[%multiple_of3A_663] : memref<641024xf32, #tpu.memory_space<hbm>> -> memref<128xf32, #tpu.memory_space<hbm>>
      tpu.enqueue_dma source(%dma_start3A_671 : memref<128xf32, #tpu.memory_space<hbm>>) target(%arg17 : memref<128xf32, #tpu.memory_space<vmem>>) target_semaphore(%arg24 : memref<!tpu.dma_semaphore, #tpu.memory_space<semaphore_mem>>)
      %parallel_loop3A_672 = arith.constant 0 : i32
      %parallel_loop3A_673 = arith.constant 128 : i32
      %parallel_loop3A_674 = arith.constant 1 : i32
      scf.for %parallel_loop3A_675 = %parallel_loop3A_672 to %parallel_loop3A_673 step %parallel_loop3A_674  : i32 {
        %parallel_loop3A_676 = vector.broadcast %parallel_loop3A_675 : i32 to vector<16xi32>
        %parallel_loop3A_677 = tpu.vector_load_idx %arg18[%parallel_loop3A_676] : memref<128xf32, #tpu.memory_space<vmem>>[vector<16xi32>], vector<16xf32>,
        %parallel_loop3A_678 = tpu.vector_load_idx %arg19[%parallel_loop3A_676] : memref<128xi32, #tpu.memory_space<vmem>>[vector<16xi32>], vector<16xi32>,
        %parallel_loop3A_679 = tpu.vector_load_idx %arg21[%parallel_loop3A_676, %add3A_24] : memref<128x128xf32, #tpu.memory_space<vmem>>[vector<16xi32>, vector<16xi32>], vector<16xf32>,
        %parallel_loop3A_680 = arith.mulf %parallel_loop3A_679, %parallel_loop3A_677 : vector<16xf32>
        tpu.vector_store_idx %arg22[%parallel_loop3A_678, %add3A_24], %parallel_loop3A_680 {add = true} : memref<640x128xf32, #tpu.memory_space<vmem>>[vector<16xi32>, vector<16xi32>], vector<16xf32>,
        %parallel_loop3A_681 = tpu.vector_load_idx %arg21[%parallel_loop3A_676, %add3A_27] : memref<128x128xf32, #tpu.memory_space<vmem>>[vector<16xi32>, vector<16xi32>], vector<16xf32>,
        %parallel_loop3A_682 = arith.mulf %parallel_loop3A_681, %parallel_loop3A_677 : vector<16xf32>
        tpu.vector_store_idx %arg22[%parallel_loop3A_678, %add3A_27], %parallel_loop3A_682 {add = true} : memref<640x128xf32, #tpu.memory_space<vmem>>[vector<16xi32>, vector<16xi32>], vector<16xf32>,
        %parallel_loop3A_683 = tpu.vector_load_idx %arg21[%parallel_loop3A_676, %add3A_30] : memref<128x128xf32, #tpu.memory_space<vmem>>[vector<16xi32>, vector<16xi32>], vector<16xf32>,
        %parallel_loop3A_684 = arith.mulf %parallel_loop3A_683, %parallel_loop3A_677 : vector<16xf32>
        tpu.vector_store_idx %arg22[%parallel_loop3A_678, %add3A_30], %parallel_loop3A_684 {add = true} : memref<640x128xf32, #tpu.memory_space<vmem>>[vector<16xi32>, vector<16xi32>], vector<16xf32>,
        %parallel_loop3A_685 = tpu.vector_load_idx %arg21[%parallel_loop3A_676, %add3A_33] : memref<128x128xf32, #tpu.memory_space<vmem>>[vector<16xi32>, vector<16xi32>], vector<16xf32>,
        %parallel_loop3A_686 = arith.mulf %parallel_loop3A_685, %parallel_loop3A_677 : vector<16xf32>
        tpu.vector_store_idx %arg22[%parallel_loop3A_678, %add3A_33], %parallel_loop3A_686 {add = true} : memref<640x128xf32, #tpu.memory_space<vmem>>[vector<16xi32>, vector<16xi32>], vector<16xf32>,
        %parallel_loop3A_687 = tpu.vector_load_idx %arg21[%parallel_loop3A_676, %add3A_36] : memref<128x128xf32, #tpu.memory_space<vmem>>[vector<16xi32>, vector<16xi32>], vector<16xf32>,
        %parallel_loop3A_688 = arith.mulf %parallel_loop3A_687, %parallel_loop3A_677 : vector<16xf32>
        tpu.vector_store_idx %arg22[%parallel_loop3A_678, %add3A_36], %parallel_loop3A_688 {add = true} : memref<640x128xf32, #tpu.memory_space<vmem>>[vector<16xi32>, vector<16xi32>], vector<16xf32>,
        %parallel_loop3A_689 = tpu.vector_load_idx %arg21[%parallel_loop3A_676, %add3A_39] : memref<128x128xf32, #tpu.memory_space<vmem>>[vector<16xi32>, vector<16xi32>], vector<16xf32>,
        %parallel_loop3A_690 = arith.mulf %parallel_loop3A_689, %parallel_loop3A_677 : vector<16xf32>
        tpu.vector_store_idx %arg22[%parallel_loop3A_678, %add3A_39], %parallel_loop3A_690 {add = true} : memref<640x128xf32, #tpu.memory_space<vmem>>[vector<16xi32>, vector<16xi32>], vector<16xf32>,
        %parallel_loop3A_691 = tpu.vector_load_idx %arg21[%parallel_loop3A_676, %add3A_42] : memref<128x128xf32, #tpu.memory_space<vmem>>[vector<16xi32>, vector<16xi32>], vector<16xf32>,
        %parallel_loop3A_692 = arith.mulf %parallel_loop3A_691, %parallel_loop3A_677 : vector<16xf32>
        tpu.vector_store_idx %arg22[%parallel_loop3A_678, %add3A_42], %parallel_loop3A_692 {add = true} : memref<640x128xf32, #tpu.memory_space<vmem>>[vector<16xi32>, vector<16xi32>], vector<16xf32>,
        %parallel_loop3A_693 = tpu.vector_load_idx %arg21[%parallel_loop3A_676, %add3A_45] : memref<128x128xf32, #tpu.memory_space<vmem>>[vector<16xi32>, vector<16xi32>], vector<16xf32>,
        %parallel_loop3A_694 = arith.mulf %parallel_loop3A_693, %parallel_loop3A_677 : vector<16xf32>
        tpu.vector_store_idx %arg22[%parallel_loop3A_678, %add3A_45], %parallel_loop3A_694 {add = true} : memref<640x128xf32, #tpu.memory_space<vmem>>[vector<16xi32>, vector<16xi32>], vector<16xf32>,
      } {sc.loop_unroll_factor = 8 : i64, sc.parallel_access}
    }
    %while3A_107 = arith.constant 1 : i32
    scf.for %while3A_131 = %while3A_105 to %while3A_101 step %while3A_107  : i32 {
      %mul3A_132 = arith.muli %while3A_131, %while3A : i32
      %add3A_133 = arith.addi %while3A_98, %mul3A_132 : i32
      %mul3A_134 = arith.constant 2 : i32
      %mul3A_135 = arith.muli %mul3A_134, %add3A_133 : i32
      %dma_wait3A_136 = arith.constant 0 : i32
      %dma_wait3A_137 = tpu.memref_slice %arg4[%dma_wait3A_136] : memref<641024xi32, #tpu.memory_space<hbm>> -> memref<128xi32, #tpu.memory_space<hbm>>
      %dma_wait3A_138 = arith.constant 0 : i32
      %dma_wait3A_139 = tpu.memref_slice %arg4[%dma_wait3A_138] : memref<641024xi32, #tpu.memory_space<hbm>> -> memref<128xi32, #tpu.memory_space<hbm>>
      tpu.wait_dma2 semaphore(%arg24 : memref<!tpu.dma_semaphore, #tpu.memory_space<semaphore_mem>>) src(%dma_wait3A_139 : memref<128xi32, #tpu.memory_space<hbm>>) dst(%arg14 : memref<128xi32, #tpu.memory_space<vmem>>)
      %dma_wait3A_140 = arith.constant 0 : i32
      %dma_wait3A_141 = tpu.memref_slice %arg3[%dma_wait3A_140] : memref<641024xi32, #tpu.memory_space<hbm>> -> memref<128xi32, #tpu.memory_space<hbm>>
      %dma_wait3A_142 = arith.constant 0 : i32
      %dma_wait3A_143 = tpu.memref_slice %arg3[%dma_wait3A_142] : memref<641024xi32, #tpu.memory_space<hbm>> -> memref<128xi32, #tpu.memory_space<hbm>>
      tpu.wait_dma2 semaphore(%arg24 : memref<!tpu.dma_semaphore, #tpu.memory_space<semaphore_mem>>) src(%dma_wait3A_143 : memref<128xi32, #tpu.memory_space<hbm>>) dst(%arg15 : memref<128xi32, #tpu.memory_space<vmem>>)
      %dma_wait3A_144 = arith.constant 0 : i32
      %dma_wait3A_145 = tpu.memref_slice %arg5[%dma_wait3A_144] : memref<641024xf32, #tpu.memory_space<hbm>> -> memref<128xf32, #tpu.memory_space<hbm>>
      %dma_wait3A_146 = arith.constant 0 : i32
      %dma_wait3A_147 = tpu.memref_slice %arg5[%dma_wait3A_146] : memref<641024xf32, #tpu.memory_space<hbm>> -> memref<128xf32, #tpu.memory_space<hbm>>
      tpu.wait_dma2 semaphore(%arg24 : memref<!tpu.dma_semaphore, #tpu.memory_space<semaphore_mem>>) src(%dma_wait3A_147 : memref<128xf32, #tpu.memory_space<hbm>>) dst(%arg16 : memref<128xf32, #tpu.memory_space<vmem>>)
      %dma_wait3A_148 = arith.constant 0 : i32
      %dma_wait3A_149 = tpu.memref_slice %arg6[%dma_wait3A_148] : memref<641024xf32, #tpu.memory_space<hbm>> -> memref<128xf32, #tpu.memory_space<hbm>>
      %dma_wait3A_150 = arith.constant 0 : i32
      %dma_wait3A_151 = tpu.memref_slice %arg6[%dma_wait3A_150] : memref<641024xf32, #tpu.memory_space<hbm>> -> memref<128xf32, #tpu.memory_space<hbm>>
      tpu.wait_dma2 semaphore(%arg24 : memref<!tpu.dma_semaphore, #tpu.memory_space<semaphore_mem>>) src(%dma_wait3A_151 : memref<128xf32, #tpu.memory_space<hbm>>) dst(%arg17 : memref<128xf32, #tpu.memory_space<vmem>>)
      %dma_start3A_152 = arith.constant 0 : i32
      %dma_start3A_153 = arith.constant 0 : i32
      %dma_start3A_154 = tpu.memref_slice %arg2[%dma_start3A_152, %dma_start3A_153] : memref<10000x128xf32, #tpu.memory_space<hbm>> -> memref<10000x128xf32, #tpu.memory_space<hbm>>
      tpu.enqueue_indirect_dma source(%dma_start3A_154 : memref<10000x128xf32, #tpu.memory_space<hbm>>) target(%arg21 : memref<128x128xf32, #tpu.memory_space<vmem>>) offsets(%arg14 : memref<128xi32, #tpu.memory_space<vmem>>) semaphore(%arg26 : memref<!tpu.dma_semaphore, #tpu.memory_space<semaphore_mem>>)
      %get3A = arith.constant 0 : index
      %get3A_155 = tpu.vector_load %arg11[%get3A] {strides = array<i32>} : memref<128xi32, #tpu.memory_space<vmem>>, vector<16xi32>,
      %get3A_156 = arith.constant 0 : index
      %get3A_157 = tpu.vector_load %arg12[%get3A_156] {strides = array<i32>} : memref<128xf32, #tpu.memory_space<vmem>>, vector<16xf32>,
      %get3A_158 = arith.constant 0 : index
      %get3A_159 = tpu.vector_load %arg13[%get3A_158] {strides = array<i32>} : memref<128xf32, #tpu.memory_space<vmem>>, vector<16xf32>,
      %mul3A_160 = arith.mulf %get3A_157, %get3A_159 : vector<16xf32>
      %ge3A = vector.broadcast %mul3A_2 : i32 to vector<16xi32>
      %ge3A_161 = arith.cmpi sge, %get3A_155, %ge3A : vector<16xi32>
      %add3A_162 = arith.constant 640 : i32
      %add3A_163 = arith.addi %mul3A_2, %add3A_162 : i32
      %lt3A = vector.broadcast %add3A_163 : i32 to vector<16xi32>
      %lt3A_164 = arith.cmpi slt, %get3A_155, %lt3A : vector<16xi32>
      %and3A = arith.andi %ge3A_161, %lt3A_164 : vector<16xi1>
      %jit3A = arith.constant 0.000000e+00 : f32
      %broadcast_in_dim3A_165 = vector.broadcast %jit3A : f32 to vector<16xf32>
      %select_n3A = arith.select %and3A, %mul3A_160, %broadcast_in_dim3A_165 : vector<16xi1>, vector<16xf32>
      %swap3A = arith.constant 0 : index
      %swap3A_166 = tpu.vector_load %arg18[%swap3A] {strides = array<i32>} : memref<128xf32, #tpu.memory_space<vmem>>, vector<16xf32>,
      tpu.vector_store %arg18[%swap3A], %select_n3A {strides = array<i32>} : memref<128xf32, #tpu.memory_space<vmem>>, vector<16xf32>,
      %sub3A_167 = vector.broadcast %mul3A_2 : i32 to vector<16xi32>
      %sub3A_168 = arith.subi %get3A_155, %sub3A_167 : vector<16xi32>
      %jit3A_169 = arith.constant 0 : i32
      %jit3A_170 = arith.constant 639 : i32
      %max3A = vector.broadcast %jit3A_169 : i32 to vector<16xi32>
      %max3A_171 = arith.maxsi %max3A, %sub3A_168 : vector<16xi32>
      %min3A = vector.broadcast %jit3A_170 : i32 to vector<16xi32>
      %min3A_172 = arith.minsi %min3A, %max3A_171 : vector<16xi32>
      %swap3A_173 = arith.constant 0 : index
      %swap3A_174 = tpu.vector_load %arg19[%swap3A_173] {strides = array<i32>} : memref<128xi32, #tpu.memory_space<vmem>>, vector<16xi32>,
      tpu.vector_store %arg19[%swap3A_173], %min3A_172 {strides = array<i32>} : memref<128xi32, #tpu.memory_space<vmem>>, vector<16xi32>,
      %get3A_175 = arith.constant 16 : index
      %get3A_176 = tpu.vector_load %arg11[%get3A_175] {strides = array<i32>} : memref<128xi32, #tpu.memory_space<vmem>>, vector<16xi32>,
      %get3A_177 = arith.constant 16 : index
      %get3A_178 = tpu.vector_load %arg12[%get3A_177] {strides = array<i32>} : memref<128xf32, #tpu.memory_space<vmem>>, vector<16xf32>,
      %get3A_179 = arith.constant 16 : index
      %get3A_180 = tpu.vector_load %arg13[%get3A_179] {strides = array<i32>} : memref<128xf32, #tpu.memory_space<vmem>>, vector<16xf32>,
      %mul3A_181 = arith.mulf %get3A_178, %get3A_180 : vector<16xf32>
      %ge3A_182 = vector.broadcast %mul3A_2 : i32 to vector<16xi32>
      %ge3A_183 = arith.cmpi sge, %get3A_176, %ge3A_182 : vector<16xi32>
      %add3A_184 = arith.constant 640 : i32
      %add3A_185 = arith.addi %mul3A_2, %add3A_184 : i32
      %lt3A_186 = vector.broadcast %add3A_185 : i32 to vector<16xi32>
      %lt3A_187 = arith.cmpi slt, %get3A_176, %lt3A_186 : vector<16xi32>
      %and3A_188 = arith.andi %ge3A_183, %lt3A_187 : vector<16xi1>
      %jit3A_189 = arith.constant 0.000000e+00 : f32
      %broadcast_in_dim3A_190 = vector.broadcast %jit3A_189 : f32 to vector<16xf32>
      %select_n3A_191 = arith.select %and3A_188, %mul3A_181, %broadcast_in_dim3A_190 : vector<16xi1>, vector<16xf32>
      %swap3A_192 = arith.constant 16 : index
      %swap3A_193 = tpu.vector_load %arg18[%swap3A_192] {strides = array<i32>} : memref<128xf32, #tpu.memory_space<vmem>>, vector<16xf32>,
      tpu.vector_store %arg18[%swap3A_192], %select_n3A_191 {strides = array<i32>} : memref<128xf32, #tpu.memory_space<vmem>>, vector<16xf32>,
      %sub3A_194 = vector.broadcast %mul3A_2 : i32 to vector<16xi32>
      %sub3A_195 = arith.subi %get3A_176, %sub3A_194 : vector<16xi32>
      %jit3A_196 = arith.constant 0 : i32
      %jit3A_197 = arith.constant 639 : i32
      %max3A_198 = vector.broadcast %jit3A_196 : i32 to vector<16xi32>
      %max3A_199 = arith.maxsi %max3A_198, %sub3A_195 : vector<16xi32>
      %min3A_200 = vector.broadcast %jit3A_197 : i32 to vector<16xi32>
      %min3A_201 = arith.minsi %min3A_200, %max3A_199 : vector<16xi32>
      %swap3A_202 = arith.constant 16 : index
      %swap3A_203 = tpu.vector_load %arg19[%swap3A_202] {strides = array<i32>} : memref<128xi32, #tpu.memory_space<vmem>>, vector<16xi32>,
      tpu.vector_store %arg19[%swap3A_202], %min3A_201 {strides = array<i32>} : memref<128xi32, #tpu.memory_space<vmem>>, vector<16xi32>,
      %get3A_204 = arith.constant 32 : index
      %get3A_205 = tpu.vector_load %arg11[%get3A_204] {strides = array<i32>} : memref<128xi32, #tpu.memory_space<vmem>>, vector<16xi32>,
      %get3A_206 = arith.constant 32 : index
      %get3A_207 = tpu.vector_load %arg12[%get3A_206] {strides = array<i32>} : memref<128xf32, #tpu.memory_space<vmem>>, vector<16xf32>,
      %get3A_208 = arith.constant 32 : index
      %get3A_209 = tpu.vector_load %arg13[%get3A_208] {strides = array<i32>} : memref<128xf32, #tpu.memory_space<vmem>>, vector<16xf32>,
      %mul3A_210 = arith.mulf %get3A_207, %get3A_209 : vector<16xf32>
      %ge3A_211 = vector.broadcast %mul3A_2 : i32 to vector<16xi32>
      %ge3A_212 = arith.cmpi sge, %get3A_205, %ge3A_211 : vector<16xi32>
      %add3A_213 = arith.constant 640 : i32
      %add3A_214 = arith.addi %mul3A_2, %add3A_213 : i32
      %lt3A_215 = vector.broadcast %add3A_214 : i32 to vector<16xi32>
      %lt3A_216 = arith.cmpi slt, %get3A_205, %lt3A_215 : vector<16xi32>
      %and3A_217 = arith.andi %ge3A_212, %lt3A_216 : vector<16xi1>
      %jit3A_218 = arith.constant 0.000000e+00 : f32
      %broadcast_in_dim3A_219 = vector.broadcast %jit3A_218 : f32 to vector<16xf32>
      %select_n3A_220 = arith.select %and3A_217, %mul3A_210, %broadcast_in_dim3A_219 : vector<16xi1>, vector<16xf32>
      %swap3A_221 = arith.constant 32 : index
      %swap3A_222 = tpu.vector_load %arg18[%swap3A_221] {strides = array<i32>} : memref<128xf32, #tpu.memory_space<vmem>>, vector<16xf32>,
      tpu.vector_store %arg18[%swap3A_221], %select_n3A_220 {strides = array<i32>} : memref<128xf32, #tpu.memory_space<vmem>>, vector<16xf32>,
      %sub3A_223 = vector.broadcast %mul3A_2 : i32 to vector<16xi32>
      %sub3A_224 = arith.subi %get3A_205, %sub3A_223 : vector<16xi32>
      %jit3A_225 = arith.constant 0 : i32
      %jit3A_226 = arith.constant 639 : i32
      %max3A_227 = vector.broadcast %jit3A_225 : i32 to vector<16xi32>
      %max3A_228 = arith.maxsi %max3A_227, %sub3A_224 : vector<16xi32>
      %min3A_229 = vector.broadcast %jit3A_226 : i32 to vector<16xi32>
      %min3A_230 = arith.minsi %min3A_229, %max3A_228 : vector<16xi32>
      %swap3A_231 = arith.constant 32 : index
      %swap3A_232 = tpu.vector_load %arg19[%swap3A_231] {strides = array<i32>} : memref<128xi32, #tpu.memory_space<vmem>>, vector<16xi32>,
      tpu.vector_store %arg19[%swap3A_231], %min3A_230 {strides = array<i32>} : memref<128xi32, #tpu.memory_space<vmem>>, vector<16xi32>,
      %get3A_233 = arith.constant 48 : index
      %get3A_234 = tpu.vector_load %arg11[%get3A_233] {strides = array<i32>} : memref<128xi32, #tpu.memory_space<vmem>>, vector<16xi32>,
      %get3A_235 = arith.constant 48 : index
      %get3A_236 = tpu.vector_load %arg12[%get3A_235] {strides = array<i32>} : memref<128xf32, #tpu.memory_space<vmem>>, vector<16xf32>,
      %get3A_237 = arith.constant 48 : index
      %get3A_238 = tpu.vector_load %arg13[%get3A_237] {strides = array<i32>} : memref<128xf32, #tpu.memory_space<vmem>>, vector<16xf32>,
      %mul3A_239 = arith.mulf %get3A_236, %get3A_238 : vector<16xf32>
      %ge3A_240 = vector.broadcast %mul3A_2 : i32 to vector<16xi32>
      %ge3A_241 = arith.cmpi sge, %get3A_234, %ge3A_240 : vector<16xi32>
      %add3A_242 = arith.constant 640 : i32
      %add3A_243 = arith.addi %mul3A_2, %add3A_242 : i32
      %lt3A_244 = vector.broadcast %add3A_243 : i32 to vector<16xi32>
      %lt3A_245 = arith.cmpi slt, %get3A_234, %lt3A_244 : vector<16xi32>
      %and3A_246 = arith.andi %ge3A_241, %lt3A_245 : vector<16xi1>
      %jit3A_247 = arith.constant 0.000000e+00 : f32
      %broadcast_in_dim3A_248 = vector.broadcast %jit3A_247 : f32 to vector<16xf32>
      %select_n3A_249 = arith.select %and3A_246, %mul3A_239, %broadcast_in_dim3A_248 : vector<16xi1>, vector<16xf32>
      %swap3A_250 = arith.constant 48 : index
      %swap3A_251 = tpu.vector_load %arg18[%swap3A_250] {strides = array<i32>} : memref<128xf32, #tpu.memory_space<vmem>>, vector<16xf32>,
      tpu.vector_store %arg18[%swap3A_250], %select_n3A_249 {strides = array<i32>} : memref<128xf32, #tpu.memory_space<vmem>>, vector<16xf32>,
      %sub3A_252 = vector.broadcast %mul3A_2 : i32 to vector<16xi32>
      %sub3A_253 = arith.subi %get3A_234, %sub3A_252 : vector<16xi32>
      %jit3A_254 = arith.constant 0 : i32
      %jit3A_255 = arith.constant 639 : i32
      %max3A_256 = vector.broadcast %jit3A_254 : i32 to vector<16xi32>
      %max3A_257 = arith.maxsi %max3A_256, %sub3A_253 : vector<16xi32>
      %min3A_258 = vector.broadcast %jit3A_255 : i32 to vector<16xi32>
      %min3A_259 = arith.minsi %min3A_258, %max3A_257 : vector<16xi32>
      %swap3A_260 = arith.constant 48 : index
      %swap3A_261 = tpu.vector_load %arg19[%swap3A_260] {strides = array<i32>} : memref<128xi32, #tpu.memory_space<vmem>>, vector<16xi32>,
      tpu.vector_store %arg19[%swap3A_260], %min3A_259 {strides = array<i32>} : memref<128xi32, #tpu.memory_space<vmem>>, vector<16xi32>,
      %get3A_262 = arith.constant 64 : index
      %get3A_263 = tpu.vector_load %arg11[%get3A_262] {strides = array<i32>} : memref<128xi32, #tpu.memory_space<vmem>>, vector<16xi32>,
      %get3A_264 = arith.constant 64 : index
      %get3A_265 = tpu.vector_load %arg12[%get3A_264] {strides = array<i32>} : memref<128xf32, #tpu.memory_space<vmem>>, vector<16xf32>,
      %get3A_266 = arith.constant 64 : index
      %get3A_267 = tpu.vector_load %arg13[%get3A_266] {strides = array<i32>} : memref<128xf32, #tpu.memory_space<vmem>>, vector<16xf32>,
      %mul3A_268 = arith.mulf %get3A_265, %get3A_267 : vector<16xf32>
      %ge3A_269 = vector.broadcast %mul3A_2 : i32 to vector<16xi32>
      %ge3A_270 = arith.cmpi sge, %get3A_263, %ge3A_269 : vector<16xi32>
      %add3A_271 = arith.constant 640 : i32
      %add3A_272 = arith.addi %mul3A_2, %add3A_271 : i32
      %lt3A_273 = vector.broadcast %add3A_272 : i32 to vector<16xi32>
      %lt3A_274 = arith.cmpi slt, %get3A_263, %lt3A_273 : vector<16xi32>
      %and3A_275 = arith.andi %ge3A_270, %lt3A_274 : vector<16xi1>
      %jit3A_276 = arith.constant 0.000000e+00 : f32
      %broadcast_in_dim3A_277 = vector.broadcast %jit3A_276 : f32 to vector<16xf32>
      %select_n3A_278 = arith.select %and3A_275, %mul3A_268, %broadcast_in_dim3A_277 : vector<16xi1>, vector<16xf32>
      %swap3A_279 = arith.constant 64 : index
      %swap3A_280 = tpu.vector_load %arg18[%swap3A_279] {strides = array<i32>} : memref<128xf32, #tpu.memory_space<vmem>>, vector<16xf32>,
      tpu.vector_store %arg18[%swap3A_279], %select_n3A_278 {strides = array<i32>} : memref<128xf32, #tpu.memory_space<vmem>>, vector<16xf32>,
      %sub3A_281 = vector.broadcast %mul3A_2 : i32 to vector<16xi32>
      %sub3A_282 = arith.subi %get3A_263, %sub3A_281 : vector<16xi32>
      %jit3A_283 = arith.constant 0 : i32
      %jit3A_284 = arith.constant 639 : i32
      %max3A_285 = vector.broadcast %jit3A_283 : i32 to vector<16xi32>
      %max3A_286 = arith.maxsi %max3A_285, %sub3A_282 : vector<16xi32>
      %min3A_287 = vector.broadcast %jit3A_284 : i32 to vector<16xi32>
      %min3A_288 = arith.minsi %min3A_287, %max3A_286 : vector<16xi32>
      %swap3A_289 = arith.constant 64 : index
      %swap3A_290 = tpu.vector_load %arg19[%swap3A_289] {strides = array<i32>} : memref<128xi32, #tpu.memory_space<vmem>>, vector<16xi32>,
      tpu.vector_store %arg19[%swap3A_289], %min3A_288 {strides = array<i32>} : memref<128xi32, #tpu.memory_space<vmem>>, vector<16xi32>,
      %get3A_291 = arith.constant 80 : index
      %get3A_292 = tpu.vector_load %arg11[%get3A_291] {strides = array<i32>} : memref<128xi32, #tpu.memory_space<vmem>>, vector<16xi32>,
      %get3A_293 = arith.constant 80 : index
      %get3A_294 = tpu.vector_load %arg12[%get3A_293] {strides = array<i32>} : memref<128xf32, #tpu.memory_space<vmem>>, vector<16xf32>,
      %get3A_295 = arith.constant 80 : index
      %get3A_296 = tpu.vector_load %arg13[%get3A_295] {strides = array<i32>} : memref<128xf32, #tpu.memory_space<vmem>>, vector<16xf32>,
      %mul3A_297 = arith.mulf %get3A_294, %get3A_296 : vector<16xf32>
      %ge3A_298 = vector.broadcast %mul3A_2 : i32 to vector<16xi32>
      %ge3A_299 = arith.cmpi sge, %get3A_292, %ge3A_298 : vector<16xi32>
      %add3A_300 = arith.constant 640 : i32
      %add3A_301 = arith.addi %mul3A_2, %add3A_300 : i32
      %lt3A_302 = vector.broadcast %add3A_301 : i32 to vector<16xi32>
      %lt3A_303 = arith.cmpi slt, %get3A_292, %lt3A_302 : vector<16xi32>
      %and3A_304 = arith.andi %ge3A_299, %lt3A_303 : vector<16xi1>
      %jit3A_305 = arith.constant 0.000000e+00 : f32
      %broadcast_in_dim3A_306 = vector.broadcast %jit3A_305 : f32 to vector<16xf32>
      %select_n3A_307 = arith.select %and3A_304, %mul3A_297, %broadcast_in_dim3A_306 : vector<16xi1>, vector<16xf32>
      %swap3A_308 = arith.constant 80 : index
      %swap3A_309 = tpu.vector_load %arg18[%swap3A_308] {strides = array<i32>} : memref<128xf32, #tpu.memory_space<vmem>>, vector<16xf32>,
      tpu.vector_store %arg18[%swap3A_308], %select_n3A_307 {strides = array<i32>} : memref<128xf32, #tpu.memory_space<vmem>>, vector<16xf32>,
      %sub3A_310 = vector.broadcast %mul3A_2 : i32 to vector<16xi32>
      %sub3A_311 = arith.subi %get3A_292, %sub3A_310 : vector<16xi32>
      %jit3A_312 = arith.constant 0 : i32
      %jit3A_313 = arith.constant 639 : i32
      %max3A_314 = vector.broadcast %jit3A_312 : i32 to vector<16xi32>
      %max3A_315 = arith.maxsi %max3A_314, %sub3A_311 : vector<16xi32>
      %min3A_316 = vector.broadcast %jit3A_313 : i32 to vector<16xi32>
      %min3A_317 = arith.minsi %min3A_316, %max3A_315 : vector<16xi32>
      %swap3A_318 = arith.constant 80 : index
      %swap3A_319 = tpu.vector_load %arg19[%swap3A_318] {strides = array<i32>} : memref<128xi32, #tpu.memory_space<vmem>>, vector<16xi32>,
      tpu.vector_store %arg19[%swap3A_318], %min3A_317 {strides = array<i32>} : memref<128xi32, #tpu.memory_space<vmem>>, vector<16xi32>,
      %get3A_320 = arith.constant 96 : index
      %get3A_321 = tpu.vector_load %arg11[%get3A_320] {strides = array<i32>} : memref<128xi32, #tpu.memory_space<vmem>>, vector<16xi32>,
      %get3A_322 = arith.constant 96 : index
      %get3A_323 = tpu.vector_load %arg12[%get3A_322] {strides = array<i32>} : memref<128xf32, #tpu.memory_space<vmem>>, vector<16xf32>,
      %get3A_324 = arith.constant 96 : index
      %get3A_325 = tpu.vector_load %arg13[%get3A_324] {strides = array<i32>} : memref<128xf32, #tpu.memory_space<vmem>>, vector<16xf32>,
      %mul3A_326 = arith.mulf %get3A_323, %get3A_325 : vector<16xf32>
      %ge3A_327 = vector.broadcast %mul3A_2 : i32 to vector<16xi32>
      %ge3A_328 = arith.cmpi sge, %get3A_321, %ge3A_327 : vector<16xi32>
      %add3A_329 = arith.constant 640 : i32
      %add3A_330 = arith.addi %mul3A_2, %add3A_329 : i32
      %lt3A_331 = vector.broadcast %add3A_330 : i32 to vector<16xi32>
      %lt3A_332 = arith.cmpi slt, %get3A_321, %lt3A_331 : vector<16xi32>
      %and3A_333 = arith.andi %ge3A_328, %lt3A_332 : vector<16xi1>
      %jit3A_334 = arith.constant 0.000000e+00 : f32
      %broadcast_in_dim3A_335 = vector.broadcast %jit3A_334 : f32 to vector<16xf32>
      %select_n3A_336 = arith.select %and3A_333, %mul3A_326, %broadcast_in_dim3A_335 : vector<16xi1>, vector<16xf32>
      %swap3A_337 = arith.constant 96 : index
      %swap3A_338 = tpu.vector_load %arg18[%swap3A_337] {strides = array<i32>} : memref<128xf32, #tpu.memory_space<vmem>>, vector<16xf32>,
      tpu.vector_store %arg18[%swap3A_337], %select_n3A_336 {strides = array<i32>} : memref<128xf32, #tpu.memory_space<vmem>>, vector<16xf32>,
      %sub3A_339 = vector.broadcast %mul3A_2 : i32 to vector<16xi32>
      %sub3A_340 = arith.subi %get3A_321, %sub3A_339 : vector<16xi32>
      %jit3A_341 = arith.constant 0 : i32
      %jit3A_342 = arith.constant 639 : i32
      %max3A_343 = vector.broadcast %jit3A_341 : i32 to vector<16xi32>
      %max3A_344 = arith.maxsi %max3A_343, %sub3A_340 : vector<16xi32>
      %min3A_345 = vector.broadcast %jit3A_342 : i32 to vector<16xi32>
      %min3A_346 = arith.minsi %min3A_345, %max3A_344 : vector<16xi32>
      %swap3A_347 = arith.constant 96 : index
      %swap3A_348 = tpu.vector_load %arg19[%swap3A_347] {strides = array<i32>} : memref<128xi32, #tpu.memory_space<vmem>>, vector<16xi32>,
      tpu.vector_store %arg19[%swap3A_347], %min3A_346 {strides = array<i32>} : memref<128xi32, #tpu.memory_space<vmem>>, vector<16xi32>,
      %get3A_349 = arith.constant 112 : index
      %get3A_350 = tpu.vector_load %arg11[%get3A_349] {strides = array<i32>} : memref<128xi32, #tpu.memory_space<vmem>>, vector<16xi32>,
      %get3A_351 = arith.constant 112 : index
      %get3A_352 = tpu.vector_load %arg12[%get3A_351] {strides = array<i32>} : memref<128xf32, #tpu.memory_space<vmem>>, vector<16xf32>,
      %get3A_353 = arith.constant 112 : index
      %get3A_354 = tpu.vector_load %arg13[%get3A_353] {strides = array<i32>} : memref<128xf32, #tpu.memory_space<vmem>>, vector<16xf32>,
      %mul3A_355 = arith.mulf %get3A_352, %get3A_354 : vector<16xf32>
      %ge3A_356 = vector.broadcast %mul3A_2 : i32 to vector<16xi32>
      %ge3A_357 = arith.cmpi sge, %get3A_350, %ge3A_356 : vector<16xi32>
      %add3A_358 = arith.constant 640 : i32
      %add3A_359 = arith.addi %mul3A_2, %add3A_358 : i32
      %lt3A_360 = vector.broadcast %add3A_359 : i32 to vector<16xi32>
      %lt3A_361 = arith.cmpi slt, %get3A_350, %lt3A_360 : vector<16xi32>
      %and3A_362 = arith.andi %ge3A_357, %lt3A_361 : vector<16xi1>
      %jit3A_363 = arith.constant 0.000000e+00 : f32
      %broadcast_in_dim3A_364 = vector.broadcast %jit3A_363 : f32 to vector<16xf32>
      %select_n3A_365 = arith.select %and3A_362, %mul3A_355, %broadcast_in_dim3A_364 : vector<16xi1>, vector<16xf32>
      %swap3A_366 = arith.constant 112 : index
      %swap3A_367 = tpu.vector_load %arg18[%swap3A_366] {strides = array<i32>} : memref<128xf32, #tpu.memory_space<vmem>>, vector<16xf32>,
      tpu.vector_store %arg18[%swap3A_366], %select_n3A_365 {strides = array<i32>} : memref<128xf32, #tpu.memory_space<vmem>>, vector<16xf32>,
      %sub3A_368 = vector.broadcast %mul3A_2 : i32 to vector<16xi32>
      %sub3A_369 = arith.subi %get3A_350, %sub3A_368 : vector<16xi32>
      %jit3A_370 = arith.constant 0 : i32
      %jit3A_371 = arith.constant 639 : i32
      %max3A_372 = vector.broadcast %jit3A_370 : i32 to vector<16xi32>
      %max3A_373 = arith.maxsi %max3A_372, %sub3A_369 : vector<16xi32>
      %min3A_374 = vector.broadcast %jit3A_371 : i32 to vector<16xi32>
      %min3A_375 = arith.minsi %min3A_374, %max3A_373 : vector<16xi32>
      %swap3A_376 = arith.constant 112 : index
      %swap3A_377 = tpu.vector_load %arg19[%swap3A_376] {strides = array<i32>} : memref<128xi32, #tpu.memory_space<vmem>>, vector<16xi32>,
      tpu.vector_store %arg19[%swap3A_376], %min3A_375 {strides = array<i32>} : memref<128xi32, #tpu.memory_space<vmem>>, vector<16xi32>,
      %dma_wait3A_378 = arith.constant 0 : i32
      %dma_wait3A_379 = arith.constant 0 : i32
      %dma_wait3A_380 = tpu.memref_slice %arg2[%dma_wait3A_378, %dma_wait3A_379] : memref<10000x128xf32, #tpu.memory_space<hbm>> -> memref<10000x128xf32, #tpu.memory_space<hbm>>
      tpu.wait_indirect_dma semaphore(%arg25 : memref<!tpu.dma_semaphore, #tpu.memory_space<semaphore_mem>>) src(%dma_wait3A_380 : memref<10000x128xf32, #tpu.memory_space<hbm>>) dst(%arg20 : memref<128x128xf32, #tpu.memory_space<vmem>>)
      %add3A_381 = arith.constant 2 : i32
      %add3A_382 = arith.addi %mul3A_135, %add3A_381 : i32
      %add3A_383 = arith.addi %mul3A_51, %reduce_max3A_9 : i32
      %mul3A_384 = arith.constant 128 : i32
      %mul3A_385 = arith.muli %add3A_382, %mul3A_384 : i32
      %add3A_386 = arith.addi %add3A_383, %mul3A_385 : i32
      %multiple_of3A_387 = tpu.assume_multiple %add3A_386, 8 : i32
      %dma_start3A_388 = tpu.memref_slice %arg4[%multiple_of3A_387] : memref<641024xi32, #tpu.memory_space<hbm>> -> memref<128xi32, #tpu.memory_space<hbm>>
      %dma_start3A_389 = tpu.memref_slice %arg4[%multiple_of3A_387] : memref<641024xi32, #tpu.memory_space<hbm>> -> memref<128xi32, #tpu.memory_space<hbm>>
      tpu.enqueue_dma source(%dma_start3A_389 : memref<128xi32, #tpu.memory_space<hbm>>) target(%arg10 : memref<128xi32, #tpu.memory_space<vmem>>) target_semaphore(%arg23 : memref<!tpu.dma_semaphore, #tpu.memory_space<semaphore_mem>>)
      %dma_start3A_390 = tpu.memref_slice %arg3[%multiple_of3A_387] : memref<641024xi32, #tpu.memory_space<hbm>> -> memref<128xi32, #tpu.memory_space<hbm>>
      %dma_start3A_391 = tpu.memref_slice %arg3[%multiple_of3A_387] : memref<641024xi32, #tpu.memory_space<hbm>> -> memref<128xi32, #tpu.memory_space<hbm>>
      tpu.enqueue_dma source(%dma_start3A_391 : memref<128xi32, #tpu.memory_space<hbm>>) target(%arg11 : memref<128xi32, #tpu.memory_space<vmem>>) target_semaphore(%arg23 : memref<!tpu.dma_semaphore, #tpu.memory_space<semaphore_mem>>)
      %dma_start3A_392 = tpu.memref_slice %arg5[%multiple_of3A_387] : memref<641024xf32, #tpu.memory_space<hbm>> -> memref<128xf32, #tpu.memory_space<hbm>>
      %dma_start3A_393 = tpu.memref_slice %arg5[%multiple_of3A_387] : memref<641024xf32, #tpu.memory_space<hbm>> -> memref<128xf32, #tpu.memory_space<hbm>>
      tpu.enqueue_dma source(%dma_start3A_393 : memref<128xf32, #tpu.memory_space<hbm>>) target(%arg12 : memref<128xf32, #tpu.memory_space<vmem>>) target_semaphore(%arg23 : memref<!tpu.dma_semaphore, #tpu.memory_space<semaphore_mem>>)
      %dma_start3A_394 = tpu.memref_slice %arg6[%multiple_of3A_387] : memref<641024xf32, #tpu.memory_space<hbm>> -> memref<128xf32, #tpu.memory_space<hbm>>
      %dma_start3A_395 = tpu.memref_slice %arg6[%multiple_of3A_387] : memref<641024xf32, #tpu.memory_space<hbm>> -> memref<128xf32, #tpu.memory_space<hbm>>
      tpu.enqueue_dma source(%dma_start3A_395 : memref<128xf32, #tpu.memory_space<hbm>>) target(%arg13 : memref<128xf32, #tpu.memory_space<vmem>>) target_semaphore(%arg23 : memref<!tpu.dma_semaphore, #tpu.memory_space<semaphore_mem>>)
      %parallel_loop3A_396 = arith.constant 0 : i32
      %parallel_loop3A_397 = arith.constant 128 : i32
      %parallel_loop3A_398 = arith.constant 1 : i32
      scf.for %parallel_loop3A_675 = %parallel_loop3A_396 to %parallel_loop3A_397 step %parallel_loop3A_398  : i32 {
        %parallel_loop3A_676 = vector.broadcast %parallel_loop3A_675 : i32 to vector<16xi32>
        %parallel_loop3A_677 = tpu.vector_load_idx %arg18[%parallel_loop3A_676] : memref<128xf32, #tpu.memory_space<vmem>>[vector<16xi32>], vector<16xf32>,
        %parallel_loop3A_678 = tpu.vector_load_idx %arg19[%parallel_loop3A_676] : memref<128xi32, #tpu.memory_space<vmem>>[vector<16xi32>], vector<16xi32>,
        %parallel_loop3A_679 = tpu.vector_load_idx %arg20[%parallel_loop3A_676, %add3A_24] : memref<128x128xf32, #tpu.memory_space<vmem>>[vector<16xi32>, vector<16xi32>], vector<16xf32>,
        %parallel_loop3A_680 = arith.mulf %parallel_loop3A_679, %parallel_loop3A_677 : vector<16xf32>
        tpu.vector_store_idx %arg22[%parallel_loop3A_678, %add3A_24], %parallel_loop3A_680 {add = true} : memref<640x128xf32, #tpu.memory_space<vmem>>[vector<16xi32>, vector<16xi32>], vector<16xf32>,
        %parallel_loop3A_681 = tpu.vector_load_idx %arg20[%parallel_loop3A_676, %add3A_27] : memref<128x128xf32, #tpu.memory_space<vmem>>[vector<16xi32>, vector<16xi32>], vector<16xf32>,
        %parallel_loop3A_682 = arith.mulf %parallel_loop3A_681, %parallel_loop3A_677 : vector<16xf32>
        tpu.vector_store_idx %arg22[%parallel_loop3A_678, %add3A_27], %parallel_loop3A_682 {add = true} : memref<640x128xf32, #tpu.memory_space<vmem>>[vector<16xi32>, vector<16xi32>], vector<16xf32>,
        %parallel_loop3A_683 = tpu.vector_load_idx %arg20[%parallel_loop3A_676, %add3A_30] : memref<128x128xf32, #tpu.memory_space<vmem>>[vector<16xi32>, vector<16xi32>], vector<16xf32>,
        %parallel_loop3A_684 = arith.mulf %parallel_loop3A_683, %parallel_loop3A_677 : vector<16xf32>
        tpu.vector_store_idx %arg22[%parallel_loop3A_678, %add3A_30], %parallel_loop3A_684 {add = true} : memref<640x128xf32, #tpu.memory_space<vmem>>[vector<16xi32>, vector<16xi32>], vector<16xf32>,
        %parallel_loop3A_685 = tpu.vector_load_idx %arg20[%parallel_loop3A_676, %add3A_33] : memref<128x128xf32, #tpu.memory_space<vmem>>[vector<16xi32>, vector<16xi32>], vector<16xf32>,
        %parallel_loop3A_686 = arith.mulf %parallel_loop3A_685, %parallel_loop3A_677 : vector<16xf32>
        tpu.vector_store_idx %arg22[%parallel_loop3A_678, %add3A_33], %parallel_loop3A_686 {add = true} : memref<640x128xf32, #tpu.memory_space<vmem>>[vector<16xi32>, vector<16xi32>], vector<16xf32>,
        %parallel_loop3A_687 = tpu.vector_load_idx %arg20[%parallel_loop3A_676, %add3A_36] : memref<128x128xf32, #tpu.memory_space<vmem>>[vector<16xi32>, vector<16xi32>], vector<16xf32>,
        %parallel_loop3A_688 = arith.mulf %parallel_loop3A_687, %parallel_loop3A_677 : vector<16xf32>
        tpu.vector_store_idx %arg22[%parallel_loop3A_678, %add3A_36], %parallel_loop3A_688 {add = true} : memref<640x128xf32, #tpu.memory_space<vmem>>[vector<16xi32>, vector<16xi32>], vector<16xf32>,
        %parallel_loop3A_689 = tpu.vector_load_idx %arg20[%parallel_loop3A_676, %add3A_39] : memref<128x128xf32, #tpu.memory_space<vmem>>[vector<16xi32>, vector<16xi32>], vector<16xf32>,
        %parallel_loop3A_690 = arith.mulf %parallel_loop3A_689, %parallel_loop3A_677 : vector<16xf32>
        tpu.vector_store_idx %arg22[%parallel_loop3A_678, %add3A_39], %parallel_loop3A_690 {add = true} : memref<640x128xf32, #tpu.memory_space<vmem>>[vector<16xi32>, vector<16xi32>], vector<16xf32>,
        %parallel_loop3A_691 = tpu.vector_load_idx %arg20[%parallel_loop3A_676, %add3A_42] : memref<128x128xf32, #tpu.memory_space<vmem>>[vector<16xi32>, vector<16xi32>], vector<16xf32>,
        %parallel_loop3A_692 = arith.mulf %parallel_loop3A_691, %parallel_loop3A_677 : vector<16xf32>
        tpu.vector_store_idx %arg22[%parallel_loop3A_678, %add3A_42], %parallel_loop3A_692 {add = true} : memref<640x128xf32, #tpu.memory_space<vmem>>[vector<16xi32>, vector<16xi32>], vector<16xf32>,
        %parallel_loop3A_693 = tpu.vector_load_idx %arg20[%parallel_loop3A_676, %add3A_45] : memref<128x128xf32, #tpu.memory_space<vmem>>[vector<16xi32>, vector<16xi32>], vector<16xf32>,
        %parallel_loop3A_694 = arith.mulf %parallel_loop3A_693, %parallel_loop3A_677 : vector<16xf32>
        tpu.vector_store_idx %arg22[%parallel_loop3A_678, %add3A_45], %parallel_loop3A_694 {add = true} : memref<640x128xf32, #tpu.memory_space<vmem>>[vector<16xi32>, vector<16xi32>], vector<16xf32>,
      } {sc.loop_unroll_factor = 8 : i64, sc.parallel_access}
      %mul3A_399 = arith.constant 2 : i32
      %mul3A_400 = arith.muli %mul3A_399, %add3A_133 : i32
      %add3A_401 = arith.constant 1 : i32
      %add3A_402 = arith.addi %mul3A_400, %add3A_401 : i32
      %dma_wait3A_403 = arith.constant 0 : i32
      %dma_wait3A_404 = tpu.memref_slice %arg4[%dma_wait3A_403] : memref<641024xi32, #tpu.memory_space<hbm>> -> memref<128xi32, #tpu.memory_space<hbm>>
      %dma_wait3A_405 = arith.constant 0 : i32
      %dma_wait3A_406 = tpu.memref_slice %arg4[%dma_wait3A_405] : memref<641024xi32, #tpu.memory_space<hbm>> -> memref<128xi32, #tpu.memory_space<hbm>>
      tpu.wait_dma2 semaphore(%arg23 : memref<!tpu.dma_semaphore, #tpu.memory_space<semaphore_mem>>) src(%dma_wait3A_406 : memref<128xi32, #tpu.memory_space<hbm>>) dst(%arg10 : memref<128xi32, #tpu.memory_space<vmem>>)
      %dma_wait3A_407 = arith.constant 0 : i32
      %dma_wait3A_408 = tpu.memref_slice %arg3[%dma_wait3A_407] : memref<641024xi32, #tpu.memory_space<hbm>> -> memref<128xi32, #tpu.memory_space<hbm>>
      %dma_wait3A_409 = arith.constant 0 : i32
      %dma_wait3A_410 = tpu.memref_slice %arg3[%dma_wait3A_409] : memref<641024xi32, #tpu.memory_space<hbm>> -> memref<128xi32, #tpu.memory_space<hbm>>
      tpu.wait_dma2 semaphore(%arg23 : memref<!tpu.dma_semaphore, #tpu.memory_space<semaphore_mem>>) src(%dma_wait3A_410 : memref<128xi32, #tpu.memory_space<hbm>>) dst(%arg11 : memref<128xi32, #tpu.memory_space<vmem>>)
      %dma_wait3A_411 = arith.constant 0 : i32
      %dma_wait3A_412 = tpu.memref_slice %arg5[%dma_wait3A_411] : memref<641024xf32, #tpu.memory_space<hbm>> -> memref<128xf32, #tpu.memory_space<hbm>>
      %dma_wait3A_413 = arith.constant 0 : i32
      %dma_wait3A_414 = tpu.memref_slice %arg5[%dma_wait3A_413] : memref<641024xf32, #tpu.memory_space<hbm>> -> memref<128xf32, #tpu.memory_space<hbm>>
      tpu.wait_dma2 semaphore(%arg23 : memref<!tpu.dma_semaphore, #tpu.memory_space<semaphore_mem>>) src(%dma_wait3A_414 : memref<128xf32, #tpu.memory_space<hbm>>) dst(%arg12 : memref<128xf32, #tpu.memory_space<vmem>>)
      %dma_wait3A_415 = arith.constant 0 : i32
      %dma_wait3A_416 = tpu.memref_slice %arg6[%dma_wait3A_415] : memref<641024xf32, #tpu.memory_space<hbm>> -> memref<128xf32, #tpu.memory_space<hbm>>
      %dma_wait3A_417 = arith.constant 0 : i32
      %dma_wait3A_418 = tpu.memref_slice %arg6[%dma_wait3A_417] : memref<641024xf32, #tpu.memory_space<hbm>> -> memref<128xf32, #tpu.memory_space<hbm>>
      tpu.wait_dma2 semaphore(%arg23 : memref<!tpu.dma_semaphore, #tpu.memory_space<semaphore_mem>>) src(%dma_wait3A_418 : memref<128xf32, #tpu.memory_space<hbm>>) dst(%arg13 : memref<128xf32, #tpu.memory_space<vmem>>)
      %dma_start3A_419 = arith.constant 0 : i32
      %dma_start3A_420 = arith.constant 0 : i32
      %dma_start3A_421 = tpu.memref_slice %arg2[%dma_start3A_419, %dma_start3A_420] : memref<10000x128xf32, #tpu.memory_space<hbm>> -> memref<10000x128xf32, #tpu.memory_space<hbm>>
      tpu.enqueue_indirect_dma source(%dma_start3A_421 : memref<10000x128xf32, #tpu.memory_space<hbm>>) target(%arg20 : memref<128x128xf32, #tpu.memory_space<vmem>>) offsets(%arg10 : memref<128xi32, #tpu.memory_space<vmem>>) semaphore(%arg25 : memref<!tpu.dma_semaphore, #tpu.memory_space<semaphore_mem>>)
      %get3A_422 = arith.constant 0 : index
      %get3A_423 = tpu.vector_load %arg15[%get3A_422] {strides = array<i32>} : memref<128xi32, #tpu.memory_space<vmem>>, vector<16xi32>,
      %get3A_424 = arith.constant 0 : index
      %get3A_425 = tpu.vector_load %arg16[%get3A_424] {strides = array<i32>} : memref<128xf32, #tpu.memory_space<vmem>>, vector<16xf32>,
      %get3A_426 = arith.constant 0 : index
      %get3A_427 = tpu.vector_load %arg17[%get3A_426] {strides = array<i32>} : memref<128xf32, #tpu.memory_space<vmem>>, vector<16xf32>,
      %mul3A_428 = arith.mulf %get3A_425, %get3A_427 : vector<16xf32>
      %ge3A_429 = vector.broadcast %mul3A_2 : i32 to vector<16xi32>
      %ge3A_430 = arith.cmpi sge, %get3A_423, %ge3A_429 : vector<16xi32>
      %add3A_431 = arith.constant 640 : i32
      %add3A_432 = arith.addi %mul3A_2, %add3A_431 : i32
      %lt3A_433 = vector.broadcast %add3A_432 : i32 to vector<16xi32>
      %lt3A_434 = arith.cmpi slt, %get3A_423, %lt3A_433 : vector<16xi32>
      %and3A_435 = arith.andi %ge3A_430, %lt3A_434 : vector<16xi1>
      %jit3A_436 = arith.constant 0.000000e+00 : f32
      %broadcast_in_dim3A_437 = vector.broadcast %jit3A_436 : f32 to vector<16xf32>
      %select_n3A_438 = arith.select %and3A_435, %mul3A_428, %broadcast_in_dim3A_437 : vector<16xi1>, vector<16xf32>
      %swap3A_439 = arith.constant 0 : index
      %swap3A_440 = tpu.vector_load %arg18[%swap3A_439] {strides = array<i32>} : memref<128xf32, #tpu.memory_space<vmem>>, vector<16xf32>,
      tpu.vector_store %arg18[%swap3A_439], %select_n3A_438 {strides = array<i32>} : memref<128xf32, #tpu.memory_space<vmem>>, vector<16xf32>,
      %sub3A_441 = vector.broadcast %mul3A_2 : i32 to vector<16xi32>
      %sub3A_442 = arith.subi %get3A_423, %sub3A_441 : vector<16xi32>
      %jit3A_443 = arith.constant 0 : i32
      %jit3A_444 = arith.constant 639 : i32
      %max3A_445 = vector.broadcast %jit3A_443 : i32 to vector<16xi32>
      %max3A_446 = arith.maxsi %max3A_445, %sub3A_442 : vector<16xi32>
      %min3A_447 = vector.broadcast %jit3A_444 : i32 to vector<16xi32>
      %min3A_448 = arith.minsi %min3A_447, %max3A_446 : vector<16xi32>
      %swap3A_449 = arith.constant 0 : index
      %swap3A_450 = tpu.vector_load %arg19[%swap3A_449] {strides = array<i32>} : memref<128xi32, #tpu.memory_space<vmem>>, vector<16xi32>,
      tpu.vector_store %arg19[%swap3A_449], %min3A_448 {strides = array<i32>} : memref<128xi32, #tpu.memory_space<vmem>>, vector<16xi32>,
      %get3A_451 = arith.constant 16 : index
      %get3A_452 = tpu.vector_load %arg15[%get3A_451] {strides = array<i32>} : memref<128xi32, #tpu.memory_space<vmem>>, vector<16xi32>,
      %get3A_453 = arith.constant 16 : index
      %get3A_454 = tpu.vector_load %arg16[%get3A_453] {strides = array<i32>} : memref<128xf32, #tpu.memory_space<vmem>>, vector<16xf32>,
      %get3A_455 = arith.constant 16 : index
      %get3A_456 = tpu.vector_load %arg17[%get3A_455] {strides = array<i32>} : memref<128xf32, #tpu.memory_space<vmem>>, vector<16xf32>,
      %mul3A_457 = arith.mulf %get3A_454, %get3A_456 : vector<16xf32>
      %ge3A_458 = vector.broadcast %mul3A_2 : i32 to vector<16xi32>
      %ge3A_459 = arith.cmpi sge, %get3A_452, %ge3A_458 : vector<16xi32>
      %add3A_460 = arith.constant 640 : i32
      %add3A_461 = arith.addi %mul3A_2, %add3A_460 : i32
      %lt3A_462 = vector.broadcast %add3A_461 : i32 to vector<16xi32>
      %lt3A_463 = arith.cmpi slt, %get3A_452, %lt3A_462 : vector<16xi32>
      %and3A_464 = arith.andi %ge3A_459, %lt3A_463 : vector<16xi1>
      %jit3A_465 = arith.constant 0.000000e+00 : f32
      %broadcast_in_dim3A_466 = vector.broadcast %jit3A_465 : f32 to vector<16xf32>
      %select_n3A_467 = arith.select %and3A_464, %mul3A_457, %broadcast_in_dim3A_466 : vector<16xi1>, vector<16xf32>
      %swap3A_468 = arith.constant 16 : index
      %swap3A_469 = tpu.vector_load %arg18[%swap3A_468] {strides = array<i32>} : memref<128xf32, #tpu.memory_space<vmem>>, vector<16xf32>,
      tpu.vector_store %arg18[%swap3A_468], %select_n3A_467 {strides = array<i32>} : memref<128xf32, #tpu.memory_space<vmem>>, vector<16xf32>,
      %sub3A_470 = vector.broadcast %mul3A_2 : i32 to vector<16xi32>
      %sub3A_471 = arith.subi %get3A_452, %sub3A_470 : vector<16xi32>
      %jit3A_472 = arith.constant 0 : i32
      %jit3A_473 = arith.constant 639 : i32
      %max3A_474 = vector.broadcast %jit3A_472 : i32 to vector<16xi32>
      %max3A_475 = arith.maxsi %max3A_474, %sub3A_471 : vector<16xi32>
      %min3A_476 = vector.broadcast %jit3A_473 : i32 to vector<16xi32>
      %min3A_477 = arith.minsi %min3A_476, %max3A_475 : vector<16xi32>
      %swap3A_478 = arith.constant 16 : index
      %swap3A_479 = tpu.vector_load %arg19[%swap3A_478] {strides = array<i32>} : memref<128xi32, #tpu.memory_space<vmem>>, vector<16xi32>,
      tpu.vector_store %arg19[%swap3A_478], %min3A_477 {strides = array<i32>} : memref<128xi32, #tpu.memory_space<vmem>>, vector<16xi32>,
      %get3A_480 = arith.constant 32 : index
      %get3A_481 = tpu.vector_load %arg15[%get3A_480] {strides = array<i32>} : memref<128xi32, #tpu.memory_space<vmem>>, vector<16xi32>,
      %get3A_482 = arith.constant 32 : index
      %get3A_483 = tpu.vector_load %arg16[%get3A_482] {strides = array<i32>} : memref<128xf32, #tpu.memory_space<vmem>>, vector<16xf32>,
      %get3A_484 = arith.constant 32 : index
      %get3A_485 = tpu.vector_load %arg17[%get3A_484] {strides = array<i32>} : memref<128xf32, #tpu.memory_space<vmem>>, vector<16xf32>,
      %mul3A_486 = arith.mulf %get3A_483, %get3A_485 : vector<16xf32>
      %ge3A_487 = vector.broadcast %mul3A_2 : i32 to vector<16xi32>
      %ge3A_488 = arith.cmpi sge, %get3A_481, %ge3A_487 : vector<16xi32>
      %add3A_489 = arith.constant 640 : i32
      %add3A_490 = arith.addi %mul3A_2, %add3A_489 : i32
      %lt3A_491 = vector.broadcast %add3A_490 : i32 to vector<16xi32>
      %lt3A_492 = arith.cmpi slt, %get3A_481, %lt3A_491 : vector<16xi32>
      %and3A_493 = arith.andi %ge3A_488, %lt3A_492 : vector<16xi1>
      %jit3A_494 = arith.constant 0.000000e+00 : f32
      %broadcast_in_dim3A_495 = vector.broadcast %jit3A_494 : f32 to vector<16xf32>
      %select_n3A_496 = arith.select %and3A_493, %mul3A_486, %broadcast_in_dim3A_495 : vector<16xi1>, vector<16xf32>
      %swap3A_497 = arith.constant 32 : index
      %swap3A_498 = tpu.vector_load %arg18[%swap3A_497] {strides = array<i32>} : memref<128xf32, #tpu.memory_space<vmem>>, vector<16xf32>,
      tpu.vector_store %arg18[%swap3A_497], %select_n3A_496 {strides = array<i32>} : memref<128xf32, #tpu.memory_space<vmem>>, vector<16xf32>,
      %sub3A_499 = vector.broadcast %mul3A_2 : i32 to vector<16xi32>
      %sub3A_500 = arith.subi %get3A_481, %sub3A_499 : vector<16xi32>
      %jit3A_501 = arith.constant 0 : i32
      %jit3A_502 = arith.constant 639 : i32
      %max3A_503 = vector.broadcast %jit3A_501 : i32 to vector<16xi32>
      %max3A_504 = arith.maxsi %max3A_503, %sub3A_500 : vector<16xi32>
      %min3A_505 = vector.broadcast %jit3A_502 : i32 to vector<16xi32>
      %min3A_506 = arith.minsi %min3A_505, %max3A_504 : vector<16xi32>
      %swap3A_507 = arith.constant 32 : index
      %swap3A_508 = tpu.vector_load %arg19[%swap3A_507] {strides = array<i32>} : memref<128xi32, #tpu.memory_space<vmem>>, vector<16xi32>,
      tpu.vector_store %arg19[%swap3A_507], %min3A_506 {strides = array<i32>} : memref<128xi32, #tpu.memory_space<vmem>>, vector<16xi32>,
      %get3A_509 = arith.constant 48 : index
      %get3A_510 = tpu.vector_load %arg15[%get3A_509] {strides = array<i32>} : memref<128xi32, #tpu.memory_space<vmem>>, vector<16xi32>,
      %get3A_511 = arith.constant 48 : index
      %get3A_512 = tpu.vector_load %arg16[%get3A_511] {strides = array<i32>} : memref<128xf32, #tpu.memory_space<vmem>>, vector<16xf32>,
      %get3A_513 = arith.constant 48 : index
      %get3A_514 = tpu.vector_load %arg17[%get3A_513] {strides = array<i32>} : memref<128xf32, #tpu.memory_space<vmem>>, vector<16xf32>,
      %mul3A_515 = arith.mulf %get3A_512, %get3A_514 : vector<16xf32>
      %ge3A_516 = vector.broadcast %mul3A_2 : i32 to vector<16xi32>
      %ge3A_517 = arith.cmpi sge, %get3A_510, %ge3A_516 : vector<16xi32>
      %add3A_518 = arith.constant 640 : i32
      %add3A_519 = arith.addi %mul3A_2, %add3A_518 : i32
      %lt3A_520 = vector.broadcast %add3A_519 : i32 to vector<16xi32>
      %lt3A_521 = arith.cmpi slt, %get3A_510, %lt3A_520 : vector<16xi32>
      %and3A_522 = arith.andi %ge3A_517, %lt3A_521 : vector<16xi1>
      %jit3A_523 = arith.constant 0.000000e+00 : f32
      %broadcast_in_dim3A_524 = vector.broadcast %jit3A_523 : f32 to vector<16xf32>
      %select_n3A_525 = arith.select %and3A_522, %mul3A_515, %broadcast_in_dim3A_524 : vector<16xi1>, vector<16xf32>
      %swap3A_526 = arith.constant 48 : index
      %swap3A_527 = tpu.vector_load %arg18[%swap3A_526] {strides = array<i32>} : memref<128xf32, #tpu.memory_space<vmem>>, vector<16xf32>,
      tpu.vector_store %arg18[%swap3A_526], %select_n3A_525 {strides = array<i32>} : memref<128xf32, #tpu.memory_space<vmem>>, vector<16xf32>,
      %sub3A_528 = vector.broadcast %mul3A_2 : i32 to vector<16xi32>
      %sub3A_529 = arith.subi %get3A_510, %sub3A_528 : vector<16xi32>
      %jit3A_530 = arith.constant 0 : i32
      %jit3A_531 = arith.constant 639 : i32
      %max3A_532 = vector.broadcast %jit3A_530 : i32 to vector<16xi32>
      %max3A_533 = arith.maxsi %max3A_532, %sub3A_529 : vector<16xi32>
      %min3A_534 = vector.broadcast %jit3A_531 : i32 to vector<16xi32>
      %min3A_535 = arith.minsi %min3A_534, %max3A_533 : vector<16xi32>
      %swap3A_536 = arith.constant 48 : index
      %swap3A_537 = tpu.vector_load %arg19[%swap3A_536] {strides = array<i32>} : memref<128xi32, #tpu.memory_space<vmem>>, vector<16xi32>,
      tpu.vector_store %arg19[%swap3A_536], %min3A_535 {strides = array<i32>} : memref<128xi32, #tpu.memory_space<vmem>>, vector<16xi32>,
      %get3A_538 = arith.constant 64 : index
      %get3A_539 = tpu.vector_load %arg15[%get3A_538] {strides = array<i32>} : memref<128xi32, #tpu.memory_space<vmem>>, vector<16xi32>,
      %get3A_540 = arith.constant 64 : index
      %get3A_541 = tpu.vector_load %arg16[%get3A_540] {strides = array<i32>} : memref<128xf32, #tpu.memory_space<vmem>>, vector<16xf32>,
      %get3A_542 = arith.constant 64 : index
      %get3A_543 = tpu.vector_load %arg17[%get3A_542] {strides = array<i32>} : memref<128xf32, #tpu.memory_space<vmem>>, vector<16xf32>,
      %mul3A_544 = arith.mulf %get3A_541, %get3A_543 : vector<16xf32>
      %ge3A_545 = vector.broadcast %mul3A_2 : i32 to vector<16xi32>
      %ge3A_546 = arith.cmpi sge, %get3A_539, %ge3A_545 : vector<16xi32>
      %add3A_547 = arith.constant 640 : i32
      %add3A_548 = arith.addi %mul3A_2, %add3A_547 : i32
      %lt3A_549 = vector.broadcast %add3A_548 : i32 to vector<16xi32>
      %lt3A_550 = arith.cmpi slt, %get3A_539, %lt3A_549 : vector<16xi32>
      %and3A_551 = arith.andi %ge3A_546, %lt3A_550 : vector<16xi1>
      %jit3A_552 = arith.constant 0.000000e+00 : f32
      %broadcast_in_dim3A_553 = vector.broadcast %jit3A_552 : f32 to vector<16xf32>
      %select_n3A_554 = arith.select %and3A_551, %mul3A_544, %broadcast_in_dim3A_553 : vector<16xi1>, vector<16xf32>
      %swap3A_555 = arith.constant 64 : index
      %swap3A_556 = tpu.vector_load %arg18[%swap3A_555] {strides = array<i32>} : memref<128xf32, #tpu.memory_space<vmem>>, vector<16xf32>,
      tpu.vector_store %arg18[%swap3A_555], %select_n3A_554 {strides = array<i32>} : memref<128xf32, #tpu.memory_space<vmem>>, vector<16xf32>,
      %sub3A_557 = vector.broadcast %mul3A_2 : i32 to vector<16xi32>
      %sub3A_558 = arith.subi %get3A_539, %sub3A_557 : vector<16xi32>
      %jit3A_559 = arith.constant 0 : i32
      %jit3A_560 = arith.constant 639 : i32
      %max3A_561 = vector.broadcast %jit3A_559 : i32 to vector<16xi32>
      %max3A_562 = arith.maxsi %max3A_561, %sub3A_558 : vector<16xi32>
      %min3A_563 = vector.broadcast %jit3A_560 : i32 to vector<16xi32>
      %min3A_564 = arith.minsi %min3A_563, %max3A_562 : vector<16xi32>
      %swap3A_565 = arith.constant 64 : index
      %swap3A_566 = tpu.vector_load %arg19[%swap3A_565] {strides = array<i32>} : memref<128xi32, #tpu.memory_space<vmem>>, vector<16xi32>,
      tpu.vector_store %arg19[%swap3A_565], %min3A_564 {strides = array<i32>} : memref<128xi32, #tpu.memory_space<vmem>>, vector<16xi32>,
      %get3A_567 = arith.constant 80 : index
      %get3A_568 = tpu.vector_load %arg15[%get3A_567] {strides = array<i32>} : memref<128xi32, #tpu.memory_space<vmem>>, vector<16xi32>,
      %get3A_569 = arith.constant 80 : index
      %get3A_570 = tpu.vector_load %arg16[%get3A_569] {strides = array<i32>} : memref<128xf32, #tpu.memory_space<vmem>>, vector<16xf32>,
      %get3A_571 = arith.constant 80 : index
      %get3A_572 = tpu.vector_load %arg17[%get3A_571] {strides = array<i32>} : memref<128xf32, #tpu.memory_space<vmem>>, vector<16xf32>,
      %mul3A_573 = arith.mulf %get3A_570, %get3A_572 : vector<16xf32>
      %ge3A_574 = vector.broadcast %mul3A_2 : i32 to vector<16xi32>
      %ge3A_575 = arith.cmpi sge, %get3A_568, %ge3A_574 : vector<16xi32>
      %add3A_576 = arith.constant 640 : i32
      %add3A_577 = arith.addi %mul3A_2, %add3A_576 : i32
      %lt3A_578 = vector.broadcast %add3A_577 : i32 to vector<16xi32>
      %lt3A_579 = arith.cmpi slt, %get3A_568, %lt3A_578 : vector<16xi32>
      %and3A_580 = arith.andi %ge3A_575, %lt3A_579 : vector<16xi1>
      %jit3A_581 = arith.constant 0.000000e+00 : f32
      %broadcast_in_dim3A_582 = vector.broadcast %jit3A_581 : f32 to vector<16xf32>
      %select_n3A_583 = arith.select %and3A_580, %mul3A_573, %broadcast_in_dim3A_582 : vector<16xi1>, vector<16xf32>
      %swap3A_584 = arith.constant 80 : index
      %swap3A_585 = tpu.vector_load %arg18[%swap3A_584] {strides = array<i32>} : memref<128xf32, #tpu.memory_space<vmem>>, vector<16xf32>,
      tpu.vector_store %arg18[%swap3A_584], %select_n3A_583 {strides = array<i32>} : memref<128xf32, #tpu.memory_space<vmem>>, vector<16xf32>,
      %sub3A_586 = vector.broadcast %mul3A_2 : i32 to vector<16xi32>
      %sub3A_587 = arith.subi %get3A_568, %sub3A_586 : vector<16xi32>
      %jit3A_588 = arith.constant 0 : i32
      %jit3A_589 = arith.constant 639 : i32
      %max3A_590 = vector.broadcast %jit3A_588 : i32 to vector<16xi32>
      %max3A_591 = arith.maxsi %max3A_590, %sub3A_587 : vector<16xi32>
      %min3A_592 = vector.broadcast %jit3A_589 : i32 to vector<16xi32>
      %min3A_593 = arith.minsi %min3A_592, %max3A_591 : vector<16xi32>
      %swap3A_594 = arith.constant 80 : index
      %swap3A_595 = tpu.vector_load %arg19[%swap3A_594] {strides = array<i32>} : memref<128xi32, #tpu.memory_space<vmem>>, vector<16xi32>,
      tpu.vector_store %arg19[%swap3A_594], %min3A_593 {strides = array<i32>} : memref<128xi32, #tpu.memory_space<vmem>>, vector<16xi32>,
      %get3A_596 = arith.constant 96 : index
      %get3A_597 = tpu.vector_load %arg15[%get3A_596] {strides = array<i32>} : memref<128xi32, #tpu.memory_space<vmem>>, vector<16xi32>,
      %get3A_598 = arith.constant 96 : index
      %get3A_599 = tpu.vector_load %arg16[%get3A_598] {strides = array<i32>} : memref<128xf32, #tpu.memory_space<vmem>>, vector<16xf32>,
      %get3A_600 = arith.constant 96 : index
      %get3A_601 = tpu.vector_load %arg17[%get3A_600] {strides = array<i32>} : memref<128xf32, #tpu.memory_space<vmem>>, vector<16xf32>,
      %mul3A_602 = arith.mulf %get3A_599, %get3A_601 : vector<16xf32>
      %ge3A_603 = vector.broadcast %mul3A_2 : i32 to vector<16xi32>
      %ge3A_604 = arith.cmpi sge, %get3A_597, %ge3A_603 : vector<16xi32>
      %add3A_605 = arith.constant 640 : i32
      %add3A_606 = arith.addi %mul3A_2, %add3A_605 : i32
      %lt3A_607 = vector.broadcast %add3A_606 : i32 to vector<16xi32>
      %lt3A_608 = arith.cmpi slt, %get3A_597, %lt3A_607 : vector<16xi32>
      %and3A_609 = arith.andi %ge3A_604, %lt3A_608 : vector<16xi1>
      %jit3A_610 = arith.constant 0.000000e+00 : f32
      %broadcast_in_dim3A_611 = vector.broadcast %jit3A_610 : f32 to vector<16xf32>
      %select_n3A_612 = arith.select %and3A_609, %mul3A_602, %broadcast_in_dim3A_611 : vector<16xi1>, vector<16xf32>
      %swap3A_613 = arith.constant 96 : index
      %swap3A_614 = tpu.vector_load %arg18[%swap3A_613] {strides = array<i32>} : memref<128xf32, #tpu.memory_space<vmem>>, vector<16xf32>,
      tpu.vector_store %arg18[%swap3A_613], %select_n3A_612 {strides = array<i32>} : memref<128xf32, #tpu.memory_space<vmem>>, vector<16xf32>,
      %sub3A_615 = vector.broadcast %mul3A_2 : i32 to vector<16xi32>
      %sub3A_616 = arith.subi %get3A_597, %sub3A_615 : vector<16xi32>
      %jit3A_617 = arith.constant 0 : i32
      %jit3A_618 = arith.constant 639 : i32
      %max3A_619 = vector.broadcast %jit3A_617 : i32 to vector<16xi32>
      %max3A_620 = arith.maxsi %max3A_619, %sub3A_616 : vector<16xi32>
      %min3A_621 = vector.broadcast %jit3A_618 : i32 to vector<16xi32>
      %min3A_622 = arith.minsi %min3A_621, %max3A_620 : vector<16xi32>
      %swap3A_623 = arith.constant 96 : index
      %swap3A_624 = tpu.vector_load %arg19[%swap3A_623] {strides = array<i32>} : memref<128xi32, #tpu.memory_space<vmem>>, vector<16xi32>,
      tpu.vector_store %arg19[%swap3A_623], %min3A_622 {strides = array<i32>} : memref<128xi32, #tpu.memory_space<vmem>>, vector<16xi32>,
      %get3A_625 = arith.constant 112 : index
      %get3A_626 = tpu.vector_load %arg15[%get3A_625] {strides = array<i32>} : memref<128xi32, #tpu.memory_space<vmem>>, vector<16xi32>,
      %get3A_627 = arith.constant 112 : index
      %get3A_628 = tpu.vector_load %arg16[%get3A_627] {strides = array<i32>} : memref<128xf32, #tpu.memory_space<vmem>>, vector<16xf32>,
      %get3A_629 = arith.constant 112 : index
      %get3A_630 = tpu.vector_load %arg17[%get3A_629] {strides = array<i32>} : memref<128xf32, #tpu.memory_space<vmem>>, vector<16xf32>,
      %mul3A_631 = arith.mulf %get3A_628, %get3A_630 : vector<16xf32>
      %ge3A_632 = vector.broadcast %mul3A_2 : i32 to vector<16xi32>
      %ge3A_633 = arith.cmpi sge, %get3A_626, %ge3A_632 : vector<16xi32>
      %add3A_634 = arith.constant 640 : i32
      %add3A_635 = arith.addi %mul3A_2, %add3A_634 : i32
      %lt3A_636 = vector.broadcast %add3A_635 : i32 to vector<16xi32>
      %lt3A_637 = arith.cmpi slt, %get3A_626, %lt3A_636 : vector<16xi32>
      %and3A_638 = arith.andi %ge3A_633, %lt3A_637 : vector<16xi1>
      %jit3A_639 = arith.constant 0.000000e+00 : f32
      %broadcast_in_dim3A_640 = vector.broadcast %jit3A_639 : f32 to vector<16xf32>
      %select_n3A_641 = arith.select %and3A_638, %mul3A_631, %broadcast_in_dim3A_640 : vector<16xi1>, vector<16xf32>
      %swap3A_642 = arith.constant 112 : index
      %swap3A_643 = tpu.vector_load %arg18[%swap3A_642] {strides = array<i32>} : memref<128xf32, #tpu.memory_space<vmem>>, vector<16xf32>,
      tpu.vector_store %arg18[%swap3A_642], %select_n3A_641 {strides = array<i32>} : memref<128xf32, #tpu.memory_space<vmem>>, vector<16xf32>,
      %sub3A_644 = vector.broadcast %mul3A_2 : i32 to vector<16xi32>
      %sub3A_645 = arith.subi %get3A_626, %sub3A_644 : vector<16xi32>
      %jit3A_646 = arith.constant 0 : i32
      %jit3A_647 = arith.constant 639 : i32
      %max3A_648 = vector.broadcast %jit3A_646 : i32 to vector<16xi32>
      %max3A_649 = arith.maxsi %max3A_648, %sub3A_645 : vector<16xi32>
      %min3A_650 = vector.broadcast %jit3A_647 : i32 to vector<16xi32>
      %min3A_651 = arith.minsi %min3A_650, %max3A_649 : vector<16xi32>
      %swap3A_652 = arith.constant 112 : index
      %swap3A_653 = tpu.vector_load %arg19[%swap3A_652] {strides = array<i32>} : memref<128xi32, #tpu.memory_space<vmem>>, vector<16xi32>,
      tpu.vector_store %arg19[%swap3A_652], %min3A_651 {strides = array<i32>} : memref<128xi32, #tpu.memory_space<vmem>>, vector<16xi32>,
      %dma_wait3A_654 = arith.constant 0 : i32
      %dma_wait3A_655 = arith.constant 0 : i32
      %dma_wait3A_656 = tpu.memref_slice %arg2[%dma_wait3A_654, %dma_wait3A_655] : memref<10000x128xf32, #tpu.memory_space<hbm>> -> memref<10000x128xf32, #tpu.memory_space<hbm>>
      tpu.wait_indirect_dma semaphore(%arg26 : memref<!tpu.dma_semaphore, #tpu.memory_space<semaphore_mem>>) src(%dma_wait3A_656 : memref<10000x128xf32, #tpu.memory_space<hbm>>) dst(%arg21 : memref<128x128xf32, #tpu.memory_space<vmem>>)
      %add3A_657 = arith.constant 2 : i32
      %add3A_658 = arith.addi %add3A_402, %add3A_657 : i32
      %add3A_659 = arith.addi %mul3A_51, %reduce_max3A_9 : i32
      %mul3A_660 = arith.constant 128 : i32
      %mul3A_661 = arith.muli %add3A_658, %mul3A_660 : i32
      %add3A_662 = arith.addi %add3A_659, %mul3A_661 : i32
      %multiple_of3A_663 = tpu.assume_multiple %add3A_662, 8 : i32
      %dma_start3A_664 = tpu.memref_slice %arg4[%multiple_of3A_663] : memref<641024xi32, #tpu.memory_space<hbm>> -> memref<128xi32, #tpu.memory_space<hbm>>
      %dma_start3A_665 = tpu.memref_slice %arg4[%multiple_of3A_663] : memref<641024xi32, #tpu.memory_space<hbm>> -> memref<128xi32, #tpu.memory_space<hbm>>
      tpu.enqueue_dma source(%dma_start3A_665 : memref<128xi32, #tpu.memory_space<hbm>>) target(%arg14 : memref<128xi32, #tpu.memory_space<vmem>>) target_semaphore(%arg24 : memref<!tpu.dma_semaphore, #tpu.memory_space<semaphore_mem>>)
      %dma_start3A_666 = tpu.memref_slice %arg3[%multiple_of3A_663] : memref<641024xi32, #tpu.memory_space<hbm>> -> memref<128xi32, #tpu.memory_space<hbm>>
      %dma_start3A_667 = tpu.memref_slice %arg3[%multiple_of3A_663] : memref<641024xi32, #tpu.memory_space<hbm>> -> memref<128xi32, #tpu.memory_space<hbm>>
      tpu.enqueue_dma source(%dma_start3A_667 : memref<128xi32, #tpu.memory_space<hbm>>) target(%arg15 : memref<128xi32, #tpu.memory_space<vmem>>) target_semaphore(%arg24 : memref<!tpu.dma_semaphore, #tpu.memory_space<semaphore_mem>>)
      %dma_start3A_668 = tpu.memref_slice %arg5[%multiple_of3A_663] : memref<641024xf32, #tpu.memory_space<hbm>> -> memref<128xf32, #tpu.memory_space<hbm>>
      %dma_start3A_669 = tpu.memref_slice %arg5[%multiple_of3A_663] : memref<641024xf32, #tpu.memory_space<hbm>> -> memref<128xf32, #tpu.memory_space<hbm>>
      tpu.enqueue_dma source(%dma_start3A_669 : memref<128xf32, #tpu.memory_space<hbm>>) target(%arg16 : memref<128xf32, #tpu.memory_space<vmem>>) target_semaphore(%arg24 : memref<!tpu.dma_semaphore, #tpu.memory_space<semaphore_mem>>)
      %dma_start3A_670 = tpu.memref_slice %arg6[%multiple_of3A_663] : memref<641024xf32, #tpu.memory_space<hbm>> -> memref<128xf32, #tpu.memory_space<hbm>>
      %dma_start3A_671 = tpu.memref_slice %arg6[%multiple_of3A_663] : memref<641024xf32, #tpu.memory_space<hbm>> -> memref<128xf32, #tpu.memory_space<hbm>>
      tpu.enqueue_dma source(%dma_start3A_671 : memref<128xf32, #tpu.memory_space<hbm>>) target(%arg17 : memref<128xf32, #tpu.memory_space<vmem>>) target_semaphore(%arg24 : memref<!tpu.dma_semaphore, #tpu.memory_space<semaphore_mem>>)
      %parallel_loop3A_672 = arith.constant 0 : i32
      %parallel_loop3A_673 = arith.constant 128 : i32
      %parallel_loop3A_674 = arith.constant 1 : i32
      scf.for %parallel_loop3A_675 = %parallel_loop3A_672 to %parallel_loop3A_673 step %parallel_loop3A_674  : i32 {
        %parallel_loop3A_676 = vector.broadcast %parallel_loop3A_675 : i32 to vector<16xi32>
        %parallel_loop3A_677 = tpu.vector_load_idx %arg18[%parallel_loop3A_676] : memref<128xf32, #tpu.memory_space<vmem>>[vector<16xi32>], vector<16xf32>,
        %parallel_loop3A_678 = tpu.vector_load_idx %arg19[%parallel_loop3A_676] : memref<128xi32, #tpu.memory_space<vmem>>[vector<16xi32>], vector<16xi32>,
        %parallel_loop3A_679 = tpu.vector_load_idx %arg21[%parallel_loop3A_676, %add3A_24] : memref<128x128xf32, #tpu.memory_space<vmem>>[vector<16xi32>, vector<16xi32>], vector<16xf32>,
        %parallel_loop3A_680 = arith.mulf %parallel_loop3A_679, %parallel_loop3A_677 : vector<16xf32>
        tpu.vector_store_idx %arg22[%parallel_loop3A_678, %add3A_24], %parallel_loop3A_680 {add = true} : memref<640x128xf32, #tpu.memory_space<vmem>>[vector<16xi32>, vector<16xi32>], vector<16xf32>,
        %parallel_loop3A_681 = tpu.vector_load_idx %arg21[%parallel_loop3A_676, %add3A_27] : memref<128x128xf32, #tpu.memory_space<vmem>>[vector<16xi32>, vector<16xi32>], vector<16xf32>,
        %parallel_loop3A_682 = arith.mulf %parallel_loop3A_681, %parallel_loop3A_677 : vector<16xf32>
        tpu.vector_store_idx %arg22[%parallel_loop3A_678, %add3A_27], %parallel_loop3A_682 {add = true} : memref<640x128xf32, #tpu.memory_space<vmem>>[vector<16xi32>, vector<16xi32>], vector<16xf32>,
        %parallel_loop3A_683 = tpu.vector_load_idx %arg21[%parallel_loop3A_676, %add3A_30] : memref<128x128xf32, #tpu.memory_space<vmem>>[vector<16xi32>, vector<16xi32>], vector<16xf32>,
        %parallel_loop3A_684 = arith.mulf %parallel_loop3A_683, %parallel_loop3A_677 : vector<16xf32>
        tpu.vector_store_idx %arg22[%parallel_loop3A_678, %add3A_30], %parallel_loop3A_684 {add = true} : memref<640x128xf32, #tpu.memory_space<vmem>>[vector<16xi32>, vector<16xi32>], vector<16xf32>,
        %parallel_loop3A_685 = tpu.vector_load_idx %arg21[%parallel_loop3A_676, %add3A_33] : memref<128x128xf32, #tpu.memory_space<vmem>>[vector<16xi32>, vector<16xi32>], vector<16xf32>,
        %parallel_loop3A_686 = arith.mulf %parallel_loop3A_685, %parallel_loop3A_677 : vector<16xf32>
        tpu.vector_store_idx %arg22[%parallel_loop3A_678, %add3A_33], %parallel_loop3A_686 {add = true} : memref<640x128xf32, #tpu.memory_space<vmem>>[vector<16xi32>, vector<16xi32>], vector<16xf32>,
        %parallel_loop3A_687 = tpu.vector_load_idx %arg21[%parallel_loop3A_676, %add3A_36] : memref<128x128xf32, #tpu.memory_space<vmem>>[vector<16xi32>, vector<16xi32>], vector<16xf32>,
        %parallel_loop3A_688 = arith.mulf %parallel_loop3A_687, %parallel_loop3A_677 : vector<16xf32>
        tpu.vector_store_idx %arg22[%parallel_loop3A_678, %add3A_36], %parallel_loop3A_688 {add = true} : memref<640x128xf32, #tpu.memory_space<vmem>>[vector<16xi32>, vector<16xi32>], vector<16xf32>,
        %parallel_loop3A_689 = tpu.vector_load_idx %arg21[%parallel_loop3A_676, %add3A_39] : memref<128x128xf32, #tpu.memory_space<vmem>>[vector<16xi32>, vector<16xi32>], vector<16xf32>,
        %parallel_loop3A_690 = arith.mulf %parallel_loop3A_689, %parallel_loop3A_677 : vector<16xf32>
        tpu.vector_store_idx %arg22[%parallel_loop3A_678, %add3A_39], %parallel_loop3A_690 {add = true} : memref<640x128xf32, #tpu.memory_space<vmem>>[vector<16xi32>, vector<16xi32>], vector<16xf32>,
        %parallel_loop3A_691 = tpu.vector_load_idx %arg21[%parallel_loop3A_676, %add3A_42] : memref<128x128xf32, #tpu.memory_space<vmem>>[vector<16xi32>, vector<16xi32>], vector<16xf32>,
        %parallel_loop3A_692 = arith.mulf %parallel_loop3A_691, %parallel_loop3A_677 : vector<16xf32>
        tpu.vector_store_idx %arg22[%parallel_loop3A_678, %add3A_42], %parallel_loop3A_692 {add = true} : memref<640x128xf32, #tpu.memory_space<vmem>>[vector<16xi32>, vector<16xi32>], vector<16xf32>,
        %parallel_loop3A_693 = tpu.vector_load_idx %arg21[%parallel_loop3A_676, %add3A_45] : memref<128x128xf32, #tpu.memory_space<vmem>>[vector<16xi32>, vector<16xi32>], vector<16xf32>,
        %parallel_loop3A_694 = arith.mulf %parallel_loop3A_693, %parallel_loop3A_677 : vector<16xf32>
        tpu.vector_store_idx %arg22[%parallel_loop3A_678, %add3A_45], %parallel_loop3A_694 {add = true} : memref<640x128xf32, #tpu.memory_space<vmem>>[vector<16xi32>, vector<16xi32>], vector<16xf32>,
      } {sc.loop_unroll_factor = 8 : i64, sc.parallel_access}
    }
    %dma_wait3A_108 = arith.constant 0 : i32
    %dma_wait3A_109 = arith.constant 0 : i32
    %dma_wait3A_110 = tpu.memref_slice %arg2[%dma_wait3A_108, %dma_wait3A_109] : memref<10000x128xf32, #tpu.memory_space<hbm>> -> memref<10000x128xf32, #tpu.memory_space<hbm>>
    tpu.wait_indirect_dma semaphore(%arg25 : memref<!tpu.dma_semaphore, #tpu.memory_space<semaphore_mem>>) src(%dma_wait3A_110 : memref<10000x128xf32, #tpu.memory_space<hbm>>) dst(%arg20 : memref<128x128xf32, #tpu.memory_space<vmem>>)
    %dma_wait3A_111 = arith.constant 0 : i32
    %dma_wait3A_112 = tpu.memref_slice %arg4[%dma_wait3A_111] : memref<641024xi32, #tpu.memory_space<hbm>> -> memref<128xi32, #tpu.memory_space<hbm>>
    %dma_wait3A_113 = arith.constant 0 : i32
    %dma_wait3A_114 = tpu.memref_slice %arg4[%dma_wait3A_113] : memref<641024xi32, #tpu.memory_space<hbm>> -> memref<128xi32, #tpu.memory_space<hbm>>
    tpu.wait_dma2 semaphore(%arg24 : memref<!tpu.dma_semaphore, #tpu.memory_space<semaphore_mem>>) src(%dma_wait3A_114 : memref<128xi32, #tpu.memory_space<hbm>>) dst(%arg14 : memref<128xi32, #tpu.memory_space<vmem>>)
    %dma_wait3A_115 = arith.constant 0 : i32
    %dma_wait3A_116 = tpu.memref_slice %arg3[%dma_wait3A_115] : memref<641024xi32, #tpu.memory_space<hbm>> -> memref<128xi32, #tpu.memory_space<hbm>>
    %dma_wait3A_117 = arith.constant 0 : i32
    %dma_wait3A_118 = tpu.memref_slice %arg3[%dma_wait3A_117] : memref<641024xi32, #tpu.memory_space<hbm>> -> memref<128xi32, #tpu.memory_space<hbm>>
    tpu.wait_dma2 semaphore(%arg24 : memref<!tpu.dma_semaphore, #tpu.memory_space<semaphore_mem>>) src(%dma_wait3A_118 : memref<128xi32, #tpu.memory_space<hbm>>) dst(%arg15 : memref<128xi32, #tpu.memory_space<vmem>>)
    %dma_wait3A_119 = arith.constant 0 : i32
    %dma_wait3A_120 = tpu.memref_slice %arg5[%dma_wait3A_119] : memref<641024xf32, #tpu.memory_space<hbm>> -> memref<128xf32, #tpu.memory_space<hbm>>
    %dma_wait3A_121 = arith.constant 0 : i32
    %dma_wait3A_122 = tpu.memref_slice %arg5[%dma_wait3A_121] : memref<641024xf32, #tpu.memory_space<hbm>> -> memref<128xf32, #tpu.memory_space<hbm>>
    tpu.wait_dma2 semaphore(%arg24 : memref<!tpu.dma_semaphore, #tpu.memory_space<semaphore_mem>>) src(%dma_wait3A_122 : memref<128xf32, #tpu.memory_space<hbm>>) dst(%arg16 : memref<128xf32, #tpu.memory_space<vmem>>)
    %dma_wait3A_123 = arith.constant 0 : i32
    %dma_wait3A_124 = tpu.memref_slice %arg6[%dma_wait3A_123] : memref<641024xf32, #tpu.memory_space<hbm>> -> memref<128xf32, #tpu.memory_space<hbm>>
    %dma_wait3A_125 = arith.constant 0 : i32
    %dma_wait3A_126 = tpu.memref_slice %arg6[%dma_wait3A_125] : memref<641024xf32, #tpu.memory_space<hbm>> -> memref<128xf32, #tpu.memory_space<hbm>>
    tpu.wait_dma2 semaphore(%arg24 : memref<!tpu.dma_semaphore, #tpu.memory_space<semaphore_mem>>) src(%dma_wait3A_126 : memref<128xf32, #tpu.memory_space<hbm>>) dst(%arg17 : memref<128xf32, #tpu.memory_space<vmem>>)
    %mul3A_127 = arith.constant 10240 : i32
    %mul3A_128 = arith.muli %arg0, %mul3A_127 : i32
    %add3A_129 = arith.addi %mul3A_128, %mul3A_2 : i32
    %multiple_of3A_130 = tpu.assume_multiple %add3A_129, 8 : i32
    "tpu.region"() ({
      %run_scoped3A = tpu.sem_alloc : memref<!tpu.dma_semaphore, #tpu.memory_space<semaphore_mem>>
      %dma_start3A_131 = arith.constant 0 : i32
      %dma_start3A_132 = tpu.memref_slice %arg8[%multiple_of3A_130, %dma_start3A_131] : memref<20480x128xf32, #tpu.memory_space<hbm>> -> memref<640x128xf32, #tpu.memory_space<hbm>>
      %dma_start3A_133 = arith.constant 0 : i32
      %dma_start3A_134 = tpu.memref_slice %arg8[%multiple_of3A_130, %dma_start3A_133] : memref<20480x128xf32, #tpu.memory_space<hbm>> -> memref<640x128xf32, #tpu.memory_space<hbm>>
      tpu.enqueue_dma source(%arg22 : memref<640x128xf32, #tpu.memory_space<vmem>>) target(%dma_start3A_134 : memref<640x128xf32, #tpu.memory_space<hbm>>) target_semaphore(%run_scoped3A : memref<!tpu.dma_semaphore, #tpu.memory_space<semaphore_mem>>)
      %dma_wait3A_135 = arith.constant 0 : i32
      %dma_wait3A_136 = tpu.memref_slice %arg8[%multiple_of3A_130, %dma_wait3A_135] : memref<20480x128xf32, #tpu.memory_space<hbm>> -> memref<640x128xf32, #tpu.memory_space<hbm>>
      %dma_wait3A_137 = arith.constant 0 : i32
      %dma_wait3A_138 = tpu.memref_slice %arg8[%multiple_of3A_130, %dma_wait3A_137] : memref<20480x128xf32, #tpu.memory_space<hbm>> -> memref<640x128xf32, #tpu.memory_space<hbm>>
      tpu.wait_dma2 semaphore(%run_scoped3A : memref<!tpu.dma_semaphore, #tpu.memory_space<semaphore_mem>>) src(%arg22 : memref<640x128xf32, #tpu.memory_space<vmem>>) dst(%dma_wait3A_138 : memref<640x128xf32, #tpu.memory_space<hbm>>)
      tpu.yield
    }) : () -> ()
    return
  }
}

module attributes {stable_mosaic.version = 14 : i64} {
  func.func @_combine_body(%arg0: i32, %arg1: memref<2x128x128xf32, #tpu.memory_space<vmem>>, %arg2: memref<1x1x128xf32, #tpu.memory_space<vmem>>, %arg3: memref<128x128xf32, #tpu.memory_space<vmem>>) attributes {dimension_semantics = [#tpu.dimension_semantics<arbitrary>], iteration_bounds = array<i64: 80>, scalar_prefetch = 0 : i64, scratch_operands = 0 : i64, tpu.core_type = #tpu.core_type<tc>, window_params = [{transform_indices = @transform_0, window_bounds = array<i64: 2, 128, 128>}, {transform_indices = @transform_1, window_bounds = array<i64: 1, 1, 128>}, {transform_indices = @transform_2, window_bounds = array<i64: 128, 128>}]} {
    %get3A = arith.constant 0 : index
    %get3A_0 = arith.constant 0 : index
    %get3A_1 = arith.constant 0 : index
    %get3A_2 = vector.load %arg1[%get3A, %get3A_0, %get3A_1] : memref<2x128x128xf32, #tpu.memory_space<vmem>>, vector<1x128x128xf32>
    %get3A_3 = vector.shape_cast %get3A_2 : vector<1x128x128xf32> to vector<128x128xf32>
    %get3A_4 = arith.constant 1 : index
    %get3A_5 = arith.constant 0 : index
    %get3A_6 = arith.constant 0 : index
    %get3A_7 = vector.load %arg1[%get3A_4, %get3A_5, %get3A_6] : memref<2x128x128xf32, #tpu.memory_space<vmem>>, vector<1x128x128xf32>
    %get3A_8 = vector.shape_cast %get3A_7 : vector<1x128x128xf32> to vector<128x128xf32>
    %add3A = arith.addf %get3A_3, %get3A_8 : vector<128x128xf32>
    %transpose3A = tpu.transpose %add3A, [1, 0] : vector<128x128xf32> -> vector<128x128xf32>
    %get3A_9 = arith.constant 0 : index
    %get3A_10 = arith.constant 0 : index
    %get3A_11 = arith.constant 0 : index
    %get3A_12 = vector.load %arg2[%get3A_9, %get3A_10, %get3A_11] : memref<1x1x128xf32, #tpu.memory_space<vmem>>, vector<1x1x128xf32>
    %get3A_13 = vector.shape_cast %get3A_12 : vector<1x1x128xf32> to vector<1x128xf32>
    %add3A_14 = vector.broadcast %get3A_13 : vector<1x128xf32> to vector<128x128xf32>
    %add3A_15 = arith.addf %transpose3A, %add3A_14 : vector<128x128xf32>
    %max3A = arith.constant 0.000000e+00 : f32
    %max3A_16 = vector.broadcast %max3A : f32 to vector<128x128xf32>
    %max3A_17 = arith.maximumf %add3A_15, %max3A_16 : vector<128x128xf32>
    %swap3A = arith.constant 0 : index
    %swap3A_18 = arith.constant 0 : index
    %swap3A_19 = vector.load %arg3[%swap3A, %swap3A_18] : memref<128x128xf32, #tpu.memory_space<vmem>>, vector<128x128xf32>
    tpu.vector_store %arg3[%swap3A, %swap3A_18], %max3A_17 {strides = array<i32>} : memref<128x128xf32, #tpu.memory_space<vmem>>, vector<128x128xf32>,
    return
  }
  func.func @transform_0(%arg0: i32) -> (i32, i32, i32) {
    %c0_i32 = arith.constant 0 : i32
    %c0_i32_0 = arith.constant 0 : i32
    %c0_i32_1 = arith.constant 0 : i32
    return %c0_i32, %arg0, %c0_i32_0 : i32, i32, i32
  }
  func.func @transform_1(%arg0: i32) -> (i32, i32, i32) {
    %c0_i32 = arith.constant 0 : i32
    %c0_i32_0 = arith.constant 0 : i32
    %c0_i32_1 = arith.constant 0 : i32
    return %arg0, %c0_i32, %c0_i32_0 : i32, i32, i32
  }
  func.func @transform_2(%arg0: i32) -> (i32, i32) {
    %c0_i32 = arith.constant 0 : i32
    %c0_i32_0 = arith.constant 0 : i32
    return %c0_i32, %arg0 : i32, i32
  }
}

</mosaic_0001>

<sc_bundles>
// kernel: kernel.4.cloned.1.call-start
scs
__scs_entry_jumppad:
0x0: {  	(pc) =	sbr.rel $0x88, $3  }
0x1: {  	(tag) =	ssettag $0x0;
	lr =	simm.s32 $0x1  }
0x2: {  	[smem:$0x3F97] =	sst lr;
	_ =	strace $0xD0000000  }
0x3: {  	_ = 	snop  }
0x4: {  	_ = 	snop  }
0x5: {  	_ = 	snop  }
0x6: {  	_ = 	snop  }
0x7: {  	_ = 	snop  }
__scs_overlays_trampoline_lowered:
0x8: {  	[smem:$0x3FA6] =	sst s0  }
0x9: {  	[smem:$0x3FA7] =	sst s1  }
0xa: {  	[smem:$0x3FA8] =	sst s2  }
0xb: {  	[smem:$0x3FA9] =	sst s3  }
0xc: {  	[smem:$0x3FAA] =	sst s4  }
0xd: {  	[smem:$0x3FAB] =	sst s5  }
0xe: {  	[smem:$0x3FAC] =	sst s6  }
0xf: {  	[smem:$0x3FAD] =	sst s7  }
0x10: {  	[smem:$0x3FAE] =	sst s8  }
0x11: {  	[smem:$0x3FAF] =	sst s9;
	s0 =	simm.s32 @!p0 $0x0  }
0x12: {  	s1 =	sld [smem:$0x3F95];
	s0 =	simm.s32 @p0 $0x1  }
0x13: {  	[smem:$0x3FB0] =	sst s0;
	s0 =	simm.s32 @!p1 $0x0  }
0x14: {  	s2 =	sld [smem:$0x3F94];
	s0 =	simm.s32 @p1 $0x1  }
0x15: {  	[smem:$0x3FB1] =	sst s0;
	s0 =	simm.s32 @!p2 $0x0  }
0x16: {  	s3 =	sld [smem:$0x3FDB];
	s0 =	simm.s32 @p2 $0x1  }
0x17: {  	s4 =	simm.s32 $0x1BF5;
	[smem:$0x3FB3] =	sst s0  }
0x18: {  	s0 =	sld [smem:$0x3F96];
	_ =	swait.ge [sflag:s4], $0x0  }
0x19: {  	s7 =	sld [smem:$0x3F97]  }
0x1a: {  	s8 =	sadd.s32 $0xFFFFE003, lr  }
0x1b: {  	s9 =	sadd.s32 $0xFFFFFEF7, lr;
	s5 =	simm.s32 $0xFFFFFFFF;
	p2 =	slt.u32 s8, $0xFFFFF086  }
0x1c: {  	p1 =	slt.u32 s9, $0xF7A;
	s5 =	simm.s32 @!p2 $0x0  }
0x1d: {  	s5 =	simm.s32 @p1 $0x1;
	p0 =	seq.s32 s7, s2  }
0x1e: {  	s7 =	smul.u32 @!p0 $0xF7A, s2;
	p2 =	seq.s32 @!p0 s5, $0x0  }
0x1f: {  	s9 =	smul.u32 $0xF7A, s1;
	s8 =	simm.s32 @!p0 $0x1BF5;
	p2 =	por !p2, p0  }
0x20: {  	[sflag:s8] =	ssyncset.s32 @!p0 $0xFFFFF086;
	s6 =	sadd.s32 @!p0 s3, s7;
	s7 =	simm.s32 @!p0 $0x108  }
0x21: {  	s3 =	sadd.s32 s3, s9;
	s6 =	sadd.s32 @!p0 $0x88, s6;
	s7 =	simm.s32 @p2 $0x1082  }
0x22: {  	[simem:s7], [sflag:s8] =	dma.local @!p0 [hbm:s6], $0xF7A  }
0x23: {  	s9 =	sor.u32 $0xD0000000, s2;
	s6 =	simm.s32 $0x108;
	_ =	swait.ge @!p0 [sflag:s8], $0x0  }
0x24: {  	s3 =	sadd.s32 $0x88, s3;
	s6 =	simm.s32 @!p1 $0x1082;
	[sflag:s4] =	ssyncset.s32 $0xFFFFF086  }
0x25: {  	[simem:s6], [sflag:s4] =	dma.local [hbm:s3], $0xF7A  }
0x26: {  	[smem:$0x3F97] =	sst s1;
	(tag) =	ssettag s2;
	_ =	strace s9  }
0x27: {  	s1 =	sld [smem:$0x3FA7]  }
0x28: {  	s2 =	sld [smem:$0x3FA8]  }
0x29: {  	s4 =	sld [smem:$0x3FAA]  }
0x2a: {  	p0 =	seq.s32 s5, $0x0;
	s5 =	sld [smem:$0x3FAB]  }
0x2b: {  	s6 =	sld [smem:$0x3FAC]  }
0x2c: {  	s7 =	sld [smem:$0x3FAD]  }
0x2d: {  	s3 =	simm.s32 $0x108;
	s8 =	sld [smem:$0x3FAE]  }
0x2e: {  	s3 =	simm.s32 @!p0 $0x1082;
	s9 =	sld [smem:$0x3FAF]  }
0x2f: {  	lr =	sadd.s32 s0, s3;
	s0 =	sld [smem:$0x3FA6]  }
0x30: {  	s3 =	sld [smem:$0x3FA9]  }
0x31: {  	[smem:$0x3FB2] =	sst s10  }
0x32: {  	s10 =	sld [smem:$0x3FB0];
	_ =	sdelay $0x3  }
0x33: {  	p0 =	seq.s32 s10, $0x1;
	s10 =	sld [smem:$0x3FB2];
	_ =	sdelay $0x3  }
0x34: {  	[smem:$0x3FB2] =	sst s10  }
0x35: {  	s10 =	sld [smem:$0x3FB1];
	_ =	sdelay $0x3  }
0x36: {  	p1 =	seq.s32 s10, $0x1;
	s10 =	sld [smem:$0x3FB2];
	_ =	sdelay $0x3  }
0x37: {  	[smem:$0x3FB2] =	sst s10  }
0x38: {  	s10 =	sld [smem:$0x3FB3]  }
0x39: {  	_ = 	snop;
	(pc) =	sbr.ind lr, $3  }
0x3a: {  	_ = 	snop  }
0x3b: {  	_ = 	snop  }
0x3c: {  	p2 =	seq.s32 s10, $0x1;
	s10 =	sld [smem:$0x3FB2]  }
0x3d: {  	_ =	shalt  }
0x3e: {  	_ =	shalt  }
0x3f: {  	_ =	shalt  }
0x40: {  	_ =	shalt  }
0x41: {  	_ =	shalt  }
0x42: {  	_ =	shalt  }
0x43: {  	_ =	shalt  }
0x44: {  	_ =	shalt  }
0x45: {  	_ =	shalt  }
0x46: {  	_ =	shalt  }
0x47: {  	_ =	shalt  }
0x48: {  	_ =	shalt  }
0x49: {  	_ =	shalt  }
0x4a: {  	_ =	shalt  }
0x4b: {  	_ =	shalt  }
0x4c: {  	_ =	shalt  }
0x4d: {  	_ =	shalt  }
0x4e: {  	_ =	shalt  }
0x4f: {  	_ =	shalt  }
0x50: {  	_ =	shalt  }
0x51: {  	_ =	shalt  }
0x52: {  	_ =	shalt  }
0x53: {  	_ =	shalt  }
0x54: {  	_ =	shalt  }
0x55: {  	_ =	shalt  }
0x56: {  	_ =	shalt  }
0x57: {  	_ =	shalt  }
0x58: {  	_ =	shalt  }
0x59: {  	_ =	shalt  }
0x5a: {  	_ =	shalt  }
0x5b: {  	_ =	shalt  }
0x5c: {  	_ =	shalt  }
0x5d: {  	_ =	shalt  }
0x5e: {  	_ =	shalt  }
0x5f: {  	_ =	shalt  }
0x60: {  	_ =	shalt  }
0x61: {  	_ =	shalt  }
0x62: {  	_ =	shalt  }
0x63: {  	_ =	shalt  }
0x64: {  	_ =	shalt  }
0x65: {  	_ =	shalt  }
0x66: {  	_ =	shalt  }
0x67: {  	_ =	shalt  }
0x68: {  	_ =	shalt  }
0x69: {  	_ =	shalt  }
0x6a: {  	_ =	shalt  }
0x6b: {  	_ =	shalt  }
0x6c: {  	_ =	shalt  }
0x6d: {  	_ =	shalt  }
0x6e: {  	_ =	shalt  }
0x6f: {  	_ =	shalt  }
0x70: {  	_ =	shalt  }
0x71: {  	_ =	shalt  }
0x72: {  	_ =	shalt  }
0x73: {  	_ =	shalt  }
0x74: {  	_ =	shalt  }
0x75: {  	_ =	shalt  }
0x76: {  	_ =	shalt  }
0x77: {  	_ =	shalt  }
0x78: {  	_ =	shalt  }
0x79: {  	_ =	shalt  }
0x7a: {  	_ =	shalt  }
0x7b: {  	_ =	shalt  }
0x7c: {  	_ =	shalt  }
0x7d: {  	_ =	shalt  }
0x7e: {  	_ =	shalt  }
0x7f: {  	_ =	shalt  }
0x80: {  	_ =	shalt  }
0x81: {  	_ =	shalt  }
0x82: {  	_ =	shalt  }
0x83: {  	_ =	shalt  }
0x84: {  	_ =	shalt  }
0x85: {  	_ =	shalt  }
0x86: {  	_ =	shalt  }
0x87: {  	_ =	shalt  }
.Lfunc_end0:
.L_simem_size_0:
called_computation_lowered:
.L_overlay_start_0:
0x88: {  	s2 =	sld [smem:$0x3FD9]  }
0x89: {  	s3 =	sld [smem:$0x3FFE];
	_ =	sdelay $0x1  }
0x8a: {  	s1 =	srdreg.scid  }
0x8b: {  	s0 =	sand.u32 $0x1, s1  }
0x8c: {  	s17 =	sshll.u32 s0, $0xA;
	s2 =	sadd.s32 s3, s2  }
0x8d: {  	s2 =	sadd.s32 s2, s17  }
0x8e: {  	[smem:$0x3FBE] =	sst s2  }
0x8f: {  	_ = 	snop  }
0x90: {  	s2 =	sld [smem:$0x3FC9]  }
0x91: {  	s18 =	sld [smem:$0x3FD0];
	(tm) =	ssettm $0x1  }
0x92: {  	s4 =	sld [smem:$0x3FFB];
	_ =	sdelay $0x3  }
0x93: {  	_ =	strace s4  }
0x94: {  	s4 =	sld [smem:$0x3FFC];
	_ =	sdelay $0x3  }
0x95: {  	_ =	strace s4  }
0x96: {  	s4 =	sld [smem:$0x3FFD];
	_ =	sdelay $0x3  }
0x97: {  	_ =	strace s4  }
0x98: {  	_ =	strace $0x8FFFFFFF  }
0x99: {  	s19 =	sld [smem:$0x3FDB];
	_ =	sdelay $0x1  }
0x9a: {  	s5 =	simm.s32 $_scs_section_size  }
0x9b: {  	s6 =	simm.s32 $_size__tile_overlayer_lowered;
	s7 =	simm.s32 $_tile_overlayer_lowered  }
0x9c: {  	s22 =	simm.s32 $0x1BFF;
	s21 =	sshll.u32 s7, $0x1;
	s4 =	sadd.s32 s5, s19  }
0x9d: {  	s8 =	simm.s32 $0x0;
	s20 =	sshll.u32 s6, $0x1;
	s6 =	sadd.s32 s21, s4  }
0x9e: {  	[timem:s8], [sflag:s22] =	dma.local [hbm:s6], s20  }
0x9f: {  	_ =	swait.ge [sflag:s22], s20  }
0xa0: {  	s5 =	ssub.s32 $0x0, s20;
	[sflag:s22] =	ssyncset.done $0x0  }
0xa1: {  	[sflag:s22] =	ssyncadd.s32 s5;
	_ =	sdelay $0x1  }
0xa2: {  	s23 =	simm.s32 $0x1B8B  }
0xa3: {  	_ =	swait.ge [sflag:s23], $0x1  }
0xa4: {  	[sflag:s23] =	ssyncset.done $0x0  }
0xa5: {  	s25 =	simm.s32 $0x1B8E;
	s24 =	sld [smem:$0x3FFE];
	[sflag:s23] =	ssyncadd.s32 $0xFFFFFFFF  }
0xa6: {  	s26 =	simm.s32 $execute0_lowered;
	[smem:$0x3FD2] =	sst s25  }
0xa7: {  	s6 =	sshll.u32 s26, $0x1;
	_ =	strace $0x80000046;
	[dreg:$0x1] =	wrdreg $0xFFFFFFFF  }
0xa8: {  	s28 =	simm.s32 $_size_execute0_lowered;
	s4 =	sadd.s32 s4, s6;
	[dreg:$0x0] =	wrdreg $0x0  }
0xa9: {  	s6 =	sshll.u32 s28, $0x1;
	[dreg:$0x2] =	wrdreg s4  }
0xaa: {  	[dreg:$0x3] =	wrdreg s6  }
0xab: {  	[dreg:$0x4] =	wrdreg $0xC0  }
0xac: {  	_ =	task [dreg:s8], $0x5FFFF  }
0xad: {  	[dreg:$0x1] =	wrdreg $0xFFFFFFFF  }
0xae: {  	[dreg:$0x0] =	wrdreg $0x60  }
0xaf: {  	[dreg:$0x2] =	wrdreg s2  }
0xb0: {  	[dreg:$0x3] =	wrdreg s18  }
0xb1: {  	[dreg:$0x4] =	wrdreg s24  }
0xb2: {  	[dreg:$0x5] =	wrdreg $0x9  }
0xb3: {  	_ =	task.clear_ibuf [dreg:s8], $0x6FFFF;
	_ =	strace $0x90000046  }
0xb4: {  	s29 =	simm.s32 $0x9;
	_ =	strace $0x80000048  }
0xb5: {  	_ =	swait.ge [sflag:s29], $0x1  }
0xb6: {  	[sflag:s29] =	ssyncadd.s32 $0xFFFFFFFF  }
0xb7: {  	_ =	strace $0x90000048  }
0xb8: {  	_ =	sfence  }
0xb9: {  	s30 =	sld [smem:$0x0];
	_ =	sdelay $0x2  }
0xba: {  	s31 =	sshll.u32 s1, $0xD;
	s1 =	sshrl.u32 s1, $0x2  }
0xbb: {  	s3 =	sand.u32 $0x4000, s31;
	s1 =	sadd.s32 s1, s30  }
0xbc: {  	s0 =	sor.u32 s3, s0;
	s1 =	sshll.u32 s1, $0x11  }
0xbd: {  	s0 =	sor.u32 s1, s0  }
0xbe: {  	s0 =	sadd.s32 $0x8F2B, s0  }
0xbf: {  	[sflag:s0] =	ssyncadd.remote.s32 $0x1  }
0xc0: {  	_ =	sfence.sel $0xFFFF  }
0xc1: {  	[dreg:$0x0] =	wrdreg $0xFFFFFFFF;
	(pc) =	sbr.abs _section_cstart, $3  }
0xc2: {  	[dreg:$0x1] =	wrdreg $0xFFFFFFFF  }
0xc3: {  	_ =	task.clear_ibuf [dreg:s8], $0x2FFFF;
	_ =	strace $0x9FFFFFFF  }
0xc4: {  	(tm) =	ssettm $0x7FFFFFFF  }
0xc5: {  	_ =	shalt  }
tec
execute0_lowered:
.L_overlay_start_1:
0x0: {  	(tag) =	ssettag $0x1  }
0x1: {  	s1 =	rddreg [dreg:$0x0]  }
0x2: {  	s2 =	rddreg [dreg:$0x1]  }
0x3: {  	s0 =	rddreg [dreg:$0x2]  }
0x4: {  	s15 =	simm.s32 $0x0;
	s3 =	srdreg.scid;
	s12 =	stileid.u32  }
0x5: {  	s13 =	simm.s32 $0x8580;
	s14 =	simm.s32 $0x80;
	s18 =	simm.s32 $0x1  }
0x6: {  	s19 =	simm.s32 $0x580;
	s20 =	simm.s32 $0x280;
	s28 =	simm.s32 $0x480  }
0x7: {  	s29 =	simm.s32 $0x500;
	s30 =	simm.s32 $0x4;
	[smem:$0x7FF] =	sst s15  }
0x8: {  	s3 =	sand.u32 $0x1, s3;
	s4 =	smul.u32 $0x280, s12;
	s5 =	sadd.s32 $0x2000, s0  }
0x9: {  	s6 =	sadd.s32 $0x29400, s0;
	s7 =	sadd.s32 $0x15A00, s0;
	s9 =	sadd.s32 $0x1E00, s0  }
0xa: {  	_ =	strace $0x80000047;
	s8 =	smul.u32 $0x2800, s3;
	[dreg:$0x4] =	wrdreg s9  }
0xb: {  	s22 =	ssub.s32 $0x2, s3;
	s11 =	sshll.u32 s3, $0x4;
	s3 =	smul.u32 $0x4E400, s3  }
0xc: {  	s10 =	sshrl.u32 s22, $0x1;
	s24 =	sor.u32 s12, s11;
	s26 =	sadd.s32 $0x280, s4  }
0xd: {  	s8 =	sadd.s32 s4, s8;
	s23 =	ssub.s32 s22, s10;
	s25 =	sor.u32 $0x20, s24  }
.Ltmp0:
0xe: {  	v3 =	vlaneseq.u32;
	[dreg:$0x5] =	wrdreg s3;
	s22 =	simm.s32 $0x380;
	(pc) =	sbr.rel .LBB2_1-.Ltmp0, $4  }
0xf: {  	v5 =	vimm.f32 $0.0e+00;
	v0 =	vmov s24;
	v4 =	vmov s26;
	s24 =	simm.s32 $0x2;
	s26 =	simm.s32 $0x3;
	s8 =	sshll.u32 s8, $0x4  }
0x10: {  	v6 =	vor.u32 $0x10, v3;
	v7 =	vor.u32 $0x20, v3;
	v8 =	vor.u32 $0x30, v3;
	s3 =	simm.s32 $0x0;
	s31 =	smax.u32 s23, $0x1;
	s0 =	sadd.s32 s8, s0  }
0x11: {  	v9 =	vor.u32 $0x40, v3;
	v10 =	vor.u32 $0x50, v3;
	v11 =	vor.u32 $0x60, v3;
	s23 =	simm.s32 $0x400;
	[dreg:$0x7] =	wrdreg s31;
	s0 =	sadd.s32 $0x3CE00, s0  }
0x12: {  	v12 =	vor.u32 $0x70, v3;
	v2 =	vmov s4;
	v1 =	vmov s25;
	s25 =	simm.s32 $0x4580;
	s8 =	simm.s32 $0x5;
	[dreg:$0x6] =	wrdreg s0  }
.LBB2_10:
0x13: {  	_ =	swait.ge [sflag:s26], $0x4000  }
0x14: {  	[sflag:s26] =	ssyncset.done $0x0  }
0x15: {  	[sflag:s26] =	ssyncadd.s32 $0xFFFFC000  }
0x16: {  	_ =	swait.ge [sflag:s24], $0x80  }
0x17: {  	[sflag:s24] =	ssyncset.done $0x0  }
0x18: {  	[sflag:s24] =	ssyncadd.s32 $0xFFFFFF80  }
0x19: {  	_ =	swait.ge [sflag:s24], $0x80  }
0x1a: {  	[sflag:s24] =	ssyncset.done $0x0  }
0x1b: {  	[sflag:s24] =	ssyncadd.s32 $0xFFFFFF80  }
0x1c: {  	_ =	swait.ge [sflag:s24], $0x80  }
0x1d: {  	[sflag:s24] =	ssyncset.done $0x0  }
0x1e: {  	[sflag:s24] =	ssyncadd.s32 $0xFFFFFF80  }
0x1f: {  	_ =	swait.ge [sflag:s24], $0x80  }
0x20: {  	s15 =	simm.s32 $0x0;
	[sflag:s24] =	ssyncset.done $0x0  }
0x21: {  	s8 =	simm.s32 $0x5;
	s0 =	rddreg [dreg:$0x6];
	[sflag:s24] =	ssyncadd.s32 $0xFFFFFF80  }
0x22: {  	[hbm4b:s0+s15] =	stream.linear.scatter [tilespmem:s13], [sflag:$0x5], $0x14000, $0x38;
	[tilespmem:$0x1C580] =	vst v63  }
0x23: {  	_ =	swait.ge [sflag:s8], $0x14000  }
0x24: {  	s3 =	rddreg [dreg:$0x8]  }
0x25: {  	s31 =	rddreg [dreg:$0x7];
	s3 =	sadd.s32 $0x1, s3  }
0x26: {  	p0 =	sne.s32 s3, s31  }
.Ltmp1:
0x27: {  	_ = 	snop;
	(pc) =	sbr.rel @!p0 .LBB2_11-.Ltmp1, $3  }
0x28: {  	_ =	sdelay $0x1  }
0x29: {  	[sflag:s8] =	ssyncset.done $0x0  }
0x2a: {  	[sflag:s8] =	ssyncadd.s32 $0xFFFEC000  }
.LBB2_1:
0x2b: {  	s0 =	rddreg [dreg:$0x4];
	s31 =	simm.s32 $0x80;
	s9 =	simm.s32 $0x180  }
0x2c: {  	[tilespmem:s15], [sflag:$0x5] =	stream.linear.gather [hbm4b:s0+s15], $0x80, $0x38;
	[tilespmem:$0x1C580] =	vst v63  }
0x2d: {  	[dreg:$0x8] =	wrdreg s3;
	s0 =	simm.s32 $0x0;
	v18 =	vor.u32 s31, v3;
	v17 =	vor.u32 s31, v6;
	v33 =	vor.u32 s9, v3  }
0x2e: {  	v20 =	vor.u32 s31, v7;
	v19 =	vor.u32 s31, v8;
	_ =	swait.ge [sflag:s8], $0x80;
	v24 =	vor.u32 s0, v3  }
0x2f: {  	v29 =	vor.u32 s9, v6;
	v22 =	vor.u32 s31, v9;
	v21 =	vor.u32 s31, v10;
	[sflag:s8] =	ssyncset.done $0x0  }
0x30: {  	v30 =	vor.u32 s9, v7;
	v26 =	vor.u32 s31, v11;
	v23 =	vor.u32 s31, v12;
	[sflag:s8] =	ssyncadd.s32 $0xFFFFFF80  }
0x31: {  	v31 =	vor.u32 s9, v8;
	v32 =	vor.u32 s9, v9;
	v14 =	vor.u32 s0, v6;
	s8 =	simm.s32 $0x100;
	v16 =	vld.idx.msk [tilespmem:v0+s15+$0x0], $0xffff  }
0x32: {  	v13 =	vor.u32 s0, v7;
	v15 =	vld.idx.msk [tilespmem:v1+s15+$0x0], $0xffff;
	v28 =	vor.u32 s8, v3;
	v27 =	vor.u32 s8, v7;
	[tilespmem:v33+s13+$0x0] =	vst.idx.msk $0xffff, v5  }
0x33: {  	s3 =	simm.s32 $0x4;
	v25 =	vor.u32 s8, v8;
	v33 =	vor.u32 s9, v10;
	[tilespmem:v24+s13+$0x0] =	vst.idx.msk $0xffff, v5;
	v24 =	vor.u32 s8, v6  }
.LBB2_2:
0x34: {  	p0 =	slt.u32 s3, $0x27C;
	v34 =	vor.u32 s8, v9;
	v35 =	vor.u32 s8, v10;
	[tilespmem:v29+s13+$0x0] =	vst.idx.msk $0xffff, v5;
	v29 =	vor.u32 s9, v11  }
0x35: {  	v36 =	vor.u32 s8, v11;
	v37 =	vor.u32 s8, v12;
	[tilespmem:v30+s13+$0x0] =	vst.idx.msk $0xffff, v5;
	v30 =	vor.u32 s9, v12  }
0x36: {  	v38 =	vor.u32 s0, v8;
	v39 =	vor.u32 s0, v9;
	v40 =	vor.u32 s0, v10;
	[tilespmem:v31+s13+$0x0] =	vst.idx.msk $0xffff, v5  }
0x37: {  	v41 =	vor.u32 s0, v12;
	v31 =	vor.u32 s0, v11;
	[tilespmem:v32+s13+$0x0] =	vst.idx.msk $0xffff, v5  }
0x38: {  	[tilespmem:v33+s13+$0x0] =	vst.idx.msk $0xffff, v5  }
0x39: {  	[tilespmem:v29+s13+$0x0] =	vst.idx.msk $0xffff, v5  }
0x3a: {  	[tilespmem:v30+s13+$0x0] =	vst.idx.msk $0xffff, v5  }
0x3b: {  	[tilespmem:v18+s13+$0x0] =	vst.idx.msk $0xffff, v5  }
0x3c: {  	[tilespmem:v17+s13+$0x0] =	vst.idx.msk $0xffff, v5  }
0x3d: {  	[tilespmem:v20+s13+$0x0] =	vst.idx.msk $0xffff, v5  }
0x3e: {  	[tilespmem:v19+s13+$0x0] =	vst.idx.msk $0xffff, v5  }
0x3f: {  	[tilespmem:v22+s13+$0x0] =	vst.idx.msk $0xffff, v5  }
0x40: {  	[tilespmem:v21+s13+$0x0] =	vst.idx.msk $0xffff, v5  }
0x41: {  	[tilespmem:v26+s13+$0x0] =	vst.idx.msk $0xffff, v5  }
0x42: {  	[tilespmem:v23+s13+$0x0] =	vst.idx.msk $0xffff, v5  }
0x43: {  	[tilespmem:v28+s13+$0x0] =	vst.idx.msk $0xffff, v5  }
0x44: {  	[tilespmem:v24+s13+$0x0] =	vst.idx.msk $0xffff, v5  }
0x45: {  	[tilespmem:v27+s13+$0x0] =	vst.idx.msk $0xffff, v5  }
0x46: {  	[tilespmem:v25+s13+$0x0] =	vst.idx.msk $0xffff, v5  }
0x47: {  	[tilespmem:v34+s13+$0x0] =	vst.idx.msk $0xffff, v5  }
0x48: {  	[tilespmem:v35+s13+$0x0] =	vst.idx.msk $0xffff, v5  }
0x49: {  	[tilespmem:v36+s13+$0x0] =	vst.idx.msk $0xffff, v5  }
0x4a: {  	[tilespmem:v37+s13+$0x0] =	vst.idx.msk $0xffff, v5  }
0x4b: {  	[tilespmem:v14+s13+$0x0] =	vst.idx.msk $0xffff, v5  }
0x4c: {  	s0 =	sshll.u32 s3, $0x7;
	[tilespmem:v13+s13+$0x0] =	vst.idx.msk $0xffff, v5  }
0x4d: {  	s4 =	sadd.s32 $0x80, s0;
	s8 =	sadd.s32 $0x100, s0;
	s9 =	sadd.s32 $0x180, s0;
	v24 =	vor.u32 s0, v3;
	v14 =	vor.u32 s0, v6;
	v13 =	vor.u32 s0, v7;
	[tilespmem:v38+s13+$0x0] =	vst.idx.msk $0xffff, v5  }
0x4e: {  	v33 =	vor.u32 s9, v3;
	v18 =	vor.u32 s4, v3;
	v17 =	vor.u32 s4, v6;
	[tilespmem:v39+s13+$0x0] =	vst.idx.msk $0xffff, v5  }
.Ltmp2:
0x4f: {  	v29 =	vor.u32 s9, v6;
	v20 =	vor.u32 s4, v7;
	v19 =	vor.u32 s4, v8;
	[tilespmem:v40+s13+$0x0] =	vst.idx.msk $0xffff, v5;
	(pc) =	sbr.rel @p0 .LBB2_2-.Ltmp2, $4  }
0x50: {  	v30 =	vor.u32 s9, v7;
	v22 =	vor.u32 s4, v9;
	v21 =	vor.u32 s4, v10;
	[tilespmem:v31+s13+$0x0] =	vst.idx.msk $0xffff, v5  }
0x51: {  	v26 =	vor.u32 s4, v11;
	v23 =	vor.u32 s4, v12;
	v31 =	vor.u32 s9, v8;
	[tilespmem:v41+s13+$0x0] =	vst.idx.msk $0xffff, v5  }
0x52: {  	v32 =	vor.u32 s9, v9;
	v28 =	vor.u32 s8, v3;
	[tilespmem:v24+s13+$0x0] =	vst.idx.msk $0xffff, v5;
	v24 =	vor.u32 s8, v6  }
0x53: {  	s3 =	sadd.s32 $0x4, s3;
	v27 =	vor.u32 s8, v7;
	v25 =	vor.u32 s8, v8;
	[tilespmem:v33+s13+$0x0] =	vst.idx.msk $0xffff, v5;
	v33 =	vor.u32 s9, v10  }
0x54: {  	_ =	sdelay $0x3  }
0x55: {  	[tilespmem:v29+s13+$0x0] =	vst.idx.msk $0xffff, v5  }
0x56: {  	[tilespmem:v18+s13+$0x0] =	vst.idx.msk $0xffff, v5  }
0x57: {  	[tilespmem:v28+s13+$0x0] =	vst.idx.msk $0xffff, v5  }
0x58: {  	[tilespmem:v14+s13+$0x0] =	vst.idx.msk $0xffff, v5  }
0x59: {  	v16 =	vxor.u32 $0x80000000, v16;
	[tilespmem:v30+s13+$0x0] =	vst.idx.msk $0xffff, v5  }
0x5a: {  	(xrf0) =	vmax.scan.msk.u32 $0xffff, v16;
	[tilespmem:v17+s13+$0x0] =	vst.idx.msk $0xffff, v5  }
0x5b: {  	[tilespmem:v24+s13+$0x0] =	vst.idx.msk $0xffff, v5  }
0x5c: {  	[tilespmem:v13+s13+$0x0] =	vst.idx.msk $0xffff, v5  }
0x5d: {  	[tilespmem:v31+s13+$0x0] =	vst.idx.msk $0xffff, v5  }
0x5e: {  	[tilespmem:v20+s13+$0x0] =	vst.idx.msk $0xffff, v5  }
0x5f: {  	[tilespmem:v27+s13+$0x0] =	vst.idx.msk $0xffff, v5  }
0x60: {  	v56 =	vor.u32 s9, v11;
	[tilespmem:v32+s13+$0x0] =	vst.idx.msk $0xffff, v5;
	v16, _, _ =	vpop (xrf0)  }
0x61: {  	[tilespmem:v19+s13+$0x0] =	vst.idx.msk $0xffff, v5;
	(v2sf) =	vpush v16, $0xF  }
0x62: {  	v15 =	vxor.u32 $0x80000000, v15;
	v61 =	vor.u32 s0, v8;
	[tilespmem:v25+s13+$0x0] =	vst.idx.msk $0xffff, v5  }
0x63: {  	v57 =	vor.u32 s9, v12;
	[tilespmem:v33+s13+$0x0] =	vst.idx.msk $0xffff, v5;
	(xrf0) =	vmax.scan.msk.u32 $0xffff, v15  }
0x64: {  	[tilespmem:v22+s13+$0x0] =	vst.idx.msk $0xffff, v5;
	v15 =	vor.u32 s8, v9  }
0x65: {  	[tilespmem:v56+s13+$0x0] =	vst.idx.msk $0xffff, v5  }
0x66: {  	[tilespmem:v21+s13+$0x0] =	vst.idx.msk $0xffff, v5  }
0x67: {  	v58 =	vor.u32 s8, v10;
	[tilespmem:v61+s13+$0x0] =	vst.idx.msk $0xffff, v5  }
0x68: {  	v59 =	vor.u32 s8, v11;
	[tilespmem:v57+s13+$0x0] =	vst.idx.msk $0xffff, v5  }
0x69: {  	v60 =	vor.u32 s8, v12;
	[tilespmem:v15+s13+$0x0] =	vst.idx.msk $0xffff, v5;
	v15, _, _ =	vpop (xrf0)  }
0x6a: {  	[tilespmem:v26+s13+$0x0] =	vst.idx.msk $0xffff, v5;
	(v2sf) =	vpush v15, $0xF;
	v15 =	vor.u32 s0, v9  }
0x6b: {  	[tilespmem:v23+s13+$0x0] =	vst.idx.msk $0xffff, v5  }
0x6c: {  	[tilespmem:v58+s13+$0x0] =	vst.idx.msk $0xffff, v5  }
0x6d: {  	v62 =	vor.u32 s0, v10;
	[tilespmem:v59+s13+$0x0] =	vst.idx.msk $0xffff, v5  }
0x6e: {  	v63 =	vor.u32 s0, v11;
	[tilespmem:v60+s13+$0x0] =	vst.idx.msk $0xffff, v5  }
0x6f: {  	v14 =	vor.u32 s0, v12;
	[tilespmem:v15+s13+$0x0] =	vst.idx.msk $0xffff, v5  }
0x70: {  	s3 =	rddreg [dreg:$0x5];
	s16 =	spop (v2sf)  }
0x71: {  	s0 =	sadd.s32 s16, s3  }
0x72: {  	[tilespmem:v62+s13+$0x0] =	vst.idx.msk $0xffff, v5;
	s8 =	sadd.s32 $0x80000000, s0  }
0x73: {  	[tilespmem:v63+s13+$0x0] =	vst.idx.msk $0xffff, v5;
	s17 =	sshrl.u32 s8, $0x3  }
0x74: {  	[tilespmem:v14+s13+$0x0] =	vst.idx.msk $0xffff, v5;
	s4 =	sadd.s32 s5, s17  }
0x75: {  	[tilespmem:s14], [sflag:$0x1] =	stream.linear.gather [hbm4b:s4+s15], $0x80, $0x38;
	[tilespmem:$0x1C580] =	vst v63  }
0x76: {  	s31 =	simm.s32 $0x100;
	s21 =	sadd.s32 s2, s17  }
0x77: {  	[tilespmem:s31], [sflag:$0x1] =	stream.linear.gather [hbm4b:s21+s15], $0x80, $0x38;
	[tilespmem:$0x1C580] =	vst v63  }
0x78: {  	s10 =	simm.s32 $0x180;
	s9 =	sadd.s32 s6, s17  }
0x79: {  	[tilespmem:s10], [sflag:$0x1] =	stream.linear.gather [hbm4b:s9+s15], $0x80, $0x38;
	[tilespmem:$0x1C580] =	vst v63  }
0x7a: {  	s12 =	simm.s32 $0x200;
	s3 =	sadd.s32 s7, s17;
	s11 =	spop (v2sf)  }
0x7b: {  	[tilespmem:s12], [sflag:$0x1] =	stream.linear.gather [hbm4b:s3+s15], $0x80, $0x38;
	[tilespmem:$0x1C580] =	vst v63  }
0x7c: {  	_ =	swait.ge [sflag:s18], $0x80  }
0x7d: {  	[sflag:s18] =	ssyncset.done $0x0  }
0x7e: {  	[sflag:s18] =	ssyncadd.s32 $0xFFFFFF80  }
0x7f: {  	_ =	swait.ge [sflag:s18], $0x80  }
0x80: {  	[sflag:s18] =	ssyncset.done $0x0  }
0x81: {  	[sflag:s18] =	ssyncadd.s32 $0xFFFFFF80  }
0x82: {  	_ =	swait.ge [sflag:s18], $0x80  }
0x83: {  	[sflag:s18] =	ssyncset.done $0x0  }
0x84: {  	[sflag:s18] =	ssyncadd.s32 $0xFFFFFF80  }
0x85: {  	_ =	swait.ge [sflag:s18], $0x80  }
0x86: {  	s0 =	sadd.s32 $0x80000080, s0;
	[sflag:s18] =	ssyncset.done $0x0  }
0x87: {  	s16 =	sshrl.u32 s0, $0x3;
	[sflag:s18] =	ssyncadd.s32 $0xFFFFFF80  }
0x88: {  	[tilespmem:s19], [sflag:$0x3] =	stream.indirect.gather [hbm4b:s1+s14], $0x80, s14, s14, $0xb8;
	[tilespmem:$0x1C580] =	vst v63  }
0x89: {  	s0 =	sadd.s32 s5, s16  }
0x8a: {  	[tilespmem:s20], [sflag:$0x2] =	stream.linear.gather [hbm4b:s0+s15], $0x80, $0x38;
	[tilespmem:$0x1C580] =	vst v63  }
0x8b: {  	s0 =	sxor.u32 $0x80000000, s11  }
0x8c: {  	s17 =	sadd.s32 s2, s16;
	s21 =	simm.s32 $0x300;
	p0 =	slt.s32 s0, $0x1  }
0x8d: {  	[tilespmem:s21], [sflag:$0x2] =	stream.linear.gather [hbm4b:s17+s15], $0x80, $0x38;
	[tilespmem:$0x1C580] =	vst v63  }
.Ltmp3:
0x8e: {  	_ = 	snop;
	(pc) =	sbr.rel @p0 .LBB2_10-.Ltmp3, $4  }
0x8f: {  	s31 =	sadd.s32 s6, s16  }
0x90: {  	[tilespmem:s22], [sflag:$0x2] =	stream.linear.gather [hbm4b:s31+s15], $0x80, $0x38;
	[tilespmem:$0x1C580] =	vst v63  }
0x91: {  	s3 =	sadd.s32 s7, s16  }
0x92: {  	[tilespmem:s23], [sflag:$0x2] =	stream.linear.gather [hbm4b:s3+s15], $0x80, $0x38;
	[tilespmem:$0x1C580] =	vst v63  }
0x93: {  	s3 =	sadd.s32 $0x100, s8  }
0x94: {  	s8 =	sadd.s32 $0x180, s8;
	s9 =	simm.s32 $0x0;
	s10 =	simm.s32 $0x0  }
.LBB2_5:
0x95: {  	_ =	swait.ge [sflag:s24], $0x80  }
0x96: {  	[sflag:s24] =	ssyncset.done $0x0  }
0x97: {  	[sflag:s24] =	ssyncadd.s32 $0xFFFFFF80  }
0x98: {  	_ =	swait.ge [sflag:s24], $0x80  }
0x99: {  	[sflag:s24] =	ssyncset.done $0x0  }
0x9a: {  	[sflag:s24] =	ssyncadd.s32 $0xFFFFFF80  }
0x9b: {  	_ =	swait.ge [sflag:s24], $0x80  }
0x9c: {  	[sflag:s24] =	ssyncset.done $0x0  }
0x9d: {  	[sflag:s24] =	ssyncadd.s32 $0xFFFFFF80  }
0x9e: {  	_ =	swait.ge [sflag:s24], $0x80  }
0x9f: {  	[sflag:s24] =	ssyncset.done $0x0  }
0xa0: {  	[sflag:s24] =	ssyncadd.s32 $0xFFFFFF80  }
0xa1: {  	[tilespmem:s25], [sflag:$0x4] =	stream.indirect.gather [hbm4b:s1+s14], $0x80, s20, s14, $0xb8;
	[tilespmem:$0x1C580] =	vst v63  }
0xa2: {  	v13 =	vld [tilespmem:$0x180]  }
0xa3: {  	v14 =	vld [tilespmem:$0x200]  }
0xa4: {  	v15 =	vld [tilespmem:$0x100]  }
0xa5: {  	v16 =	vld [tilespmem:$0x190]  }
0xa6: {  	v17 =	vld [tilespmem:$0x210]  }
0xa7: {  	v18 =	vld [tilespmem:$0x110]  }
0xa8: {  	v20 =	vld [tilespmem:$0x120]  }
0xa9: {  	v22 =	vld [tilespmem:$0x130]  }
0xaa: {  	v24 =	vld [tilespmem:$0x140]  }
0xab: {  	v13 =	vmul.f32 v14, v13;
	vm0 =	vge.s32 v15, v2;
	vm1 =	vlt.s32 v15, v4  }
0xac: {  	v15 =	vsub.s32 v15, v2;
	v16 =	vmul.f32 v17, v16;
	vm7 =	vge.s32 v18, v2  }
0xad: {  	v19 =	vld [tilespmem:$0x220];
	vm8 =	vlt.s32 v18, v4;
	v18 =	vsub.s32 v18, v2;
	vm10 =	vge.s32 v20, v2  }
0xae: {  	v21 =	vld [tilespmem:$0x230];
	vm11 =	vlt.s32 v20, v4;
	v20 =	vsub.s32 v20, v2;
	vm13 =	vge.s32 v22, v2  }
0xaf: {  	v14 =	vld [tilespmem:$0x1A0];
	vm14 =	vlt.s32 v22, v4;
	v22 =	vsub.s32 v22, v2;
	vm4 =	vge.s32 v24, v2  }
0xb0: {  	v17 =	vld [tilespmem:$0x1B0];
	vm5 =	vlt.s32 v24, v4;
	vm0 =	vmand vm0, vm1;
	vm6 =	vgt.s32 v15, $0x0  }
0xb1: {  	v23 =	vld [tilespmem:$0x240];
	vm9 =	vgt.s32 v18, $0x0;
	vm12 =	vgt.s32 v20, $0x0;
	v13 =	vnsel vm0, $0x0, v13  }
0xb2: {  	v25 =	vld [tilespmem:$0x250];
	v15 =	vnsel vm6, $0x0, v15;
	vm0 =	vmand vm7, vm8;
	v20 =	vnsel vm12, $0x0, v20  }
0xb3: {  	v18 =	vnsel vm9, $0x0, v18;
	v16 =	vnsel vm0, $0x0, v16;
	[tilespmem:$0x480] =	vst v13;
	v13 =	vmin.u32 v20, $0x27F;
	v20 =	vld [tilespmem:$0x150]  }
0xb4: {  	v15 =	vmin.u32 v15, $0x27F;
	v18 =	vmin.u32 v18, $0x27F;
	[tilespmem:$0x490] =	vst v16;
	v14 =	vmul.f32 v19, v14;
	v19 =	vld [tilespmem:$0x1C0]  }
0xb5: {  	vm0 =	vmand vm10, vm11;
	v16 =	vsub.s32 v24, v2;
	[tilespmem:$0x510] =	vst v18;
	v18 =	vld [tilespmem:$0x160];
	v17 =	vmul.f32 v21, v17  }
0xb6: {  	v21 =	vld [tilespmem:$0x1D0];
	vm6 =	vgt.s32 v16, $0x0;
	v14 =	vnsel vm0, $0x0, v14;
	vm0 =	vmand vm13, vm14  }
0xb7: {  	vm15 =	vgt.s32 v22, $0x0;
	[tilespmem:$0x500] =	vst v15;
	v16 =	vnsel vm6, $0x0, v16;
	v15 =	vnsel vm0, $0x0, v17  }
0xb8: {  	[tilespmem:$0x520] =	vst v13;
	v17 =	vnsel vm15, $0x0, v22;
	v22 =	vld [tilespmem:$0x1E0];
	vm0 =	vmand vm4, vm5;
	vm7 =	vge.s32 v20, v2  }
0xb9: {  	v13 =	vsub.s32 v20, v2;
	[tilespmem:$0x4B0] =	vst v15;
	v15 =	vmin.u32 v16, $0x27F;
	v16 =	vld [tilespmem:$0x170];
	v19 =	vmul.f32 v23, v19  }
0xba: {  	vm8 =	vlt.s32 v20, v4;
	v17 =	vmin.u32 v17, $0x27F;
	vm9 =	vgt.s32 v13, $0x0;
	v23 =	vld [tilespmem:$0x260]  }
0xbb: {  	[tilespmem:$0x4A0] =	vst v14;
	v20 =	vld [tilespmem:$0x270];
	vm10 =	vge.s32 v18, v2;
	v14 =	vnsel vm0, $0x0, v19;
	v19 =	vmul.f32 v25, v21  }
0xbc: {  	vm11 =	vlt.s32 v18, v4;
	[tilespmem:$0x530] =	vst v17;
	v13 =	vnsel vm9, $0x0, v13;
	v21 =	vld [tilespmem:$0x1F0];
	vm0 =	vmand vm7, vm8  }
0xbd: {  	v13 =	vmin.u32 v13, $0x27F;
	[tilespmem:$0x4C0] =	vst v14;
	v14 =	vsub.s32 v18, v2;
	v17 =	vnsel vm0, $0x0, v19  }
0xbe: {  	[tilespmem:$0x540] =	vst v15;
	vm0 =	vmand vm10, vm11;
	vm12 =	vgt.s32 v14, $0x0;
	vm13 =	vge.s32 v16, v2  }
0xbf: {  	[tilespmem:$0x550] =	vst v13;
	v13 =	vsub.s32 v16, v2;
	v19 =	vmul.f32 v23, v22;
	v14 =	vnsel vm12, $0x0, v14  }
0xc0: {  	vm14 =	vlt.s32 v16, v4;
	[tilespmem:$0x4D0] =	vst v17;
	vm15 =	vgt.s32 v13, $0x0;
	v14 =	vmin.u32 v14, $0x27F  }
0xc1: {  	v13 =	vnsel vm15, $0x0, v13;
	v15 =	vnsel vm0, $0x0, v19;
	v17 =	vmul.f32 v20, v21;
	[tilespmem:$0x560] =	vst v14  }
0xc2: {  	vm0 =	vmand vm13, vm14;
	v13 =	vmin.u32 v13, $0x27F;
	[tilespmem:$0x4E0] =	vst v15  }
0xc3: {  	[tilespmem:$0x570] =	vst v13;
	v14 =	vnsel vm0, $0x0, v17  }
0xc4: {  	s11 =	sshll.u32 s10, $0x8;
	[tilespmem:$0x4F0] =	vst v14  }
0xc5: {  	s4 =	sadd.s32 s11, s3;
	_ =	swait.ge [sflag:s26], $0x4000  }
0xc6: {  	s4 =	sshrl.u32 s4, $0x3;
	[sflag:s26] =	ssyncset.done $0x0  }
0xc7: {  	s12 =	sadd.s32 s5, s4;
	[sflag:s26] =	ssyncadd.s32 $0xFFFFC000  }
0xc8: {  	[tilespmem:s14], [sflag:$0x1] =	stream.linear.gather [hbm4b:s12+s9], $0x80, $0x38;
	[tilespmem:$0x1C580] =	vst v63  }
0xc9: {  	s15 =	simm.s32 $0x100;
	s17 =	simm.s32 $0x180;
	s31 =	sadd.s32 s2, s4  }
0xca: {  	v13 =	vmov s9;
	[tilespmem:s15], [sflag:$0x1] =	stream.linear.gather [hbm4b:s31+s9], $0x80, $0x38;
	[tilespmem:$0x1C580] =	vst v63  }
0xcb: {  	s21 =	simm.s32 $0x2;
	s16 =	sadd.s32 s6, s4;
	s31 =	simm.s32 $0x1  }
0xcc: {  	v14 =	vmov s21;
	[tilespmem:s17], [sflag:$0x1] =	stream.linear.gather [hbm4b:s16+s9], $0x80, $0x38;
	[tilespmem:$0x1C580] =	vst v63  }
0xcd: {  	s4 =	sadd.s32 s7, s4;
	v24 =	vshll.u32 v13, $0x7;
	s21 =	simm.s32 $0x7;
	v16 =	vmov s31;
	s31 =	simm.s32 $0x200  }
0xce: {  	v15 =	vor.u32 v3, v24;
	v31 =	vmov s21;
	[tilespmem:s31], [sflag:$0x1] =	stream.linear.gather [hbm4b:s4+s9], $0x80, $0x38;
	[tilespmem:$0x1C580] =	vst v63  }
0xcf: {  	v32 =	vshll.u32 v31, $0x7;
	v22 =	vld.idx.msk [tilespmem:v13+s28+$0x0], $0xffff  }
0xd0: {  	v61 =	vor.u32 v3, v32;
	v18 =	vld.idx.msk [tilespmem:v13+s29+$0x0], $0xffff  }
0xd1: {  	s15 =	simm.s32 $0x3;
	v13 =	vld.idx.msk [tilespmem:v14+s28+$0x0], $0xffff  }
0xd2: {  	v20 =	vshll.u32 v14, $0x7;
	v17 =	vmov s15;
	v14 =	vld.idx.msk [tilespmem:v14+s29+$0x0], $0xffff  }
0xd3: {  	v19 =	vshll.u32 v16, $0x7;
	v15 =	vld.idx.msk [tilespmem:v15+s19+$0x0], $0xffff  }
0xd4: {  	s17 =	simm.s32 $0x6;
	v27 =	vor.u32 v3, v19;
	v41 =	vld.idx.msk [tilespmem:v31+s29+$0x0], $0xffff  }
0xd5: {  	v35 =	vshll.u32 v17, $0x7;
	v30 =	vmov s17;
	v62 =	vld.idx.msk [tilespmem:v61+s19+$0x0], $0xffff  }
0xd6: {  	s16 =	simm.s32 $0x4;
	v33 =	vor.u32 v3, v35;
	v26 =	vld.idx.msk [tilespmem:v16+s29+$0x0], $0xffff  }
0xd7: {  	v23 =	vor.u32 v3, v20;
	v28 =	vmov s16;
	v34 =	vld.idx.msk [tilespmem:v17+s28+$0x0], $0xffff  }
0xd8: {  	v21 =	vshll.u32 v28, $0x7;
	v45 =	vld.idx.msk [tilespmem:v17+s29+$0x0], $0xffff  }
0xd9: {  	v29 =	vor.u32 v3, v21;
	v37 =	vld.idx.msk [tilespmem:v27+s19+$0x0], $0xffff  }
0xda: {  	v39 =	vld.idx.msk [tilespmem:v30+s29+$0x0], $0xffff  }
0xdb: {  	s31 =	simm.s32 $0x5;
	v42 =	vld.idx.msk [tilespmem:v33+s19+$0x0], $0xffff  }
0xdc: {  	v40 =	vmov s31;
	v25 =	vshll.u32 v18, $0x7;
	v18 =	vld.idx.msk [tilespmem:v23+s19+$0x0], $0xffff;
	v23 =	vshll.u32 v30, $0x7  }
0xdd: {  	v17 =	vld.idx.msk [tilespmem:v30+s28+$0x0], $0xffff;
	v27 =	vor.u32 v3, v23  }
0xde: {  	v38 =	vld.idx.msk [tilespmem:v29+s19+$0x0], $0xffff;
	v36 =	vor.u32 v3, v25  }
0xdf: {  	v33 =	vshll.u32 v40, $0x7;
	v29 =	vld.idx.msk [tilespmem:v31+s28+$0x0], $0xffff  }
0xe0: {  	v51 =	vld.idx.msk [tilespmem:v28+s29+$0x0], $0xffff;
	v46 =	vor.u32 v3, v33;
	v31 =	vshll.u32 v41, $0x7  }
0xe1: {  	v15 =	vmul.f32 v15, v22;
	v44 =	vld.idx.msk [tilespmem:v40+s29+$0x0], $0xffff;
	v48 =	vor.u32 v3, v31  }
0xe2: {  	v43 =	vld.idx.msk [tilespmem:v27+s19+$0x0], $0xffff;
	v27 =	vor.u32 v6, v24  }
0xe3: {  	[tilespmem:v36+s13+$0x0] =	vst.idx.add.f32.msk $0xffff, v15;
	v15 =	vshll.u32 v14, $0x7  }
0xe4: {  	v14 =	vld.idx.msk [tilespmem:v16+s28+$0x0], $0xffff;
	v36 =	vmul.f32 v62, v29;
	v47 =	vor.u32 v3, v15  }
0xe5: {  	v46 =	vld.idx.msk [tilespmem:v46+s19+$0x0], $0xffff;
	v16 =	vshll.u32 v26, $0x7  }
0xe6: {  	v49 =	vor.u32 v3, v16;
	[tilespmem:v48+s13+$0x0] =	vst.idx.add.f32.msk $0xffff, v36  }
0xe7: {  	v50 =	vor.u32 v6, v20;
	v18 =	vmul.f32 v18, v13;
	v26 =	vshll.u32 v39, $0x7;
	v41 =	vld.idx.msk [tilespmem:v27+s19+$0x0], $0xffff  }
0xe8: {  	v39 =	vor.u32 v3, v26;
	v27 =	vld.idx.msk [tilespmem:v40+s28+$0x0], $0xffff  }
0xe9: {  	v53 =	vor.u32 v6, v32;
	v37 =	vmul.f32 v37, v14;
	[tilespmem:v47+s13+$0x0] =	vst.idx.add.f32.msk $0xffff, v18  }
0xea: {  	v63 =	vor.u32 v6, v19;
	v36 =	vshll.u32 v45, $0x7;
	v18 =	vld.idx.msk [tilespmem:v28+s28+$0x0], $0xffff  }
0xeb: {  	v45 =	vor.u32 v3, v36;
	v43 =	vmul.f32 v43, v17;
	[tilespmem:v49+s13+$0x0] =	vst.idx.add.f32.msk $0xffff, v37  }
0xec: {  	v54 =	vor.u32 v6, v35;
	v30 =	vshll.u32 v44, $0x7;
	v47 =	vld.idx.msk [tilespmem:v50+s19+$0x0], $0xffff  }
0xed: {  	v52 =	vor.u32 v3, v30;
	[tilespmem:v39+s13+$0x0] =	vst.idx.add.f32.msk $0xffff, v43  }
0xee: {  	v61 =	vor.u32 v6, v25;
	v56 =	vmul.f32 v42, v34;
	v28 =	vshll.u32 v51, $0x7;
	v43 =	vld.idx.msk [tilespmem:v53+s19+$0x0], $0xffff  }
0xef: {  	v58 =	vor.u32 v3, v28;
	v40 =	vld.idx.msk [tilespmem:v63+s19+$0x0], $0xffff  }
0xf0: {  	v59 =	vor.u32 v6, v15;
	[tilespmem:v45+s13+$0x0] =	vst.idx.add.f32.msk $0xffff, v56;
	v46 =	vmul.f32 v46, v27  }
0xf1: {  	v53 =	vor.u32 v6, v21;
	v45 =	vld.idx.msk [tilespmem:v54+s19+$0x0], $0xffff;
	v50 =	vmul.f32 v41, v22  }
0xf2: {  	v55 =	vor.u32 v6, v16;
	v38 =	vmul.f32 v38, v18;
	[tilespmem:v52+s13+$0x0] =	vst.idx.add.f32.msk $0xffff, v46  }
0xf3: {  	v60 =	vor.u32 v7, v20;
	v47 =	vmul.f32 v47, v13;
	[tilespmem:v61+s13+$0x0] =	vst.idx.add.f32.msk $0xffff, v50  }
0xf4: {  	v62 =	vor.u32 v6, v33;
	[tilespmem:v58+s13+$0x0] =	vst.idx.add.f32.msk $0xffff, v38  }
0xf5: {  	v57 =	vor.u32 v7, v19;
	v40 =	vmul.f32 v40, v14;
	[tilespmem:v59+s13+$0x0] =	vst.idx.add.f32.msk $0xffff, v47  }
0xf6: {  	v63 =	vor.u32 v6, v36;
	v44 =	vld.idx.msk [tilespmem:v53+s19+$0x0], $0xffff  }
0xf7: {  	v49 =	vor.u32 v7, v35;
	[tilespmem:v55+s13+$0x0] =	vst.idx.add.f32.msk $0xffff, v40  }
0xf8: {  	v58 =	vor.u32 v7, v24;
	v39 =	vld.idx.msk [tilespmem:v60+s19+$0x0], $0xffff  }
0xf9: {  	v52 =	vmul.f32 v45, v34;
	v40 =	vld.idx.msk [tilespmem:v62+s19+$0x0], $0xffff;
	v55 =	vor.u32 v6, v23  }
0xfa: {  	v42 =	vld.idx.msk [tilespmem:v57+s19+$0x0], $0xffff;
	v57 =	vor.u32 v6, v31  }
0xfb: {  	v56 =	vor.u32 v7, v15;
	[tilespmem:v63+s13+$0x0] =	vst.idx.add.f32.msk $0xffff, v52  }
0xfc: {  	v59 =	vor.u32 v7, v32;
	v37 =	vld.idx.msk [tilespmem:v49+s19+$0x0], $0xffff  }
0xfd: {  	v43 =	vmul.f32 v43, v29;
	v62 =	vor.u32 v6, v28;
	v63 =	vld.idx.msk [tilespmem:v58+s19+$0x0], $0xffff  }
0xfe: {  	v52 =	vor.u32 v6, v30;
	v39 =	vmul.f32 v39, v13;
	v46 =	vld.idx.msk [tilespmem:v55+s19+$0x0], $0xffff  }
0xff: {  	v51 =	vor.u32 v7, v16;
	[tilespmem:v57+s13+$0x0] =	vst.idx.add.f32.msk $0xffff, v43  }
0x100: {  	v54 =	vor.u32 v8, v19;
	v55 =	vmul.f32 v44, v18;
	[tilespmem:v56+s13+$0x0] =	vst.idx.add.f32.msk $0xffff, v39  }
0x101: {  	v60 =	vor.u32 v7, v36;
	v40 =	vmul.f32 v40, v27;
	v47 =	vld.idx.msk [tilespmem:v59+s19+$0x0], $0xffff  }
0x102: {  	v61 =	vor.u32 v8, v35;
	v42 =	vmul.f32 v42, v14;
	[tilespmem:v62+s13+$0x0] =	vst.idx.add.f32.msk $0xffff, v55  }
0x103: {  	v58 =	vor.u32 v7, v25;
	[tilespmem:v52+s13+$0x0] =	vst.idx.add.f32.msk $0xffff, v40  }
0x104: {  	v37 =	vmul.f32 v37, v34;
	v56 =	vor.u32 v6, v26;
	[tilespmem:v51+s13+$0x0] =	vst.idx.add.f32.msk $0xffff, v42  }
0x105: {  	v57 =	vor.u32 v7, v23;
	v45 =	vld.idx.msk [tilespmem:v54+s19+$0x0], $0xffff  }
0x106: {  	v41 =	vmul.f32 v63, v22;
	v54 =	vor.u32 v7, v33;
	[tilespmem:v60+s13+$0x0] =	vst.idx.add.f32.msk $0xffff, v37  }
0x107: {  	v53 =	vor.u32 v8, v16;
	v38 =	vld.idx.msk [tilespmem:v61+s19+$0x0], $0xffff;
	v59 =	vmul.f32 v46, v17  }
0x108: {  	v63 =	vor.u32 v8, v24;
	[tilespmem:v58+s13+$0x0] =	vst.idx.add.f32.msk $0xffff, v41  }
0x109: {  	v60 =	vor.u32 v8, v36;
	[tilespmem:v56+s13+$0x0] =	vst.idx.add.f32.msk $0xffff, v59  }
0x10a: {  	v61 =	vor.u32 v9, v35;
	v39 =	vld.idx.msk [tilespmem:v57+s19+$0x0], $0xffff;
	v45 =	vmul.f32 v45, v14  }
0x10b: {  	v49 =	vor.u32 v7, v31;
	v62 =	vld.idx.msk [tilespmem:v54+s19+$0x0], $0xffff  }
0x10c: {  	v52 =	vor.u32 v8, v32;
	v38 =	vmul.f32 v38, v34;
	[tilespmem:v53+s13+$0x0] =	vst.idx.add.f32.msk $0xffff, v45  }
0x10d: {  	v54 =	vor.u32 v7, v26;
	v45 =	vld.idx.msk [tilespmem:v63+s19+$0x0], $0xffff  }
0x10e: {  	v50 =	vor.u32 v7, v30;
	v53 =	vmul.f32 v47, v29;
	[tilespmem:v60+s13+$0x0] =	vst.idx.add.f32.msk $0xffff, v38  }
0x10f: {  	v55 =	vor.u32 v8, v23;
	v42 =	vld.idx.msk [tilespmem:v61+s19+$0x0], $0xffff  }
0x110: {  	v51 =	vor.u32 v8, v33;
	[tilespmem:v49+s13+$0x0] =	vst.idx.add.f32.msk $0xffff, v53;
	v57 =	vmul.f32 v39, v17  }
0x111: {  	v58 =	vor.u32 v8, v25;
	v43 =	vmul.f32 v62, v27;
	v40 =	vld.idx.msk [tilespmem:v52+s19+$0x0], $0xffff  }
0x112: {  	v59 =	vor.u32 v9, v24;
	[tilespmem:v54+s13+$0x0] =	vst.idx.add.f32.msk $0xffff, v57  }
0x113: {  	v56 =	vor.u32 v9, v36;
	[tilespmem:v50+s13+$0x0] =	vst.idx.add.f32.msk $0xffff, v43  }
0x114: {  	v60 =	vor.u32 v10, v35;
	v61 =	vmul.f32 v45, v22;
	v46 =	vld.idx.msk [tilespmem:v55+s19+$0x0], $0xffff  }
0x115: {  	v48 =	vor.u32 v8, v31;
	v38 =	vld.idx.msk [tilespmem:v51+s19+$0x0], $0xffff  }
0x116: {  	v49 =	vor.u32 v8, v26;
	v42 =	vmul.f32 v42, v34;
	[tilespmem:v58+s13+$0x0] =	vst.idx.add.f32.msk $0xffff, v61  }
0x117: {  	v62 =	vor.u32 v8, v30;
	v39 =	vld.idx.msk [tilespmem:v59+s19+$0x0], $0xffff  }
0x118: {  	v51 =	vor.u32 v9, v23;
	v40 =	vmul.f32 v40, v29;
	[tilespmem:v56+s13+$0x0] =	vst.idx.add.f32.msk $0xffff, v42  }
0x119: {  	v52 =	vor.u32 v9, v32;
	v50 =	vld.idx.msk [tilespmem:v60+s19+$0x0], $0xffff;
	v46 =	vmul.f32 v46, v17  }
0x11a: {  	v63 =	vor.u32 v9, v33;
	[tilespmem:v48+s13+$0x0] =	vst.idx.add.f32.msk $0xffff, v40;
	v38 =	vmul.f32 v38, v27  }
0x11b: {  	v53 =	vor.u32 v9, v25;
	[tilespmem:v49+s13+$0x0] =	vst.idx.add.f32.msk $0xffff, v46  }
0x11c: {  	v54 =	vor.u32 v10, v24;
	[tilespmem:v62+s13+$0x0] =	vst.idx.add.f32.msk $0xffff, v38  }
0x11d: {  	v55 =	vor.u32 v10, v36;
	v42 =	vld.idx.msk [tilespmem:v51+s19+$0x0], $0xffff  }
0x11e: {  	v56 =	vor.u32 v11, v35;
	v39 =	vmul.f32 v39, v22;
	v38 =	vld.idx.msk [tilespmem:v52+s19+$0x0], $0xffff  }
0x11f: {  	v62 =	vor.u32 v7, v21;
	v41 =	vld.idx.msk [tilespmem:v63+s19+$0x0], $0xffff  }
0x120: {  	v59 =	vor.u32 v9, v26;
	v43 =	vmul.f32 v50, v34;
	[tilespmem:v53+s13+$0x0] =	vst.idx.add.f32.msk $0xffff, v39  }
0x121: {  	v61 =	vor.u32 v9, v31;
	v45 =	vld.idx.msk [tilespmem:v54+s19+$0x0], $0xffff  }
0x122: {  	v57 =	vor.u32 v9, v30;
	[tilespmem:v55+s13+$0x0] =	vst.idx.add.f32.msk $0xffff, v43  }
0x123: {  	v60 =	vor.u32 v10, v23;
	v40 =	vld.idx.msk [tilespmem:v56+s19+$0x0], $0xffff;
	v63 =	vmul.f32 v42, v17  }
0x124: {  	v51 =	vor.u32 v10, v32;
	v38 =	vmul.f32 v38, v29;
	v52 =	vld.idx.msk [tilespmem:v62+s19+$0x0], $0xffff  }
0x125: {  	v54 =	vor.u32 v8, v20;
	v41 =	vmul.f32 v41, v27;
	[tilespmem:v59+s13+$0x0] =	vst.idx.add.f32.msk $0xffff, v63  }
0x126: {  	v58 =	vor.u32 v10, v33;
	[tilespmem:v61+s13+$0x0] =	vst.idx.add.f32.msk $0xffff, v38  }
0x127: {  	v48 =	vor.u32 v10, v25;
	[tilespmem:v57+s13+$0x0] =	vst.idx.add.f32.msk $0xffff, v41  }
0x128: {  	v55 =	vor.u32 v11, v24;
	v37 =	vld.idx.msk [tilespmem:v60+s19+$0x0], $0xffff  }
0x129: {  	v49 =	vor.u32 v11, v36;
	v38 =	vld.idx.msk [tilespmem:v51+s19+$0x0], $0xffff  }
0x12a: {  	v56 =	vor.u32 v7, v28;
	v50 =	vmul.f32 v45, v22;
	v41 =	vld.idx.msk [tilespmem:v54+s19+$0x0], $0xffff  }
0x12b: {  	v35 =	vor.u32 v12, v35;
	v39 =	vld.idx.msk [tilespmem:v58+s19+$0x0], $0xffff  }
0x12c: {  	v57 =	vor.u32 v8, v21;
	v40 =	vmul.f32 v40, v34;
	[tilespmem:v48+s13+$0x0] =	vst.idx.add.f32.msk $0xffff, v50  }
0x12d: {  	v54 =	vor.u32 v9, v19;
	v43 =	vmul.f32 v52, v18;
	v42 =	vld.idx.msk [tilespmem:v55+s19+$0x0], $0xffff  }
0x12e: {  	v58 =	vor.u32 v10, v26;
	[tilespmem:v49+s13+$0x0] =	vst.idx.add.f32.msk $0xffff, v40  }
0x12f: {  	v59 =	vor.u32 v10, v31;
	[tilespmem:v56+s13+$0x0] =	vst.idx.add.f32.msk $0xffff, v43  }
0x130: {  	v63 =	vor.u32 v8, v15;
	v35 =	vld.idx.msk [tilespmem:v35+s19+$0x0], $0xffff  }
0x131: {  	v53 =	vor.u32 v10, v30;
	v37 =	vmul.f32 v37, v17;
	v61 =	vld.idx.msk [tilespmem:v57+s19+$0x0], $0xffff  }
0x132: {  	v60 =	vor.u32 v11, v32;
	v48 =	vmul.f32 v38, v29;
	v40 =	vld.idx.msk [tilespmem:v54+s19+$0x0], $0xffff  }
0x133: {  	v62 =	vor.u32 v11, v33;
	v52 =	vmul.f32 v41, v13;
	[tilespmem:v58+s13+$0x0] =	vst.idx.add.f32.msk $0xffff, v37  }
0x134: {  	v49 =	vor.u32 v9, v20;
	v39 =	vmul.f32 v39, v27;
	[tilespmem:v59+s13+$0x0] =	vst.idx.add.f32.msk $0xffff, v48  }
0x135: {  	v56 =	vor.u32 v11, v25;
	[tilespmem:v63+s13+$0x0] =	vst.idx.add.f32.msk $0xffff, v52  }
0x136: {  	v24 =	vor.u32 v12, v24;
	[tilespmem:v53+s13+$0x0] =	vst.idx.add.f32.msk $0xffff, v39  }
0x137: {  	v36 =	vor.u32 v12, v36;
	v53 =	vld.idx.msk [tilespmem:v60+s19+$0x0], $0xffff  }
0x138: {  	v50 =	vor.u32 v8, v28;
	v58 =	vmul.f32 v42, v22;
	v55 =	vld.idx.msk [tilespmem:v62+s19+$0x0], $0xffff  }
0x139: {  	v44 =	vor.u32 v9, v16;
	v37 =	vld.idx.msk [tilespmem:v49+s19+$0x0], $0xffff  }
0x13a: {  	v51 =	vor.u32 v9, v21;
	v34 =	vmul.f32 v35, v34;
	[tilespmem:v56+s13+$0x0] =	vst.idx.add.f32.msk $0xffff, v58  }
0x13b: {  	v45 =	vor.u32 v10, v19;
	v35 =	vmul.f32 v61, v18;
	v24 =	vld.idx.msk [tilespmem:v24+s19+$0x0], $0xffff  }
0x13c: {  	v48 =	vor.u32 v11, v23;
	v46 =	vmul.f32 v40, v14;
	[tilespmem:v36+s13+$0x0] =	vst.idx.add.f32.msk $0xffff, v34  }
0x13d: {  	v57 =	vor.u32 v11, v31;
	[tilespmem:v50+s13+$0x0] =	vst.idx.add.f32.msk $0xffff, v35  }
0x13e: {  	v59 =	vor.u32 v11, v30;
	[tilespmem:v44+s13+$0x0] =	vst.idx.add.f32.msk $0xffff, v46  }
0x13f: {  	v60 =	vor.u32 v9, v15;
	v35 =	vld.idx.msk [tilespmem:v51+s19+$0x0], $0xffff  }
0x140: {  	v63 =	vor.u32 v10, v20;
	v39 =	vmul.f32 v53, v29;
	v50 =	vld.idx.msk [tilespmem:v45+s19+$0x0], $0xffff  }
0x141: {  	v62 =	vor.u32 v9, v28;
	v61 =	vmul.f32 v55, v27;
	v55 =	vld.idx.msk [tilespmem:v48+s19+$0x0], $0xffff  }
0x142: {  	v43 =	vor.u32 v10, v21;
	v37 =	vmul.f32 v37, v13;
	[tilespmem:v57+s13+$0x0] =	vst.idx.add.f32.msk $0xffff, v39  }
0x143: {  	v32 =	vor.u32 v12, v32;
	[tilespmem:v59+s13+$0x0] =	vst.idx.add.f32.msk $0xffff, v61  }
0x144: {  	v33 =	vor.u32 v12, v33;
	[tilespmem:v60+s13+$0x0] =	vst.idx.add.f32.msk $0xffff, v37;
	v35 =	vmul.f32 v35, v18  }
0x145: {  	v25 =	vor.u32 v12, v25;
	v37 =	vld.idx.msk [tilespmem:v63+s19+$0x0], $0xffff  }
0x146: {  	v59 =	vor.u32 v11, v26;
	[tilespmem:v62+s13+$0x0] =	vst.idx.add.f32.msk $0xffff, v35  }
0x147: {  	v49 =	vor.u32 v10, v15;
	v47 =	vld.idx.msk [tilespmem:v43+s19+$0x0], $0xffff  }
0x148: {  	v56 =	vor.u32 v11, v20;
	v32 =	vld.idx.msk [tilespmem:v32+s19+$0x0], $0xffff;
	v22 =	vmul.f32 v24, v22  }
0x149: {  	v51 =	vor.u32 v10, v28;
	v33 =	vld.idx.msk [tilespmem:v33+s19+$0x0], $0xffff;
	v61 =	vmul.f32 v55, v17  }
0x14a: {  	v52 =	vor.u32 v11, v21;
	[tilespmem:v25+s13+$0x0] =	vst.idx.add.f32.msk $0xffff, v22;
	v54 =	vmul.f32 v37, v13  }
0x14b: {  	v23 =	vor.u32 v12, v23;
	[tilespmem:v59+s13+$0x0] =	vst.idx.add.f32.msk $0xffff, v61  }
0x14c: {  	v53 =	vor.u32 v10, v16;
	[tilespmem:v49+s13+$0x0] =	vst.idx.add.f32.msk $0xffff, v54;
	v38 =	vmul.f32 v47, v18  }
0x14d: {  	v57 =	vor.u32 v11, v19;
	v60 =	vld.idx.msk [tilespmem:v56+s19+$0x0], $0xffff  }
0x14e: {  	v24 =	vor.u32 v12, v30;
	[tilespmem:v51+s13+$0x0] =	vst.idx.add.f32.msk $0xffff, v38  }
0x14f: {  	v31 =	vor.u32 v12, v31;
	v29 =	vmul.f32 v32, v29;
	v32 =	vmul.f32 v50, v14;
	v58 =	vld.idx.msk [tilespmem:v52+s19+$0x0], $0xffff  }
0x150: {  	v62 =	vor.u32 v11, v15;
	v23 =	vld.idx.msk [tilespmem:v23+s19+$0x0], $0xffff  }
0x151: {  	v22 =	vor.u32 v11, v28;
	v25 =	vmul.f32 v33, v27;
	[tilespmem:v53+s13+$0x0] =	vst.idx.add.f32.msk $0xffff, v32  }
0x152: {  	v21 =	vor.u32 v12, v21;
	v27 =	vld.idx.msk [tilespmem:v57+s19+$0x0], $0xffff  }
0x153: {  	v63 =	vor.u32 v12, v20;
	[tilespmem:v24+s13+$0x0] =	vst.idx.add.f32.msk $0xffff, v25;
	v24 =	vmul.f32 v60, v13  }
0x154: {  	[tilespmem:v31+s13+$0x0] =	vst.idx.add.f32.msk $0xffff, v29;
	v25 =	vor.u32 v11, v16;
	v20 =	vmul.f32 v58, v18  }
0x155: {  	[tilespmem:v62+s13+$0x0] =	vst.idx.add.f32.msk $0xffff, v24  }
0x156: {  	v24 =	vor.u32 v12, v19;
	[tilespmem:v22+s13+$0x0] =	vst.idx.add.f32.msk $0xffff, v20  }
0x157: {  	v22 =	vmul.f32 v27, v14;
	v20 =	vld.idx.msk [tilespmem:v21+s19+$0x0], $0xffff  }
0x158: {  	v19 =	vor.u32 v12, v26;
	v21 =	vld.idx.msk [tilespmem:v63+s19+$0x0], $0xffff  }
0x159: {  	s12 =	simm.s32 $0x8;
	[tilespmem:v25+s13+$0x0] =	vst.idx.add.f32.msk $0xffff, v22;
	v22 =	vor.u32 v12, v28  }
.LBB2_6:
0x15a: {  	s4 =	sadd.s32 $0x1, s12  }
0x15b: {  	v25 =	vmov s12;
	s31 =	sadd.s32 $0x3, s12;
	s15 =	sadd.s32 $0x4, s12;
	v26 =	vld.idx.msk [tilespmem:v24+s19+$0x0], $0xffff;
	v15 =	vor.u32 v12, v15;
	v17 =	vmul.f32 v23, v17;
	s16 =	smov.u32 s12  }
0x15c: {  	v16 =	vor.u32 v12, v16;
	v24 =	vshll.u32 v25, $0x7;
	v27 =	vmov s4;
	s17 =	sadd.s32 $0x2, s16;
	s21 =	sadd.s32 $0x5, s16;
	s4 =	sadd.s32 $0x8, s12  }
0x15d: {  	p0 =	slt.u32 s12, $0x78;
	v18 =	vmul.f32 v20, v18;
	v28 =	vor.u32 v3, v24;
	v29 =	vmov s17;
	[tilespmem:v19+s13+$0x0] =	vst.idx.add.f32.msk $0xffff, v17  }
0x15e: {  	v37 =	vmov s15;
	v17 =	vmov s31;
	v19 =	vshll.u32 v29, $0x7  }
0x15f: {  	v20 =	vshll.u32 v37, $0x7;
	v13 =	vmul.f32 v21, v13;
	v31 =	vor.u32 v3, v19;
	[tilespmem:v22+s13+$0x0] =	vst.idx.add.f32.msk $0xffff, v18  }
0x160: {  	s12 =	sadd.s32 $0x6, s16;
	v22 =	vld.idx.msk [tilespmem:v25+s28+$0x0], $0xffff  }
0x161: {  	v18 =	vmov s12;
	s12 =	sadd.s32 $0x7, s16;
	v14 =	vmul.f32 v26, v14;
	[tilespmem:v15+s13+$0x0] =	vst.idx.add.f32.msk $0xffff, v13  }
0x162: {  	v23 =	vshll.u32 v18, $0x7;
	v32 =	vmov s12;
	v15 =	vld.idx.msk [tilespmem:v25+s29+$0x0], $0xffff  }
0x163: {  	v35 =	vshll.u32 v17, $0x7;
	v13 =	vld.idx.msk [tilespmem:v29+s28+$0x0], $0xffff  }
0x164: {  	v21 =	vshll.u32 v27, $0x7;
	v25 =	vor.u32 v3, v35;
	[tilespmem:v16+s13+$0x0] =	vst.idx.add.f32.msk $0xffff, v14  }
0x165: {  	v14 =	vor.u32 v3, v21;
	v16 =	vld.idx.msk [tilespmem:v27+s29+$0x0], $0xffff  }
0x166: {  	v33 =	vor.u32 v3, v20;
	v36 =	vor.u32 v3, v23;
	v29 =	vld.idx.msk [tilespmem:v29+s29+$0x0], $0xffff  }
0x167: {  	v30 =	vshll.u32 v32, $0x7;
	v28 =	vld.idx.msk [tilespmem:v28+s19+$0x0], $0xffff  }
0x168: {  	v26 =	vshll.u32 v15, $0x7;
	v15 =	vor.u32 v3, v30;
	v34 =	vld.idx.msk [tilespmem:v17+s28+$0x0], $0xffff  }
0x169: {  	v38 =	vld.idx.msk [tilespmem:v31+s19+$0x0], $0xffff  }
0x16a: {  	v40 =	vmov s21;
	v31 =	vor.u32 v3, v26;
	v39 =	vld.idx.msk [tilespmem:v14+s19+$0x0], $0xffff  }
0x16b: {  	v41 =	vld.idx.msk [tilespmem:v33+s19+$0x0], $0xffff;
	v33 =	vshll.u32 v40, $0x7  }
0x16c: {  	v14 =	vld.idx.msk [tilespmem:v18+s29+$0x0], $0xffff  }
0x16d: {  	v28 =	vmul.f32 v28, v22;
	v42 =	vld.idx.msk [tilespmem:v32+s29+$0x0], $0xffff  }
0x16e: {  	v43 =	vld.idx.msk [tilespmem:v25+s19+$0x0], $0xffff  }
0x16f: {  	v44 =	vor.u32 v6, v23;
	[tilespmem:v31+s13+$0x0] =	vst.idx.add.f32.msk $0xffff, v28  }
0x170: {  	v45 =	vld.idx.msk [tilespmem:v36+s19+$0x0], $0xffff  }
0x171: {  	v47 =	vor.u32 v6, v30;
	v28 =	vor.u32 v6, v24;
	v46 =	vld.idx.msk [tilespmem:v15+s19+$0x0], $0xffff  }
0x172: {  	v25 =	vshll.u32 v14, $0x7;
	v48 =	vld.idx.msk [tilespmem:v40+s29+$0x0], $0xffff  }
0x173: {  	v31 =	vshll.u32 v42, $0x7;
	v36 =	vld.idx.msk [tilespmem:v17+s29+$0x0], $0xffff  }
0x174: {  	v15 =	vshll.u32 v29, $0x7;
	v42 =	vmul.f32 v43, v34;
	v43 =	vor.u32 v3, v33;
	v32 =	vld.idx.msk [tilespmem:v32+s28+$0x0], $0xffff  }
0x175: {  	v14 =	vld.idx.msk [tilespmem:v27+s28+$0x0], $0xffff  }
0x176: {  	v49 =	vor.u32 v3, v15;
	v50 =	vor.u32 v3, v31;
	v27 =	vld.idx.msk [tilespmem:v28+s19+$0x0], $0xffff  }
0x177: {  	v51 =	vor.u32 v6, v19;
	v52 =	vor.u32 v6, v35;
	v16 =	vshll.u32 v16, $0x7;
	v17 =	vld.idx.msk [tilespmem:v18+s28+$0x0], $0xffff  }
0x178: {  	v53 =	vor.u32 v7, v35;
	v38 =	vmul.f32 v38, v13;
	v18 =	vor.u32 v3, v16;
	v29 =	vld.idx.msk [tilespmem:v40+s28+$0x0], $0xffff  }
0x179: {  	v54 =	vor.u32 v7, v23;
	v40 =	vor.u32 v6, v21;
	v36 =	vshll.u32 v36, $0x7;
	v43 =	vld.idx.msk [tilespmem:v43+s19+$0x0], $0xffff  }
0x17a: {  	v28 =	vshll.u32 v48, $0x7;
	v48 =	vor.u32 v3, v25;
	v46 =	vmul.f32 v46, v32;
	v55 =	vld.idx.msk [tilespmem:v37+s29+$0x0], $0xffff  }
0x17b: {  	v39 =	vmul.f32 v39, v14;
	[tilespmem:v49+s13+$0x0] =	vst.idx.add.f32.msk $0xffff, v38;
	v38 =	vor.u32 v7, v30  }
0x17c: {  	v56 =	vor.u32 v3, v36;
	v49 =	vmul.f32 v27, v22;
	[tilespmem:v50+s13+$0x0] =	vst.idx.add.f32.msk $0xffff, v46  }
0x17d: {  	v46 =	vor.u32 v6, v33;
	[tilespmem:v18+s13+$0x0] =	vst.idx.add.f32.msk $0xffff, v39;
	v39 =	vor.u32 v3, v28  }
0x17e: {  	v45 =	vmul.f32 v45, v17;
	v40 =	vld.idx.msk [tilespmem:v40+s19+$0x0], $0xffff  }
0x17f: {  	v43 =	vmul.f32 v43, v29;
	v50 =	vld.idx.msk [tilespmem:v51+s19+$0x0], $0xffff  }
0x180: {  	v51 =	vor.u32 v6, v15;
	v27 =	vshll.u32 v55, $0x7;
	v18 =	vld.idx.msk [tilespmem:v37+s28+$0x0], $0xffff  }
0x181: {  	v37 =	vor.u32 v6, v16;
	v55 =	vor.u32 v3, v27;
	[tilespmem:v48+s13+$0x0] =	vst.idx.add.f32.msk $0xffff, v45  }
0x182: {  	v45 =	vor.u32 v7, v21;
	[tilespmem:v39+s13+$0x0] =	vst.idx.add.f32.msk $0xffff, v43;
	v39 =	vor.u32 v8, v23  }
0x183: {  	v43 =	vld.idx.msk [tilespmem:v47+s19+$0x0], $0xffff  }
0x184: {  	v40 =	vmul.f32 v40, v14;
	[tilespmem:v56+s13+$0x0] =	vst.idx.add.f32.msk $0xffff, v42;
	v42 =	vor.u32 v8, v30  }
0x185: {  	v48 =	vor.u32 v7, v19;
	v47 =	vor.u32 v6, v26;
	v52 =	vld.idx.msk [tilespmem:v52+s19+$0x0], $0xffff  }
0x186: {  	[tilespmem:v37+s13+$0x0] =	vst.idx.add.f32.msk $0xffff, v40;
	v37 =	vmul.f32 v50, v13;
	v40 =	vmul.f32 v41, v18  }
0x187: {  	v41 =	vld.idx.msk [tilespmem:v45+s19+$0x0], $0xffff;
	v45 =	vor.u32 v7, v33  }
0x188: {  	v50 =	vor.u32 v6, v36;
	[tilespmem:v55+s13+$0x0] =	vst.idx.add.f32.msk $0xffff, v40  }
0x189: {  	[tilespmem:v51+s13+$0x0] =	vst.idx.add.f32.msk $0xffff, v37;
	v37 =	vmul.f32 v43, v32  }
0x18a: {  	v40 =	vor.u32 v7, v16;
	v43 =	vld.idx.msk [tilespmem:v48+s19+$0x0], $0xffff  }
0x18b: {  	v48 =	vor.u32 v6, v20;
	[tilespmem:v47+s13+$0x0] =	vst.idx.add.f32.msk $0xffff, v49;
	v47 =	vmul.f32 v52, v34  }
0x18c: {  	v49 =	vor.u32 v8, v21;
	v46 =	vld.idx.msk [tilespmem:v46+s19+$0x0], $0xffff  }
0x18d: {  	v41 =	vmul.f32 v41, v14;
	[tilespmem:v50+s13+$0x0] =	vst.idx.add.f32.msk $0xffff, v47  }
0x18e: {  	v47 =	vor.u32 v7, v15;
	v50 =	vld.idx.msk [tilespmem:v53+s19+$0x0], $0xffff  }
0x18f: {  	[tilespmem:v40+s13+$0x0] =	vst.idx.add.f32.msk $0xffff, v41;
	v40 =	vor.u32 v6, v31  }
0x190: {  	v41 =	vor.u32 v7, v24;
	v43 =	vmul.f32 v43, v13;
	v48 =	vld.idx.msk [tilespmem:v48+s19+$0x0], $0xffff  }
0x191: {  	v49 =	vld.idx.msk [tilespmem:v49+s19+$0x0], $0xffff  }
0x192: {  	v51 =	vor.u32 v7, v36;
	v46 =	vmul.f32 v46, v29;
	v44 =	vld.idx.msk [tilespmem:v44+s19+$0x0], $0xffff  }
0x193: {  	v52 =	vor.u32 v8, v16;
	[tilespmem:v47+s13+$0x0] =	vst.idx.add.f32.msk $0xffff, v43;
	v43 =	vor.u32 v8, v35  }
0x194: {  	v47 =	vmul.f32 v50, v34;
	v50 =	vor.u32 v6, v27;
	[tilespmem:v40+s13+$0x0] =	vst.idx.add.f32.msk $0xffff, v37  }
0x195: {  	v40 =	vor.u32 v6, v28;
	v37 =	vld.idx.msk [tilespmem:v41+s19+$0x0], $0xffff  }
0x196: {  	v38 =	vld.idx.msk [tilespmem:v38+s19+$0x0], $0xffff  }
0x197: {  	v41 =	vmul.f32 v49, v14;
	[tilespmem:v51+s13+$0x0] =	vst.idx.add.f32.msk $0xffff, v47;
	v47 =	vmul.f32 v48, v18  }
0x198: {  	v44 =	vmul.f32 v44, v17;
	v48 =	vor.u32 v6, v25;
	v43 =	vld.idx.msk [tilespmem:v43+s19+$0x0], $0xffff  }
0x199: {  	[tilespmem:v50+s13+$0x0] =	vst.idx.add.f32.msk $0xffff, v47  }
0x19a: {  	v47 =	vor.u32 v7, v26;
	[tilespmem:v40+s13+$0x0] =	vst.idx.add.f32.msk $0xffff, v46  }
0x19b: {  	v37 =	vmul.f32 v37, v22;
	v40 =	vor.u32 v8, v36;
	[tilespmem:v52+s13+$0x0] =	vst.idx.add.f32.msk $0xffff, v41  }
0x19c: {  	v41 =	vor.u32 v9, v35;
	v38 =	vmul.f32 v38, v32;
	v45 =	vld.idx.msk [tilespmem:v45+s19+$0x0], $0xffff  }
0x19d: {  	v46 =	vor.u32 v8, v24;
	[tilespmem:v48+s13+$0x0] =	vst.idx.add.f32.msk $0xffff, v44  }
0x19e: {  	v43 =	vmul.f32 v43, v34;
	v48 =	vor.u32 v7, v31;
	v44 =	vld.idx.msk [tilespmem:v54+s19+$0x0], $0xffff  }
0x19f: {  	[tilespmem:v47+s13+$0x0] =	vst.idx.add.f32.msk $0xffff, v37;
	v37 =	vor.u32 v7, v28  }
0x1a0: {  	[tilespmem:v40+s13+$0x0] =	vst.idx.add.f32.msk $0xffff, v43;
	v40 =	vor.u32 v8, v33  }
0x1a1: {  	v41 =	vld.idx.msk [tilespmem:v41+s19+$0x0], $0xffff  }
0x1a2: {  	v45 =	vmul.f32 v45, v29;
	v43 =	vld.idx.msk [tilespmem:v46+s19+$0x0], $0xffff;
	v46 =	vor.u32 v7, v25  }
0x1a3: {  	[tilespmem:v48+s13+$0x0] =	vst.idx.add.f32.msk $0xffff, v38  }
0x1a4: {  	v38 =	vor.u32 v9, v36;
	[tilespmem:v37+s13+$0x0] =	vst.idx.add.f32.msk $0xffff, v45;
	v37 =	vmul.f32 v44, v17  }
0x1a5: {  	v44 =	vor.u32 v8, v26;
	v40 =	vld.idx.msk [tilespmem:v40+s19+$0x0], $0xffff  }
0x1a6: {  	v45 =	vor.u32 v9, v24;
	v42 =	vld.idx.msk [tilespmem:v42+s19+$0x0], $0xffff  }
0x1a7: {  	v47 =	vor.u32 v10, v35;
	v41 =	vmul.f32 v41, v34;
	[tilespmem:v46+s13+$0x0] =	vst.idx.add.f32.msk $0xffff, v37  }
0x1a8: {  	v37 =	vmul.f32 v43, v22;
	v43 =	vor.u32 v8, v28;
	v39 =	vld.idx.msk [tilespmem:v39+s19+$0x0], $0xffff  }
0x1a9: {  	[tilespmem:v38+s13+$0x0] =	vst.idx.add.f32.msk $0xffff, v41;
	v38 =	vor.u32 v9, v33  }
0x1aa: {  	[tilespmem:v44+s13+$0x0] =	vst.idx.add.f32.msk $0xffff, v37;
	v37 =	vor.u32 v8, v31  }
0x1ab: {  	v40 =	vmul.f32 v40, v29;
	v44 =	vor.u32 v8, v25;
	v41 =	vld.idx.msk [tilespmem:v45+s19+$0x0], $0xffff  }
0x1ac: {  	v46 =	vor.u32 v9, v23;
	v42 =	vmul.f32 v42, v32;
	v45 =	vld.idx.msk [tilespmem:v47+s19+$0x0], $0xffff  }
0x1ad: {  	[tilespmem:v43+s13+$0x0] =	vst.idx.add.f32.msk $0xffff, v40;
	v40 =	vor.u32 v9, v30  }
0x1ae: {  	v43 =	vor.u32 v9, v26;
	v39 =	vmul.f32 v39, v17;
	v38 =	vld.idx.msk [tilespmem:v38+s19+$0x0], $0xffff  }
0x1af: {  	v47 =	vor.u32 v10, v24;
	[tilespmem:v37+s13+$0x0] =	vst.idx.add.f32.msk $0xffff, v42  }
0x1b0: {  	v37 =	vor.u32 v10, v36;
	[tilespmem:v44+s13+$0x0] =	vst.idx.add.f32.msk $0xffff, v39  }
0x1b1: {  	v39 =	vmul.f32 v41, v22;
	v41 =	vor.u32 v11, v35;
	v42 =	vld.idx.msk [tilespmem:v46+s19+$0x0], $0xffff  }
0x1b2: {  	v44 =	vmul.f32 v45, v34;
	v45 =	vor.u32 v9, v28;
	v40 =	vld.idx.msk [tilespmem:v40+s19+$0x0], $0xffff  }
0x1b3: {  	[tilespmem:v43+s13+$0x0] =	vst.idx.add.f32.msk $0xffff, v39;
	v39 =	vor.u32 v10, v33  }
0x1b4: {  	v46 =	vor.u32 v9, v25;
	v38 =	vmul.f32 v38, v29;
	v43 =	vld.idx.msk [tilespmem:v47+s19+$0x0], $0xffff  }
0x1b5: {  	[tilespmem:v37+s13+$0x0] =	vst.idx.add.f32.msk $0xffff, v44;
	v37 =	vor.u32 v10, v23  }
0x1b6: {  	v44 =	vor.u32 v9, v31;
	v41 =	vld.idx.msk [tilespmem:v41+s19+$0x0], $0xffff  }
0x1b7: {  	v47 =	vor.u32 v7, v20;
	[tilespmem:v45+s13+$0x0] =	vst.idx.add.f32.msk $0xffff, v38;
	v38 =	vmul.f32 v42, v17  }
0x1b8: {  	v42 =	vor.u32 v10, v26;
	v40 =	vmul.f32 v40, v32;
	v39 =	vld.idx.msk [tilespmem:v39+s19+$0x0], $0xffff  }
0x1b9: {  	v45 =	vor.u32 v11, v36;
	[tilespmem:v46+s13+$0x0] =	vst.idx.add.f32.msk $0xffff, v38  }
0x1ba: {  	v35 =	vor.u32 v12, v35;
	v38 =	vmul.f32 v43, v22;
	v37 =	vld.idx.msk [tilespmem:v37+s19+$0x0], $0xffff  }
0x1bb: {  	[tilespmem:v44+s13+$0x0] =	vst.idx.add.f32.msk $0xffff, v40;
	v40 =	vor.u32 v10, v30  }
0x1bc: {  	v41 =	vmul.f32 v41, v34;
	v44 =	vor.u32 v10, v28;
	v43 =	vld.idx.msk [tilespmem:v47+s19+$0x0], $0xffff  }
0x1bd: {  	[tilespmem:v42+s13+$0x0] =	vst.idx.add.f32.msk $0xffff, v38;
	v38 =	vor.u32 v8, v19  }
0x1be: {  	v42 =	vor.u32 v11, v24;
	v39 =	vmul.f32 v39, v29;
	[tilespmem:v45+s13+$0x0] =	vst.idx.add.f32.msk $0xffff, v41  }
0x1bf: {  	v41 =	vor.u32 v7, v27;
	v35 =	vld.idx.msk [tilespmem:v35+s19+$0x0], $0xffff  }
0x1c0: {  	v45 =	vor.u32 v8, v20;
	v37 =	vmul.f32 v37, v17;
	v40 =	vld.idx.msk [tilespmem:v40+s19+$0x0], $0xffff  }
0x1c1: {  	[tilespmem:v44+s13+$0x0] =	vst.idx.add.f32.msk $0xffff, v39;
	v39 =	vor.u32 v10, v25  }
0x1c2: {  	v36 =	vor.u32 v12, v36;
	v43 =	vmul.f32 v43, v18;
	v38 =	vld.idx.msk [tilespmem:v38+s19+$0x0], $0xffff  }
0x1c3: {  	v44 =	vor.u32 v10, v31;
	v42 =	vld.idx.msk [tilespmem:v42+s19+$0x0], $0xffff  }
0x1c4: {  	[tilespmem:v41+s13+$0x0] =	vst.idx.add.f32.msk $0xffff, v43;
	v41 =	vor.u32 v11, v30  }
0x1c5: {  	v34 =	vmul.f32 v35, v34;
	v43 =	vor.u32 v11, v33;
	v35 =	vld.idx.msk [tilespmem:v45+s19+$0x0], $0xffff  }
0x1c6: {  	v45 =	vor.u32 v8, v15;
	[tilespmem:v39+s13+$0x0] =	vst.idx.add.f32.msk $0xffff, v37;
	v37 =	vmul.f32 v40, v32  }
0x1c7: {  	v39 =	vor.u32 v9, v19;
	[tilespmem:v36+s13+$0x0] =	vst.idx.add.f32.msk $0xffff, v34  }
0x1c8: {  	v34 =	vor.u32 v8, v27;
	v36 =	vor.u32 v9, v20;
	[tilespmem:v44+s13+$0x0] =	vst.idx.add.f32.msk $0xffff, v37  }
0x1c9: {  	v40 =	vor.u32 v9, v21;
	v38 =	vmul.f32 v38, v13;
	v37 =	vmul.f32 v42, v22;
	v41 =	vld.idx.msk [tilespmem:v41+s19+$0x0], $0xffff  }
0x1ca: {  	v42 =	vld.idx.msk [tilespmem:v43+s19+$0x0], $0xffff  }
0x1cb: {  	v43 =	vor.u32 v11, v26;
	v35 =	vmul.f32 v35, v18;
	[tilespmem:v45+s13+$0x0] =	vst.idx.add.f32.msk $0xffff, v38  }
0x1cc: {  	v38 =	vld.idx.msk [tilespmem:v39+s19+$0x0], $0xffff;
	v39 =	vor.u32 v11, v31  }
0x1cd: {  	v30 =	vor.u32 v12, v30;
	[tilespmem:v34+s13+$0x0] =	vst.idx.add.f32.msk $0xffff, v35  }
0x1ce: {  	v35 =	vor.u32 v11, v28;
	v34 =	vld.idx.msk [tilespmem:v36+s19+$0x0], $0xffff  }
0x1cf: {  	v41 =	vmul.f32 v41, v32;
	v36 =	vld.idx.msk [tilespmem:v40+s19+$0x0], $0xffff;
	v40 =	vor.u32 v9, v15  }
0x1d0: {  	v33 =	vor.u32 v12, v33;
	[tilespmem:v43+s13+$0x0] =	vst.idx.add.f32.msk $0xffff, v37;
	v37 =	vmul.f32 v42, v29  }
0x1d1: {  	v42 =	vor.u32 v9, v27;
	[tilespmem:v39+s13+$0x0] =	vst.idx.add.f32.msk $0xffff, v41  }
0x1d2: {  	v38 =	vmul.f32 v38, v13;
	v39 =	vor.u32 v10, v19;
	v30 =	vld.idx.msk [tilespmem:v30+s19+$0x0], $0xffff  }
0x1d3: {  	v43 =	vor.u32 v10, v20;
	v41 =	vor.u32 v9, v16;
	[tilespmem:v35+s13+$0x0] =	vst.idx.add.f32.msk $0xffff, v37  }
0x1d4: {  	v35 =	vor.u32 v10, v21;
	v34 =	vmul.f32 v34, v18;
	[tilespmem:v40+s13+$0x0] =	vst.idx.add.f32.msk $0xffff, v38  }
0x1d5: {  	v36 =	vmul.f32 v36, v14;
	v33 =	vld.idx.msk [tilespmem:v33+s19+$0x0], $0xffff  }
0x1d6: {  	v24 =	vor.u32 v12, v24;
	[tilespmem:v42+s13+$0x0] =	vst.idx.add.f32.msk $0xffff, v34  }
0x1d7: {  	v31 =	vor.u32 v12, v31;
	v34 =	vld.idx.msk [tilespmem:v39+s19+$0x0], $0xffff  }
0x1d8: {  	v38 =	vor.u32 v11, v23;
	v30 =	vmul.f32 v30, v32;
	v37 =	vld.idx.msk [tilespmem:v43+s19+$0x0], $0xffff  }
0x1d9: {  	[tilespmem:v41+s13+$0x0] =	vst.idx.add.f32.msk $0xffff, v36  }
0x1da: {  	v32 =	vld.idx.msk [tilespmem:v35+s19+$0x0], $0xffff;
	v35 =	vor.u32 v10, v15  }
0x1db: {  	v36 =	vor.u32 v10, v27;
	v24 =	vld.idx.msk [tilespmem:v24+s19+$0x0], $0xffff  }
0x1dc: {  	v39 =	vor.u32 v11, v20;
	[tilespmem:v31+s13+$0x0] =	vst.idx.add.f32.msk $0xffff, v30  }
0x1dd: {  	v30 =	vor.u32 v10, v16;
	v31 =	vmul.f32 v34, v13;
	v34 =	vld.idx.msk [tilespmem:v38+s19+$0x0], $0xffff  }
0x1de: {  	v40 =	vor.u32 v11, v19;
	v38 =	vor.u32 v11, v21;
	v37 =	vmul.f32 v37, v18  }
0x1df: {  	v26 =	vor.u32 v12, v26;
	v29 =	vmul.f32 v33, v29;
	[tilespmem:v35+s13+$0x0] =	vst.idx.add.f32.msk $0xffff, v31  }
0x1e0: {  	v31 =	vmul.f32 v32, v14;
	[tilespmem:v36+s13+$0x0] =	vst.idx.add.f32.msk $0xffff, v37  }
0x1e1: {  	v33 =	vor.u32 v11, v25;
	v22 =	vmul.f32 v24, v22;
	v32 =	vld.idx.msk [tilespmem:v39+s19+$0x0], $0xffff  }
0x1e2: {  	v28 =	vor.u32 v12, v28;
	[tilespmem:v30+s13+$0x0] =	vst.idx.add.f32.msk $0xffff, v31  }
0x1e3: {  	v23 =	vor.u32 v12, v23;
	v31 =	vmul.f32 v34, v17;
	v30 =	vld.idx.msk [tilespmem:v40+s19+$0x0], $0xffff  }
0x1e4: {  	[tilespmem:v26+s13+$0x0] =	vst.idx.add.f32.msk $0xffff, v22;
	v22 =	vor.u32 v11, v27  }
0x1e5: {  	v20 =	vor.u32 v12, v20;
	v34 =	vor.u32 v11, v16;
	v26 =	vld.idx.msk [tilespmem:v38+s19+$0x0], $0xffff  }
0x1e6: {  	v24 =	vor.u32 v12, v21;
	v21 =	vor.u32 v11, v15;
	[tilespmem:v33+s13+$0x0] =	vst.idx.add.f32.msk $0xffff, v31  }
0x1e7: {  	v31 =	vor.u32 v12, v19;
	v19 =	vmul.f32 v32, v18;
	[tilespmem:v28+s13+$0x0] =	vst.idx.add.f32.msk $0xffff, v29  }
0x1e8: {  	v23 =	vld.idx.msk [tilespmem:v23+s19+$0x0], $0xffff  }
.Ltmp4:
0x1e9: {  	v28 =	vmul.f32 v30, v13;
	[tilespmem:v22+s13+$0x0] =	vst.idx.add.f32.msk $0xffff, v19;
	(pc) =	sbr.rel @p0 .LBB2_6-.Ltmp4, $4  }
0x1ea: {  	v20 =	vld.idx.msk [tilespmem:v20+s19+$0x0], $0xffff  }
0x1eb: {  	v19 =	vor.u32 v12, v25;
	v22 =	vmul.f32 v26, v14;
	[tilespmem:v21+s13+$0x0] =	vst.idx.add.f32.msk $0xffff, v28  }
0x1ec: {  	v21 =	vld.idx.msk [tilespmem:v31+s19+$0x0], $0xffff  }
0x1ed: {  	s12 =	smov.u32 s4;
	[tilespmem:v34+s13+$0x0] =	vst.idx.add.f32.msk $0xffff, v22;
	v22 =	vor.u32 v12, v27  }
0x1ee: {  	_ =	sdelay $0x3  }
0x1ef: {  	v24 =	vld.idx.msk [tilespmem:v24+s19+$0x0], $0xffff  }
0x1f0: {  	v15 =	vor.u32 v12, v15  }
0x1f1: {  	v17 =	vmul.f32 v23, v17;
	v16 =	vor.u32 v12, v16  }
0x1f2: {  	v18 =	vmul.f32 v20, v18  }
0x1f3: {  	[tilespmem:v19+s13+$0x0] =	vst.idx.add.f32.msk $0xffff, v17;
	v13 =	vmul.f32 v21, v13  }
0x1f4: {  	[tilespmem:v22+s13+$0x0] =	vst.idx.add.f32.msk $0xffff, v18;
	v14 =	vmul.f32 v24, v14  }
0x1f5: {  	[tilespmem:v15+s13+$0x0] =	vst.idx.add.f32.msk $0xffff, v13  }
0x1f6: {  	[tilespmem:v16+s13+$0x0] =	vst.idx.add.f32.msk $0xffff, v14  }
0x1f7: {  	_ =	swait.ge [sflag:s18], $0x80  }
0x1f8: {  	[sflag:s18] =	ssyncset.done $0x0  }
0x1f9: {  	[sflag:s18] =	ssyncadd.s32 $0xFFFFFF80  }
0x1fa: {  	_ =	swait.ge [sflag:s18], $0x80  }
0x1fb: {  	[sflag:s18] =	ssyncset.done $0x0  }
0x1fc: {  	[sflag:s18] =	ssyncadd.s32 $0xFFFFFF80  }
0x1fd: {  	_ =	swait.ge [sflag:s18], $0x80  }
0x1fe: {  	[sflag:s18] =	ssyncset.done $0x0  }
0x1ff: {  	[sflag:s18] =	ssyncadd.s32 $0xFFFFFF80  }
0x200: {  	_ =	swait.ge [sflag:s18], $0x80  }
0x201: {  	[sflag:s18] =	ssyncset.done $0x0  }
0x202: {  	[sflag:s18] =	ssyncadd.s32 $0xFFFFFF80  }
0x203: {  	[tilespmem:s19], [sflag:$0x3] =	stream.indirect.gather [hbm4b:s1+s14], $0x80, s14, s14, $0xb8;
	[tilespmem:$0x1C580] =	vst v63  }
0x204: {  	v13 =	vld [tilespmem:$0x380]  }
0x205: {  	v14 =	vld [tilespmem:$0x400]  }
0x206: {  	v15 =	vld [tilespmem:$0x300]  }
0x207: {  	v16 =	vld [tilespmem:$0x390]  }
0x208: {  	v17 =	vld [tilespmem:$0x410]  }
0x209: {  	v18 =	vld [tilespmem:$0x310]  }
0x20a: {  	v20 =	vld [tilespmem:$0x320]  }
0x20b: {  	v22 =	vld [tilespmem:$0x330]  }
0x20c: {  	v24 =	vld [tilespmem:$0x340]  }
0x20d: {  	v13 =	vmul.f32 v14, v13;
	vm0 =	vge.s32 v15, v2;
	vm1 =	vlt.s32 v15, v4  }
0x20e: {  	v15 =	vsub.s32 v15, v2;
	v16 =	vmul.f32 v17, v16;
	vm7 =	vge.s32 v18, v2  }
0x20f: {  	v19 =	vld [tilespmem:$0x420];
	vm8 =	vlt.s32 v18, v4;
	v18 =	vsub.s32 v18, v2;
	vm10 =	vge.s32 v20, v2  }
0x210: {  	v21 =	vld [tilespmem:$0x430];
	vm11 =	vlt.s32 v20, v4;
	v20 =	vsub.s32 v20, v2;
	vm13 =	vge.s32 v22, v2  }
0x211: {  	v14 =	vld [tilespmem:$0x3A0];
	vm14 =	vlt.s32 v22, v4;
	v22 =	vsub.s32 v22, v2;
	vm4 =	vge.s32 v24, v2  }
0x212: {  	v17 =	vld [tilespmem:$0x3B0];
	vm5 =	vlt.s32 v24, v4;
	vm0 =	vmand vm0, vm1;
	vm6 =	vgt.s32 v15, $0x0  }
0x213: {  	v23 =	vld [tilespmem:$0x440];
	vm9 =	vgt.s32 v18, $0x0;
	vm12 =	vgt.s32 v20, $0x0;
	v13 =	vnsel vm0, $0x0, v13  }
0x214: {  	v25 =	vld [tilespmem:$0x450];
	v15 =	vnsel vm6, $0x0, v15;
	vm0 =	vmand vm7, vm8;
	v20 =	vnsel vm12, $0x0, v20  }
0x215: {  	v18 =	vnsel vm9, $0x0, v18;
	v16 =	vnsel vm0, $0x0, v16;
	[tilespmem:$0x480] =	vst v13;
	v13 =	vmin.u32 v20, $0x27F;
	v20 =	vld [tilespmem:$0x350]  }
0x216: {  	v15 =	vmin.u32 v15, $0x27F;
	v18 =	vmin.u32 v18, $0x27F;
	[tilespmem:$0x490] =	vst v16;
	v14 =	vmul.f32 v19, v14;
	v19 =	vld [tilespmem:$0x3C0]  }
0x217: {  	vm0 =	vmand vm10, vm11;
	v16 =	vsub.s32 v24, v2;
	[tilespmem:$0x510] =	vst v18;
	v18 =	vld [tilespmem:$0x360];
	v17 =	vmul.f32 v21, v17  }
0x218: {  	v21 =	vld [tilespmem:$0x3D0];
	vm6 =	vgt.s32 v16, $0x0;
	v14 =	vnsel vm0, $0x0, v14;
	vm0 =	vmand vm13, vm14  }
0x219: {  	vm15 =	vgt.s32 v22, $0x0;
	[tilespmem:$0x500] =	vst v15;
	v16 =	vnsel vm6, $0x0, v16;
	v15 =	vnsel vm0, $0x0, v17  }
0x21a: {  	[tilespmem:$0x520] =	vst v13;
	v17 =	vnsel vm15, $0x0, v22;
	v22 =	vld [tilespmem:$0x3E0];
	vm0 =	vmand vm4, vm5;
	vm7 =	vge.s32 v20, v2  }
0x21b: {  	v13 =	vsub.s32 v20, v2;
	[tilespmem:$0x4B0] =	vst v15;
	v15 =	vmin.u32 v16, $0x27F;
	v16 =	vld [tilespmem:$0x370];
	v19 =	vmul.f32 v23, v19  }
0x21c: {  	vm8 =	vlt.s32 v20, v4;
	v17 =	vmin.u32 v17, $0x27F;
	vm9 =	vgt.s32 v13, $0x0;
	v23 =	vld [tilespmem:$0x460]  }
0x21d: {  	[tilespmem:$0x4A0] =	vst v14;
	v20 =	vld [tilespmem:$0x470];
	vm10 =	vge.s32 v18, v2;
	v14 =	vnsel vm0, $0x0, v19;
	v19 =	vmul.f32 v25, v21  }
0x21e: {  	vm11 =	vlt.s32 v18, v4;
	[tilespmem:$0x530] =	vst v17;
	v13 =	vnsel vm9, $0x0, v13;
	v21 =	vld [tilespmem:$0x3F0];
	vm0 =	vmand vm7, vm8  }
0x21f: {  	v13 =	vmin.u32 v13, $0x27F;
	[tilespmem:$0x4C0] =	vst v14;
	v14 =	vsub.s32 v18, v2;
	v17 =	vnsel vm0, $0x0, v19  }
0x220: {  	[tilespmem:$0x540] =	vst v15;
	vm0 =	vmand vm10, vm11;
	vm12 =	vgt.s32 v14, $0x0;
	vm13 =	vge.s32 v16, v2  }
0x221: {  	[tilespmem:$0x550] =	vst v13;
	v13 =	vsub.s32 v16, v2;
	v19 =	vmul.f32 v23, v22;
	v14 =	vnsel vm12, $0x0, v14  }
0x222: {  	vm14 =	vlt.s32 v16, v4;
	[tilespmem:$0x4D0] =	vst v17;
	vm15 =	vgt.s32 v13, $0x0;
	v14 =	vmin.u32 v14, $0x27F  }
0x223: {  	v13 =	vnsel vm15, $0x0, v13;
	v15 =	vnsel vm0, $0x0, v19;
	v17 =	vmul.f32 v20, v21;
	[tilespmem:$0x560] =	vst v14  }
0x224: {  	vm0 =	vmand vm13, vm14;
	v13 =	vmin.u32 v13, $0x27F;
	[tilespmem:$0x4E0] =	vst v15  }
0x225: {  	[tilespmem:$0x570] =	vst v13;
	v14 =	vnsel vm0, $0x0, v17  }
0x226: {  	[tilespmem:$0x4F0] =	vst v14  }
0x227: {  	s4 =	sadd.s32 s11, s8;
	_ =	swait.ge [sflag:s30], $0x4000  }
0x228: {  	s4 =	sshrl.u32 s4, $0x3;
	[sflag:s30] =	ssyncset.done $0x0  }
0x229: {  	s12 =	simm.s32 $0x0;
	s15 =	sadd.s32 s5, s4;
	[sflag:s30] =	ssyncadd.s32 $0xFFFFC000  }
0x22a: {  	[tilespmem:s20], [sflag:$0x2] =	stream.linear.gather [hbm4b:s15+s12], $0x80, $0x38;
	[tilespmem:$0x1C580] =	vst v63  }
0x22b: {  	s16 =	sadd.s32 s2, s4;
	s15 =	simm.s32 $0x300  }
0x22c: {  	v13 =	vmov s12;
	[tilespmem:s15], [sflag:$0x2] =	stream.linear.gather [hbm4b:s16+s12], $0x80, $0x38;
	[tilespmem:$0x1C580] =	vst v63  }
0x22d: {  	s21 =	simm.s32 $0x2;
	s31 =	simm.s32 $0x1;
	s17 =	sadd.s32 s6, s4  }
0x22e: {  	v14 =	vmov s21;
	[tilespmem:s22], [sflag:$0x2] =	stream.linear.gather [hbm4b:s17+s12], $0x80, $0x38;
	[tilespmem:$0x1C580] =	vst v63  }
0x22f: {  	s4 =	sadd.s32 s7, s4;
	v16 =	vmov s31  }
0x230: {  	v24 =	vshll.u32 v13, $0x7;
	[tilespmem:s23], [sflag:$0x2] =	stream.linear.gather [hbm4b:s4+s12], $0x80, $0x38;
	[tilespmem:$0x1C580] =	vst v63  }
0x231: {  	v19 =	vshll.u32 v16, $0x7;
	v15 =	vor.u32 v3, v24;
	s21 =	simm.s32 $0x7;
	v22 =	vld.idx.msk [tilespmem:v13+s28+$0x0], $0xffff  }
0x232: {  	v27 =	vor.u32 v3, v19;
	v31 =	vmov s21;
	v18 =	vld.idx.msk [tilespmem:v13+s29+$0x0], $0xffff  }
0x233: {  	v32 =	vshll.u32 v31, $0x7;
	v13 =	vld.idx.msk [tilespmem:v14+s28+$0x0], $0xffff  }
0x234: {  	s31 =	simm.s32 $0x5;
	v61 =	vor.u32 v3, v32;
	v26 =	vld.idx.msk [tilespmem:v16+s29+$0x0], $0xffff  }
0x235: {  	v40 =	vmov s31;
	v20 =	vshll.u32 v14, $0x7;
	s15 =	simm.s32 $0x3;
	v14 =	vld.idx.msk [tilespmem:v14+s29+$0x0], $0xffff  }
0x236: {  	v17 =	vmov s15;
	v15 =	vld.idx.msk [tilespmem:v15+s25+$0x0], $0xffff  }
0x237: {  	s16 =	simm.s32 $0x4;
	v37 =	vld.idx.msk [tilespmem:v27+s25+$0x0], $0xffff  }
0x238: {  	v28 =	vmov s16;
	v41 =	vld.idx.msk [tilespmem:v31+s29+$0x0], $0xffff  }
0x239: {  	v23 =	vor.u32 v3, v20;
	v21 =	vshll.u32 v28, $0x7;
	v62 =	vld.idx.msk [tilespmem:v61+s25+$0x0], $0xffff  }
0x23a: {  	v35 =	vshll.u32 v17, $0x7;
	v29 =	vor.u32 v3, v21;
	v44 =	vld.idx.msk [tilespmem:v40+s29+$0x0], $0xffff  }
0x23b: {  	v33 =	vor.u32 v3, v35;
	v34 =	vld.idx.msk [tilespmem:v17+s28+$0x0], $0xffff  }
0x23c: {  	s17 =	simm.s32 $0x6;
	v45 =	vld.idx.msk [tilespmem:v17+s29+$0x0], $0xffff  }
0x23d: {  	v30 =	vmov s17;
	v51 =	vld.idx.msk [tilespmem:v28+s29+$0x0], $0xffff  }
0x23e: {  	v25 =	vshll.u32 v18, $0x7;
	v18 =	vld.idx.msk [tilespmem:v23+s25+$0x0], $0xffff;
	v23 =	vshll.u32 v30, $0x7  }
0x23f: {  	v38 =	vld.idx.msk [tilespmem:v29+s25+$0x0], $0xffff;
	v27 =	vor.u32 v3, v23  }
0x240: {  	v42 =	vld.idx.msk [tilespmem:v33+s25+$0x0], $0xffff;
	v36 =	vor.u32 v3, v25  }
0x241: {  	v33 =	vshll.u32 v40, $0x7;
	v29 =	vld.idx.msk [tilespmem:v31+s28+$0x0], $0xffff  }
0x242: {  	v39 =	vld.idx.msk [tilespmem:v30+s29+$0x0], $0xffff;
	v46 =	vor.u32 v3, v33;
	v31 =	vshll.u32 v41, $0x7  }
0x243: {  	v17 =	vld.idx.msk [tilespmem:v30+s28+$0x0], $0xffff;
	v15 =	vmul.f32 v15, v22;
	v48 =	vor.u32 v3, v31  }
0x244: {  	v43 =	vld.idx.msk [tilespmem:v27+s25+$0x0], $0xffff;
	v27 =	vor.u32 v6, v24  }
0x245: {  	[tilespmem:v36+s13+$0x0] =	vst.idx.add.f32.msk $0xffff, v15;
	v15 =	vshll.u32 v14, $0x7  }
0x246: {  	v14 =	vld.idx.msk [tilespmem:v16+s28+$0x0], $0xffff;
	v36 =	vmul.f32 v62, v29;
	v47 =	vor.u32 v3, v15  }
0x247: {  	v46 =	vld.idx.msk [tilespmem:v46+s25+$0x0], $0xffff;
	v16 =	vshll.u32 v26, $0x7  }
0x248: {  	v49 =	vor.u32 v3, v16;
	[tilespmem:v48+s13+$0x0] =	vst.idx.add.f32.msk $0xffff, v36  }
0x249: {  	v50 =	vor.u32 v6, v20;
	v18 =	vmul.f32 v18, v13;
	v26 =	vshll.u32 v39, $0x7;
	v41 =	vld.idx.msk [tilespmem:v27+s25+$0x0], $0xffff  }
0x24a: {  	v39 =	vor.u32 v3, v26;
	v27 =	vld.idx.msk [tilespmem:v40+s28+$0x0], $0xffff  }
0x24b: {  	v53 =	vor.u32 v6, v32;
	v37 =	vmul.f32 v37, v14;
	[tilespmem:v47+s13+$0x0] =	vst.idx.add.f32.msk $0xffff, v18  }
0x24c: {  	v63 =	vor.u32 v6, v19;
	v36 =	vshll.u32 v45, $0x7;
	v18 =	vld.idx.msk [tilespmem:v28+s28+$0x0], $0xffff  }
0x24d: {  	v45 =	vor.u32 v3, v36;
	v43 =	vmul.f32 v43, v17;
	[tilespmem:v49+s13+$0x0] =	vst.idx.add.f32.msk $0xffff, v37  }
0x24e: {  	v54 =	vor.u32 v6, v35;
	v30 =	vshll.u32 v44, $0x7;
	v47 =	vld.idx.msk [tilespmem:v50+s25+$0x0], $0xffff  }
0x24f: {  	v52 =	vor.u32 v3, v30;
	[tilespmem:v39+s13+$0x0] =	vst.idx.add.f32.msk $0xffff, v43  }
0x250: {  	v61 =	vor.u32 v6, v25;
	v56 =	vmul.f32 v42, v34;
	v28 =	vshll.u32 v51, $0x7;
	v43 =	vld.idx.msk [tilespmem:v53+s25+$0x0], $0xffff  }
0x251: {  	v58 =	vor.u32 v3, v28;
	v40 =	vld.idx.msk [tilespmem:v63+s25+$0x0], $0xffff  }
0x252: {  	v59 =	vor.u32 v6, v15;
	[tilespmem:v45+s13+$0x0] =	vst.idx.add.f32.msk $0xffff, v56;
	v46 =	vmul.f32 v46, v27  }
0x253: {  	v53 =	vor.u32 v6, v21;
	v45 =	vld.idx.msk [tilespmem:v54+s25+$0x0], $0xffff;
	v50 =	vmul.f32 v41, v22  }
0x254: {  	v55 =	vor.u32 v6, v16;
	v38 =	vmul.f32 v38, v18;
	[tilespmem:v52+s13+$0x0] =	vst.idx.add.f32.msk $0xffff, v46  }
0x255: {  	v60 =	vor.u32 v7, v20;
	v47 =	vmul.f32 v47, v13;
	[tilespmem:v61+s13+$0x0] =	vst.idx.add.f32.msk $0xffff, v50  }
0x256: {  	v62 =	vor.u32 v6, v33;
	[tilespmem:v58+s13+$0x0] =	vst.idx.add.f32.msk $0xffff, v38  }
0x257: {  	v57 =	vor.u32 v7, v19;
	v40 =	vmul.f32 v40, v14;
	[tilespmem:v59+s13+$0x0] =	vst.idx.add.f32.msk $0xffff, v47  }
0x258: {  	v63 =	vor.u32 v6, v36;
	v44 =	vld.idx.msk [tilespmem:v53+s25+$0x0], $0xffff  }
0x259: {  	v49 =	vor.u32 v7, v35;
	[tilespmem:v55+s13+$0x0] =	vst.idx.add.f32.msk $0xffff, v40  }
0x25a: {  	v58 =	vor.u32 v7, v24;
	v39 =	vld.idx.msk [tilespmem:v60+s25+$0x0], $0xffff  }
0x25b: {  	v52 =	vmul.f32 v45, v34;
	v40 =	vld.idx.msk [tilespmem:v62+s25+$0x0], $0xffff;
	v55 =	vor.u32 v6, v23  }
0x25c: {  	v42 =	vld.idx.msk [tilespmem:v57+s25+$0x0], $0xffff;
	v57 =	vor.u32 v6, v31  }
0x25d: {  	v56 =	vor.u32 v7, v15;
	[tilespmem:v63+s13+$0x0] =	vst.idx.add.f32.msk $0xffff, v52  }
0x25e: {  	v59 =	vor.u32 v7, v32;
	v37 =	vld.idx.msk [tilespmem:v49+s25+$0x0], $0xffff  }
0x25f: {  	v43 =	vmul.f32 v43, v29;
	v62 =	vor.u32 v6, v28;
	v63 =	vld.idx.msk [tilespmem:v58+s25+$0x0], $0xffff  }
0x260: {  	v52 =	vor.u32 v6, v30;
	v39 =	vmul.f32 v39, v13;
	v46 =	vld.idx.msk [tilespmem:v55+s25+$0x0], $0xffff  }
0x261: {  	v51 =	vor.u32 v7, v16;
	[tilespmem:v57+s13+$0x0] =	vst.idx.add.f32.msk $0xffff, v43  }
0x262: {  	v54 =	vor.u32 v8, v19;
	v55 =	vmul.f32 v44, v18;
	[tilespmem:v56+s13+$0x0] =	vst.idx.add.f32.msk $0xffff, v39  }
0x263: {  	v60 =	vor.u32 v7, v36;
	v40 =	vmul.f32 v40, v27;
	v47 =	vld.idx.msk [tilespmem:v59+s25+$0x0], $0xffff  }
0x264: {  	v61 =	vor.u32 v8, v35;
	v42 =	vmul.f32 v42, v14;
	[tilespmem:v62+s13+$0x0] =	vst.idx.add.f32.msk $0xffff, v55  }
0x265: {  	v58 =	vor.u32 v7, v25;
	[tilespmem:v52+s13+$0x0] =	vst.idx.add.f32.msk $0xffff, v40  }
0x266: {  	v37 =	vmul.f32 v37, v34;
	v56 =	vor.u32 v6, v26;
	[tilespmem:v51+s13+$0x0] =	vst.idx.add.f32.msk $0xffff, v42  }
0x267: {  	v57 =	vor.u32 v7, v23;
	v45 =	vld.idx.msk [tilespmem:v54+s25+$0x0], $0xffff  }
0x268: {  	v41 =	vmul.f32 v63, v22;
	v54 =	vor.u32 v7, v33;
	[tilespmem:v60+s13+$0x0] =	vst.idx.add.f32.msk $0xffff, v37  }
0x269: {  	v53 =	vor.u32 v8, v16;
	v38 =	vld.idx.msk [tilespmem:v61+s25+$0x0], $0xffff;
	v59 =	vmul.f32 v46, v17  }
0x26a: {  	v63 =	vor.u32 v8, v24;
	[tilespmem:v58+s13+$0x0] =	vst.idx.add.f32.msk $0xffff, v41  }
0x26b: {  	v60 =	vor.u32 v8, v36;
	[tilespmem:v56+s13+$0x0] =	vst.idx.add.f32.msk $0xffff, v59  }
0x26c: {  	v61 =	vor.u32 v9, v35;
	v39 =	vld.idx.msk [tilespmem:v57+s25+$0x0], $0xffff;
	v45 =	vmul.f32 v45, v14  }
0x26d: {  	v49 =	vor.u32 v7, v31;
	v62 =	vld.idx.msk [tilespmem:v54+s25+$0x0], $0xffff  }
0x26e: {  	v52 =	vor.u32 v8, v32;
	v38 =	vmul.f32 v38, v34;
	[tilespmem:v53+s13+$0x0] =	vst.idx.add.f32.msk $0xffff, v45  }
0x26f: {  	v54 =	vor.u32 v7, v26;
	v45 =	vld.idx.msk [tilespmem:v63+s25+$0x0], $0xffff  }
0x270: {  	v50 =	vor.u32 v7, v30;
	v53 =	vmul.f32 v47, v29;
	[tilespmem:v60+s13+$0x0] =	vst.idx.add.f32.msk $0xffff, v38  }
0x271: {  	v55 =	vor.u32 v8, v23;
	v42 =	vld.idx.msk [tilespmem:v61+s25+$0x0], $0xffff  }
0x272: {  	v51 =	vor.u32 v8, v33;
	[tilespmem:v49+s13+$0x0] =	vst.idx.add.f32.msk $0xffff, v53;
	v57 =	vmul.f32 v39, v17  }
0x273: {  	v58 =	vor.u32 v8, v25;
	v43 =	vmul.f32 v62, v27;
	v40 =	vld.idx.msk [tilespmem:v52+s25+$0x0], $0xffff  }
0x274: {  	v59 =	vor.u32 v9, v24;
	[tilespmem:v54+s13+$0x0] =	vst.idx.add.f32.msk $0xffff, v57  }
0x275: {  	v56 =	vor.u32 v9, v36;
	[tilespmem:v50+s13+$0x0] =	vst.idx.add.f32.msk $0xffff, v43  }
0x276: {  	v60 =	vor.u32 v10, v35;
	v61 =	vmul.f32 v45, v22;
	v46 =	vld.idx.msk [tilespmem:v55+s25+$0x0], $0xffff  }
0x277: {  	v48 =	vor.u32 v8, v31;
	v38 =	vld.idx.msk [tilespmem:v51+s25+$0x0], $0xffff  }
0x278: {  	v49 =	vor.u32 v8, v26;
	v42 =	vmul.f32 v42, v34;
	[tilespmem:v58+s13+$0x0] =	vst.idx.add.f32.msk $0xffff, v61  }
0x279: {  	v62 =	vor.u32 v8, v30;
	v39 =	vld.idx.msk [tilespmem:v59+s25+$0x0], $0xffff  }
0x27a: {  	v51 =	vor.u32 v9, v23;
	v40 =	vmul.f32 v40, v29;
	[tilespmem:v56+s13+$0x0] =	vst.idx.add.f32.msk $0xffff, v42  }
0x27b: {  	v52 =	vor.u32 v9, v32;
	v50 =	vld.idx.msk [tilespmem:v60+s25+$0x0], $0xffff;
	v46 =	vmul.f32 v46, v17  }
0x27c: {  	v63 =	vor.u32 v9, v33;
	[tilespmem:v48+s13+$0x0] =	vst.idx.add.f32.msk $0xffff, v40;
	v38 =	vmul.f32 v38, v27  }
0x27d: {  	v53 =	vor.u32 v9, v25;
	[tilespmem:v49+s13+$0x0] =	vst.idx.add.f32.msk $0xffff, v46  }
0x27e: {  	v54 =	vor.u32 v10, v24;
	[tilespmem:v62+s13+$0x0] =	vst.idx.add.f32.msk $0xffff, v38  }
0x27f: {  	v55 =	vor.u32 v10, v36;
	v42 =	vld.idx.msk [tilespmem:v51+s25+$0x0], $0xffff  }
0x280: {  	v56 =	vor.u32 v11, v35;
	v39 =	vmul.f32 v39, v22;
	v38 =	vld.idx.msk [tilespmem:v52+s25+$0x0], $0xffff  }
0x281: {  	v62 =	vor.u32 v7, v21;
	v41 =	vld.idx.msk [tilespmem:v63+s25+$0x0], $0xffff  }
0x282: {  	v59 =	vor.u32 v9, v26;
	v43 =	vmul.f32 v50, v34;
	[tilespmem:v53+s13+$0x0] =	vst.idx.add.f32.msk $0xffff, v39  }
0x283: {  	v61 =	vor.u32 v9, v31;
	v45 =	vld.idx.msk [tilespmem:v54+s25+$0x0], $0xffff  }
0x284: {  	v57 =	vor.u32 v9, v30;
	[tilespmem:v55+s13+$0x0] =	vst.idx.add.f32.msk $0xffff, v43  }
0x285: {  	v60 =	vor.u32 v10, v23;
	v40 =	vld.idx.msk [tilespmem:v56+s25+$0x0], $0xffff;
	v63 =	vmul.f32 v42, v17  }
0x286: {  	v51 =	vor.u32 v10, v32;
	v38 =	vmul.f32 v38, v29;
	v52 =	vld.idx.msk [tilespmem:v62+s25+$0x0], $0xffff  }
0x287: {  	v54 =	vor.u32 v8, v20;
	v41 =	vmul.f32 v41, v27;
	[tilespmem:v59+s13+$0x0] =	vst.idx.add.f32.msk $0xffff, v63  }
0x288: {  	v58 =	vor.u32 v10, v33;
	[tilespmem:v61+s13+$0x0] =	vst.idx.add.f32.msk $0xffff, v38  }
0x289: {  	v48 =	vor.u32 v10, v25;
	[tilespmem:v57+s13+$0x0] =	vst.idx.add.f32.msk $0xffff, v41  }
0x28a: {  	v55 =	vor.u32 v11, v24;
	v37 =	vld.idx.msk [tilespmem:v60+s25+$0x0], $0xffff  }
0x28b: {  	v49 =	vor.u32 v11, v36;
	v38 =	vld.idx.msk [tilespmem:v51+s25+$0x0], $0xffff  }
0x28c: {  	v56 =	vor.u32 v7, v28;
	v50 =	vmul.f32 v45, v22;
	v41 =	vld.idx.msk [tilespmem:v54+s25+$0x0], $0xffff  }
0x28d: {  	v35 =	vor.u32 v12, v35;
	v39 =	vld.idx.msk [tilespmem:v58+s25+$0x0], $0xffff  }
0x28e: {  	v57 =	vor.u32 v8, v21;
	v40 =	vmul.f32 v40, v34;
	[tilespmem:v48+s13+$0x0] =	vst.idx.add.f32.msk $0xffff, v50  }
0x28f: {  	v54 =	vor.u32 v9, v19;
	v43 =	vmul.f32 v52, v18;
	v42 =	vld.idx.msk [tilespmem:v55+s25+$0x0], $0xffff  }
0x290: {  	v58 =	vor.u32 v10, v26;
	[tilespmem:v49+s13+$0x0] =	vst.idx.add.f32.msk $0xffff, v40  }
0x291: {  	v59 =	vor.u32 v10, v31;
	[tilespmem:v56+s13+$0x0] =	vst.idx.add.f32.msk $0xffff, v43  }
0x292: {  	v63 =	vor.u32 v8, v15;
	v35 =	vld.idx.msk [tilespmem:v35+s25+$0x0], $0xffff  }
0x293: {  	v53 =	vor.u32 v10, v30;
	v37 =	vmul.f32 v37, v17;
	v61 =	vld.idx.msk [tilespmem:v57+s25+$0x0], $0xffff  }
0x294: {  	v60 =	vor.u32 v11, v32;
	v48 =	vmul.f32 v38, v29;
	v40 =	vld.idx.msk [tilespmem:v54+s25+$0x0], $0xffff  }
0x295: {  	v62 =	vor.u32 v11, v33;
	v52 =	vmul.f32 v41, v13;
	[tilespmem:v58+s13+$0x0] =	vst.idx.add.f32.msk $0xffff, v37  }
0x296: {  	v49 =	vor.u32 v9, v20;
	v39 =	vmul.f32 v39, v27;
	[tilespmem:v59+s13+$0x0] =	vst.idx.add.f32.msk $0xffff, v48  }
0x297: {  	v56 =	vor.u32 v11, v25;
	[tilespmem:v63+s13+$0x0] =	vst.idx.add.f32.msk $0xffff, v52  }
0x298: {  	v24 =	vor.u32 v12, v24;
	[tilespmem:v53+s13+$0x0] =	vst.idx.add.f32.msk $0xffff, v39  }
0x299: {  	v36 =	vor.u32 v12, v36;
	v53 =	vld.idx.msk [tilespmem:v60+s25+$0x0], $0xffff  }
0x29a: {  	v50 =	vor.u32 v8, v28;
	v58 =	vmul.f32 v42, v22;
	v55 =	vld.idx.msk [tilespmem:v62+s25+$0x0], $0xffff  }
0x29b: {  	v44 =	vor.u32 v9, v16;
	v37 =	vld.idx.msk [tilespmem:v49+s25+$0x0], $0xffff  }
0x29c: {  	v51 =	vor.u32 v9, v21;
	v34 =	vmul.f32 v35, v34;
	[tilespmem:v56+s13+$0x0] =	vst.idx.add.f32.msk $0xffff, v58  }
0x29d: {  	v45 =	vor.u32 v10, v19;
	v35 =	vmul.f32 v61, v18;
	v24 =	vld.idx.msk [tilespmem:v24+s25+$0x0], $0xffff  }
0x29e: {  	v48 =	vor.u32 v11, v23;
	v46 =	vmul.f32 v40, v14;
	[tilespmem:v36+s13+$0x0] =	vst.idx.add.f32.msk $0xffff, v34  }
0x29f: {  	v57 =	vor.u32 v11, v31;
	[tilespmem:v50+s13+$0x0] =	vst.idx.add.f32.msk $0xffff, v35  }
0x2a0: {  	v59 =	vor.u32 v11, v30;
	[tilespmem:v44+s13+$0x0] =	vst.idx.add.f32.msk $0xffff, v46  }
0x2a1: {  	v60 =	vor.u32 v9, v15;
	v35 =	vld.idx.msk [tilespmem:v51+s25+$0x0], $0xffff  }
0x2a2: {  	v63 =	vor.u32 v10, v20;
	v39 =	vmul.f32 v53, v29;
	v50 =	vld.idx.msk [tilespmem:v45+s25+$0x0], $0xffff  }
0x2a3: {  	v62 =	vor.u32 v9, v28;
	v61 =	vmul.f32 v55, v27;
	v55 =	vld.idx.msk [tilespmem:v48+s25+$0x0], $0xffff  }
0x2a4: {  	v43 =	vor.u32 v10, v21;
	v37 =	vmul.f32 v37, v13;
	[tilespmem:v57+s13+$0x0] =	vst.idx.add.f32.msk $0xffff, v39  }
0x2a5: {  	v32 =	vor.u32 v12, v32;
	[tilespmem:v59+s13+$0x0] =	vst.idx.add.f32.msk $0xffff, v61  }
0x2a6: {  	v33 =	vor.u32 v12, v33;
	[tilespmem:v60+s13+$0x0] =	vst.idx.add.f32.msk $0xffff, v37;
	v35 =	vmul.f32 v35, v18  }
0x2a7: {  	v25 =	vor.u32 v12, v25;
	v37 =	vld.idx.msk [tilespmem:v63+s25+$0x0], $0xffff  }
0x2a8: {  	v59 =	vor.u32 v11, v26;
	[tilespmem:v62+s13+$0x0] =	vst.idx.add.f32.msk $0xffff, v35  }
0x2a9: {  	v49 =	vor.u32 v10, v15;
	v47 =	vld.idx.msk [tilespmem:v43+s25+$0x0], $0xffff  }
0x2aa: {  	v56 =	vor.u32 v11, v20;
	v32 =	vld.idx.msk [tilespmem:v32+s25+$0x0], $0xffff;
	v22 =	vmul.f32 v24, v22  }
0x2ab: {  	v51 =	vor.u32 v10, v28;
	v33 =	vld.idx.msk [tilespmem:v33+s25+$0x0], $0xffff;
	v61 =	vmul.f32 v55, v17  }
0x2ac: {  	v52 =	vor.u32 v11, v21;
	[tilespmem:v25+s13+$0x0] =	vst.idx.add.f32.msk $0xffff, v22;
	v54 =	vmul.f32 v37, v13  }
0x2ad: {  	v23 =	vor.u32 v12, v23;
	[tilespmem:v59+s13+$0x0] =	vst.idx.add.f32.msk $0xffff, v61  }
0x2ae: {  	v53 =	vor.u32 v10, v16;
	[tilespmem:v49+s13+$0x0] =	vst.idx.add.f32.msk $0xffff, v54;
	v38 =	vmul.f32 v47, v18  }
0x2af: {  	v57 =	vor.u32 v11, v19;
	v60 =	vld.idx.msk [tilespmem:v56+s25+$0x0], $0xffff  }
0x2b0: {  	v24 =	vor.u32 v12, v30;
	[tilespmem:v51+s13+$0x0] =	vst.idx.add.f32.msk $0xffff, v38  }
0x2b1: {  	v31 =	vor.u32 v12, v31;
	v29 =	vmul.f32 v32, v29;
	v32 =	vmul.f32 v50, v14;
	v58 =	vld.idx.msk [tilespmem:v52+s25+$0x0], $0xffff  }
0x2b2: {  	v62 =	vor.u32 v11, v15;
	v23 =	vld.idx.msk [tilespmem:v23+s25+$0x0], $0xffff  }
0x2b3: {  	v22 =	vor.u32 v11, v28;
	v25 =	vmul.f32 v33, v27;
	[tilespmem:v53+s13+$0x0] =	vst.idx.add.f32.msk $0xffff, v32  }
0x2b4: {  	v21 =	vor.u32 v12, v21;
	v27 =	vld.idx.msk [tilespmem:v57+s25+$0x0], $0xffff  }
0x2b5: {  	v63 =	vor.u32 v12, v20;
	[tilespmem:v24+s13+$0x0] =	vst.idx.add.f32.msk $0xffff, v25;
	v24 =	vmul.f32 v60, v13  }
0x2b6: {  	[tilespmem:v31+s13+$0x0] =	vst.idx.add.f32.msk $0xffff, v29;
	v25 =	vor.u32 v11, v16;
	v20 =	vmul.f32 v58, v18  }
0x2b7: {  	[tilespmem:v62+s13+$0x0] =	vst.idx.add.f32.msk $0xffff, v24  }
0x2b8: {  	v24 =	vor.u32 v12, v19;
	[tilespmem:v22+s13+$0x0] =	vst.idx.add.f32.msk $0xffff, v20  }
0x2b9: {  	v22 =	vmul.f32 v27, v14;
	v20 =	vld.idx.msk [tilespmem:v21+s25+$0x0], $0xffff  }
0x2ba: {  	v19 =	vor.u32 v12, v26;
	v21 =	vld.idx.msk [tilespmem:v63+s25+$0x0], $0xffff  }
0x2bb: {  	s4 =	simm.s32 $0x8;
	[tilespmem:v25+s13+$0x0] =	vst.idx.add.f32.msk $0xffff, v22;
	v22 =	vor.u32 v12, v28  }
.LBB2_8:
0x2bc: {  	s11 =	sadd.s32 $0x1, s4  }
0x2bd: {  	v25 =	vmov s4;
	s12 =	sadd.s32 $0x3, s4;
	s15 =	sadd.s32 $0x4, s4;
	v26 =	vld.idx.msk [tilespmem:v24+s25+$0x0], $0xffff;
	v15 =	vor.u32 v12, v15;
	v17 =	vmul.f32 v23, v17;
	s16 =	smov.u32 s4  }
0x2be: {  	v16 =	vor.u32 v12, v16;
	v24 =	vshll.u32 v25, $0x7;
	v27 =	vmov s11;
	s17 =	sadd.s32 $0x2, s16;
	s21 =	sadd.s32 $0x5, s16;
	s11 =	sadd.s32 $0x8, s4  }
0x2bf: {  	p0 =	slt.u32 s4, $0x78;
	v18 =	vmul.f32 v20, v18;
	v28 =	vor.u32 v3, v24;
	v29 =	vmov s17;
	[tilespmem:v19+s13+$0x0] =	vst.idx.add.f32.msk $0xffff, v17  }
0x2c0: {  	v37 =	vmov s15;
	v17 =	vmov s12;
	v19 =	vshll.u32 v29, $0x7  }
0x2c1: {  	v20 =	vshll.u32 v37, $0x7;
	v13 =	vmul.f32 v21, v13;
	v31 =	vor.u32 v3, v19;
	[tilespmem:v22+s13+$0x0] =	vst.idx.add.f32.msk $0xffff, v18  }
0x2c2: {  	s4 =	sadd.s32 $0x6, s16;
	v22 =	vld.idx.msk [tilespmem:v25+s28+$0x0], $0xffff  }
0x2c3: {  	v18 =	vmov s4;
	s4 =	sadd.s32 $0x7, s16;
	v14 =	vmul.f32 v26, v14;
	[tilespmem:v15+s13+$0x0] =	vst.idx.add.f32.msk $0xffff, v13  }
0x2c4: {  	v23 =	vshll.u32 v18, $0x7;
	v32 =	vmov s4;
	v15 =	vld.idx.msk [tilespmem:v25+s29+$0x0], $0xffff  }
0x2c5: {  	v35 =	vshll.u32 v17, $0x7;
	v13 =	vld.idx.msk [tilespmem:v29+s28+$0x0], $0xffff  }
0x2c6: {  	v21 =	vshll.u32 v27, $0x7;
	v25 =	vor.u32 v3, v35;
	[tilespmem:v16+s13+$0x0] =	vst.idx.add.f32.msk $0xffff, v14  }
0x2c7: {  	v14 =	vor.u32 v3, v21;
	v16 =	vld.idx.msk [tilespmem:v27+s29+$0x0], $0xffff  }
0x2c8: {  	v33 =	vor.u32 v3, v20;
	v36 =	vor.u32 v3, v23;
	v29 =	vld.idx.msk [tilespmem:v29+s29+$0x0], $0xffff  }
0x2c9: {  	v30 =	vshll.u32 v32, $0x7;
	v28 =	vld.idx.msk [tilespmem:v28+s25+$0x0], $0xffff  }
0x2ca: {  	v26 =	vshll.u32 v15, $0x7;
	v15 =	vor.u32 v3, v30;
	v34 =	vld.idx.msk [tilespmem:v17+s28+$0x0], $0xffff  }
0x2cb: {  	v38 =	vld.idx.msk [tilespmem:v31+s25+$0x0], $0xffff  }
0x2cc: {  	v40 =	vmov s21;
	v31 =	vor.u32 v3, v26;
	v39 =	vld.idx.msk [tilespmem:v14+s25+$0x0], $0xffff  }
0x2cd: {  	v41 =	vld.idx.msk [tilespmem:v33+s25+$0x0], $0xffff;
	v33 =	vshll.u32 v40, $0x7  }
0x2ce: {  	v14 =	vld.idx.msk [tilespmem:v18+s29+$0x0], $0xffff  }
0x2cf: {  	v28 =	vmul.f32 v28, v22;
	v42 =	vld.idx.msk [tilespmem:v32+s29+$0x0], $0xffff  }
0x2d0: {  	v43 =	vld.idx.msk [tilespmem:v25+s25+$0x0], $0xffff  }
0x2d1: {  	v44 =	vor.u32 v6, v23;
	[tilespmem:v31+s13+$0x0] =	vst.idx.add.f32.msk $0xffff, v28  }
0x2d2: {  	v45 =	vld.idx.msk [tilespmem:v36+s25+$0x0], $0xffff  }
0x2d3: {  	v47 =	vor.u32 v6, v30;
	v28 =	vor.u32 v6, v24;
	v46 =	vld.idx.msk [tilespmem:v15+s25+$0x0], $0xffff  }
0x2d4: {  	v25 =	vshll.u32 v14, $0x7;
	v48 =	vld.idx.msk [tilespmem:v40+s29+$0x0], $0xffff  }
0x2d5: {  	v31 =	vshll.u32 v42, $0x7;
	v36 =	vld.idx.msk [tilespmem:v17+s29+$0x0], $0xffff  }
0x2d6: {  	v15 =	vshll.u32 v29, $0x7;
	v42 =	vmul.f32 v43, v34;
	v43 =	vor.u32 v3, v33;
	v32 =	vld.idx.msk [tilespmem:v32+s28+$0x0], $0xffff  }
0x2d7: {  	v14 =	vld.idx.msk [tilespmem:v27+s28+$0x0], $0xffff  }
0x2d8: {  	v49 =	vor.u32 v3, v15;
	v50 =	vor.u32 v3, v31;
	v27 =	vld.idx.msk [tilespmem:v28+s25+$0x0], $0xffff  }
0x2d9: {  	v51 =	vor.u32 v6, v19;
	v52 =	vor.u32 v6, v35;
	v16 =	vshll.u32 v16, $0x7;
	v17 =	vld.idx.msk [tilespmem:v18+s28+$0x0], $0xffff  }
0x2da: {  	v53 =	vor.u32 v7, v35;
	v38 =	vmul.f32 v38, v13;
	v18 =	vor.u32 v3, v16;
	v29 =	vld.idx.msk [tilespmem:v40+s28+$0x0], $0xffff  }
0x2db: {  	v54 =	vor.u32 v7, v23;
	v40 =	vor.u32 v6, v21;
	v36 =	vshll.u32 v36, $0x7;
	v43 =	vld.idx.msk [tilespmem:v43+s25+$0x0], $0xffff  }
0x2dc: {  	v28 =	vshll.u32 v48, $0x7;
	v48 =	vor.u32 v3, v25;
	v46 =	vmul.f32 v46, v32;
	v55 =	vld.idx.msk [tilespmem:v37+s29+$0x0], $0xffff  }
0x2dd: {  	v39 =	vmul.f32 v39, v14;
	[tilespmem:v49+s13+$0x0] =	vst.idx.add.f32.msk $0xffff, v38;
	v38 =	vor.u32 v7, v30  }
0x2de: {  	v56 =	vor.u32 v3, v36;
	v49 =	vmul.f32 v27, v22;
	[tilespmem:v50+s13+$0x0] =	vst.idx.add.f32.msk $0xffff, v46  }
0x2df: {  	v46 =	vor.u32 v6, v33;
	[tilespmem:v18+s13+$0x0] =	vst.idx.add.f32.msk $0xffff, v39;
	v39 =	vor.u32 v3, v28  }
0x2e0: {  	v45 =	vmul.f32 v45, v17;
	v40 =	vld.idx.msk [tilespmem:v40+s25+$0x0], $0xffff  }
0x2e1: {  	v43 =	vmul.f32 v43, v29;
	v50 =	vld.idx.msk [tilespmem:v51+s25+$0x0], $0xffff  }
0x2e2: {  	v51 =	vor.u32 v6, v15;
	v27 =	vshll.u32 v55, $0x7;
	v18 =	vld.idx.msk [tilespmem:v37+s28+$0x0], $0xffff  }
0x2e3: {  	v37 =	vor.u32 v6, v16;
	v55 =	vor.u32 v3, v27;
	[tilespmem:v48+s13+$0x0] =	vst.idx.add.f32.msk $0xffff, v45  }
0x2e4: {  	v45 =	vor.u32 v7, v21;
	[tilespmem:v39+s13+$0x0] =	vst.idx.add.f32.msk $0xffff, v43;
	v39 =	vor.u32 v8, v23  }
0x2e5: {  	v43 =	vld.idx.msk [tilespmem:v47+s25+$0x0], $0xffff  }
0x2e6: {  	v40 =	vmul.f32 v40, v14;
	[tilespmem:v56+s13+$0x0] =	vst.idx.add.f32.msk $0xffff, v42;
	v42 =	vor.u32 v8, v30  }
0x2e7: {  	v48 =	vor.u32 v7, v19;
	v47 =	vor.u32 v6, v26;
	v52 =	vld.idx.msk [tilespmem:v52+s25+$0x0], $0xffff  }
0x2e8: {  	[tilespmem:v37+s13+$0x0] =	vst.idx.add.f32.msk $0xffff, v40;
	v37 =	vmul.f32 v50, v13;
	v40 =	vmul.f32 v41, v18  }
0x2e9: {  	v41 =	vld.idx.msk [tilespmem:v45+s25+$0x0], $0xffff;
	v45 =	vor.u32 v7, v33  }
0x2ea: {  	v50 =	vor.u32 v6, v36;
	[tilespmem:v55+s13+$0x0] =	vst.idx.add.f32.msk $0xffff, v40  }
0x2eb: {  	[tilespmem:v51+s13+$0x0] =	vst.idx.add.f32.msk $0xffff, v37;
	v37 =	vmul.f32 v43, v32  }
0x2ec: {  	v40 =	vor.u32 v7, v16;
	v43 =	vld.idx.msk [tilespmem:v48+s25+$0x0], $0xffff  }
0x2ed: {  	v48 =	vor.u32 v6, v20;
	[tilespmem:v47+s13+$0x0] =	vst.idx.add.f32.msk $0xffff, v49;
	v47 =	vmul.f32 v52, v34  }
0x2ee: {  	v49 =	vor.u32 v8, v21;
	v46 =	vld.idx.msk [tilespmem:v46+s25+$0x0], $0xffff  }
0x2ef: {  	v41 =	vmul.f32 v41, v14;
	[tilespmem:v50+s13+$0x0] =	vst.idx.add.f32.msk $0xffff, v47  }
0x2f0: {  	v47 =	vor.u32 v7, v15;
	v50 =	vld.idx.msk [tilespmem:v53+s25+$0x0], $0xffff  }
0x2f1: {  	[tilespmem:v40+s13+$0x0] =	vst.idx.add.f32.msk $0xffff, v41;
	v40 =	vor.u32 v6, v31  }
0x2f2: {  	v41 =	vor.u32 v7, v24;
	v43 =	vmul.f32 v43, v13;
	v48 =	vld.idx.msk [tilespmem:v48+s25+$0x0], $0xffff  }
0x2f3: {  	v49 =	vld.idx.msk [tilespmem:v49+s25+$0x0], $0xffff  }
0x2f4: {  	v51 =	vor.u32 v7, v36;
	v46 =	vmul.f32 v46, v29;
	v44 =	vld.idx.msk [tilespmem:v44+s25+$0x0], $0xffff  }
0x2f5: {  	v52 =	vor.u32 v8, v16;
	[tilespmem:v47+s13+$0x0] =	vst.idx.add.f32.msk $0xffff, v43;
	v43 =	vor.u32 v8, v35  }
0x2f6: {  	v47 =	vmul.f32 v50, v34;
	v50 =	vor.u32 v6, v27;
	[tilespmem:v40+s13+$0x0] =	vst.idx.add.f32.msk $0xffff, v37  }
0x2f7: {  	v40 =	vor.u32 v6, v28;
	v37 =	vld.idx.msk [tilespmem:v41+s25+$0x0], $0xffff  }
0x2f8: {  	v38 =	vld.idx.msk [tilespmem:v38+s25+$0x0], $0xffff  }
0x2f9: {  	v41 =	vmul.f32 v49, v14;
	[tilespmem:v51+s13+$0x0] =	vst.idx.add.f32.msk $0xffff, v47;
	v47 =	vmul.f32 v48, v18  }
0x2fa: {  	v44 =	vmul.f32 v44, v17;
	v48 =	vor.u32 v6, v25;
	v43 =	vld.idx.msk [tilespmem:v43+s25+$0x0], $0xffff  }
0x2fb: {  	[tilespmem:v50+s13+$0x0] =	vst.idx.add.f32.msk $0xffff, v47  }
0x2fc: {  	v47 =	vor.u32 v7, v26;
	[tilespmem:v40+s13+$0x0] =	vst.idx.add.f32.msk $0xffff, v46  }
0x2fd: {  	v37 =	vmul.f32 v37, v22;
	v40 =	vor.u32 v8, v36;
	[tilespmem:v52+s13+$0x0] =	vst.idx.add.f32.msk $0xffff, v41  }
0x2fe: {  	v41 =	vor.u32 v9, v35;
	v38 =	vmul.f32 v38, v32;
	v45 =	vld.idx.msk [tilespmem:v45+s25+$0x0], $0xffff  }
0x2ff: {  	v46 =	vor.u32 v8, v24;
	[tilespmem:v48+s13+$0x0] =	vst.idx.add.f32.msk $0xffff, v44  }
0x300: {  	v43 =	vmul.f32 v43, v34;
	v48 =	vor.u32 v7, v31;
	v44 =	vld.idx.msk [tilespmem:v54+s25+$0x0], $0xffff  }
0x301: {  	[tilespmem:v47+s13+$0x0] =	vst.idx.add.f32.msk $0xffff, v37;
	v37 =	vor.u32 v7, v28  }
0x302: {  	[tilespmem:v40+s13+$0x0] =	vst.idx.add.f32.msk $0xffff, v43;
	v40 =	vor.u32 v8, v33  }
0x303: {  	v41 =	vld.idx.msk [tilespmem:v41+s25+$0x0], $0xffff  }
0x304: {  	v45 =	vmul.f32 v45, v29;
	v43 =	vld.idx.msk [tilespmem:v46+s25+$0x0], $0xffff;
	v46 =	vor.u32 v7, v25  }
0x305: {  	[tilespmem:v48+s13+$0x0] =	vst.idx.add.f32.msk $0xffff, v38  }
0x306: {  	v38 =	vor.u32 v9, v36;
	[tilespmem:v37+s13+$0x0] =	vst.idx.add.f32.msk $0xffff, v45;
	v37 =	vmul.f32 v44, v17  }
0x307: {  	v44 =	vor.u32 v8, v26;
	v40 =	vld.idx.msk [tilespmem:v40+s25+$0x0], $0xffff  }
0x308: {  	v45 =	vor.u32 v9, v24;
	v42 =	vld.idx.msk [tilespmem:v42+s25+$0x0], $0xffff  }
0x309: {  	v47 =	vor.u32 v10, v35;
	v41 =	vmul.f32 v41, v34;
	[tilespmem:v46+s13+$0x0] =	vst.idx.add.f32.msk $0xffff, v37  }
0x30a: {  	v37 =	vmul.f32 v43, v22;
	v43 =	vor.u32 v8, v28;
	v39 =	vld.idx.msk [tilespmem:v39+s25+$0x0], $0xffff  }
0x30b: {  	[tilespmem:v38+s13+$0x0] =	vst.idx.add.f32.msk $0xffff, v41;
	v38 =	vor.u32 v9, v33  }
0x30c: {  	[tilespmem:v44+s13+$0x0] =	vst.idx.add.f32.msk $0xffff, v37;
	v37 =	vor.u32 v8, v31  }
0x30d: {  	v40 =	vmul.f32 v40, v29;
	v44 =	vor.u32 v8, v25;
	v41 =	vld.idx.msk [tilespmem:v45+s25+$0x0], $0xffff  }
0x30e: {  	v46 =	vor.u32 v9, v23;
	v42 =	vmul.f32 v42, v32;
	v45 =	vld.idx.msk [tilespmem:v47+s25+$0x0], $0xffff  }
0x30f: {  	[tilespmem:v43+s13+$0x0] =	vst.idx.add.f32.msk $0xffff, v40;
	v40 =	vor.u32 v9, v30  }
0x310: {  	v43 =	vor.u32 v9, v26;
	v39 =	vmul.f32 v39, v17;
	v38 =	vld.idx.msk [tilespmem:v38+s25+$0x0], $0xffff  }
0x311: {  	v47 =	vor.u32 v10, v24;
	[tilespmem:v37+s13+$0x0] =	vst.idx.add.f32.msk $0xffff, v42  }
0x312: {  	v37 =	vor.u32 v10, v36;
	[tilespmem:v44+s13+$0x0] =	vst.idx.add.f32.msk $0xffff, v39  }
0x313: {  	v39 =	vmul.f32 v41, v22;
	v41 =	vor.u32 v11, v35;
	v42 =	vld.idx.msk [tilespmem:v46+s25+$0x0], $0xffff  }
0x314: {  	v44 =	vmul.f32 v45, v34;
	v45 =	vor.u32 v9, v28;
	v40 =	vld.idx.msk [tilespmem:v40+s25+$0x0], $0xffff  }
0x315: {  	[tilespmem:v43+s13+$0x0] =	vst.idx.add.f32.msk $0xffff, v39;
	v39 =	vor.u32 v10, v33  }
0x316: {  	v46 =	vor.u32 v9, v25;
	v38 =	vmul.f32 v38, v29;
	v43 =	vld.idx.msk [tilespmem:v47+s25+$0x0], $0xffff  }
0x317: {  	[tilespmem:v37+s13+$0x0] =	vst.idx.add.f32.msk $0xffff, v44;
	v37 =	vor.u32 v10, v23  }
0x318: {  	v44 =	vor.u32 v9, v31;
	v41 =	vld.idx.msk [tilespmem:v41+s25+$0x0], $0xffff  }
0x319: {  	v47 =	vor.u32 v7, v20;
	[tilespmem:v45+s13+$0x0] =	vst.idx.add.f32.msk $0xffff, v38;
	v38 =	vmul.f32 v42, v17  }
0x31a: {  	v42 =	vor.u32 v10, v26;
	v40 =	vmul.f32 v40, v32;
	v39 =	vld.idx.msk [tilespmem:v39+s25+$0x0], $0xffff  }
0x31b: {  	v45 =	vor.u32 v11, v36;
	[tilespmem:v46+s13+$0x0] =	vst.idx.add.f32.msk $0xffff, v38  }
0x31c: {  	v35 =	vor.u32 v12, v35;
	v38 =	vmul.f32 v43, v22;
	v37 =	vld.idx.msk [tilespmem:v37+s25+$0x0], $0xffff  }
0x31d: {  	[tilespmem:v44+s13+$0x0] =	vst.idx.add.f32.msk $0xffff, v40;
	v40 =	vor.u32 v10, v30  }
0x31e: {  	v41 =	vmul.f32 v41, v34;
	v44 =	vor.u32 v10, v28;
	v43 =	vld.idx.msk [tilespmem:v47+s25+$0x0], $0xffff  }
0x31f: {  	[tilespmem:v42+s13+$0x0] =	vst.idx.add.f32.msk $0xffff, v38;
	v38 =	vor.u32 v8, v19  }
0x320: {  	v42 =	vor.u32 v11, v24;
	v39 =	vmul.f32 v39, v29;
	[tilespmem:v45+s13+$0x0] =	vst.idx.add.f32.msk $0xffff, v41  }
0x321: {  	v41 =	vor.u32 v7, v27;
	v35 =	vld.idx.msk [tilespmem:v35+s25+$0x0], $0xffff  }
0x322: {  	v45 =	vor.u32 v8, v20;
	v37 =	vmul.f32 v37, v17;
	v40 =	vld.idx.msk [tilespmem:v40+s25+$0x0], $0xffff  }
0x323: {  	[tilespmem:v44+s13+$0x0] =	vst.idx.add.f32.msk $0xffff, v39;
	v39 =	vor.u32 v10, v25  }
0x324: {  	v36 =	vor.u32 v12, v36;
	v43 =	vmul.f32 v43, v18;
	v38 =	vld.idx.msk [tilespmem:v38+s25+$0x0], $0xffff  }
0x325: {  	v44 =	vor.u32 v10, v31;
	v42 =	vld.idx.msk [tilespmem:v42+s25+$0x0], $0xffff  }
0x326: {  	[tilespmem:v41+s13+$0x0] =	vst.idx.add.f32.msk $0xffff, v43;
	v41 =	vor.u32 v11, v30  }
0x327: {  	v34 =	vmul.f32 v35, v34;
	v43 =	vor.u32 v11, v33;
	v35 =	vld.idx.msk [tilespmem:v45+s25+$0x0], $0xffff  }
0x328: {  	v45 =	vor.u32 v8, v15;
	[tilespmem:v39+s13+$0x0] =	vst.idx.add.f32.msk $0xffff, v37;
	v37 =	vmul.f32 v40, v32  }
0x329: {  	v39 =	vor.u32 v9, v19;
	[tilespmem:v36+s13+$0x0] =	vst.idx.add.f32.msk $0xffff, v34  }
0x32a: {  	v34 =	vor.u32 v8, v27;
	v36 =	vor.u32 v9, v20;
	[tilespmem:v44+s13+$0x0] =	vst.idx.add.f32.msk $0xffff, v37  }
0x32b: {  	v40 =	vor.u32 v9, v21;
	v38 =	vmul.f32 v38, v13;
	v37 =	vmul.f32 v42, v22;
	v41 =	vld.idx.msk [tilespmem:v41+s25+$0x0], $0xffff  }
0x32c: {  	v42 =	vld.idx.msk [tilespmem:v43+s25+$0x0], $0xffff  }
0x32d: {  	v43 =	vor.u32 v11, v26;
	v35 =	vmul.f32 v35, v18;
	[tilespmem:v45+s13+$0x0] =	vst.idx.add.f32.msk $0xffff, v38  }
0x32e: {  	v38 =	vld.idx.msk [tilespmem:v39+s25+$0x0], $0xffff;
	v39 =	vor.u32 v11, v31  }
0x32f: {  	v30 =	vor.u32 v12, v30;
	[tilespmem:v34+s13+$0x0] =	vst.idx.add.f32.msk $0xffff, v35  }
0x330: {  	v35 =	vor.u32 v11, v28;
	v34 =	vld.idx.msk [tilespmem:v36+s25+$0x0], $0xffff  }
0x331: {  	v41 =	vmul.f32 v41, v32;
	v36 =	vld.idx.msk [tilespmem:v40+s25+$0x0], $0xffff;
	v40 =	vor.u32 v9, v15  }
0x332: {  	v33 =	vor.u32 v12, v33;
	[tilespmem:v43+s13+$0x0] =	vst.idx.add.f32.msk $0xffff, v37;
	v37 =	vmul.f32 v42, v29  }
0x333: {  	v42 =	vor.u32 v9, v27;
	[tilespmem:v39+s13+$0x0] =	vst.idx.add.f32.msk $0xffff, v41  }
0x334: {  	v38 =	vmul.f32 v38, v13;
	v39 =	vor.u32 v10, v19;
	v30 =	vld.idx.msk [tilespmem:v30+s25+$0x0], $0xffff  }
0x335: {  	v43 =	vor.u32 v10, v20;
	v41 =	vor.u32 v9, v16;
	[tilespmem:v35+s13+$0x0] =	vst.idx.add.f32.msk $0xffff, v37  }
0x336: {  	v35 =	vor.u32 v10, v21;
	v34 =	vmul.f32 v34, v18;
	[tilespmem:v40+s13+$0x0] =	vst.idx.add.f32.msk $0xffff, v38  }
0x337: {  	v36 =	vmul.f32 v36, v14;
	v33 =	vld.idx.msk [tilespmem:v33+s25+$0x0], $0xffff  }
0x338: {  	v24 =	vor.u32 v12, v24;
	[tilespmem:v42+s13+$0x0] =	vst.idx.add.f32.msk $0xffff, v34  }
0x339: {  	v31 =	vor.u32 v12, v31;
	v34 =	vld.idx.msk [tilespmem:v39+s25+$0x0], $0xffff  }
0x33a: {  	v38 =	vor.u32 v11, v23;
	v30 =	vmul.f32 v30, v32;
	v37 =	vld.idx.msk [tilespmem:v43+s25+$0x0], $0xffff  }
0x33b: {  	[tilespmem:v41+s13+$0x0] =	vst.idx.add.f32.msk $0xffff, v36  }
0x33c: {  	v32 =	vld.idx.msk [tilespmem:v35+s25+$0x0], $0xffff;
	v35 =	vor.u32 v10, v15  }
0x33d: {  	v36 =	vor.u32 v10, v27;
	v24 =	vld.idx.msk [tilespmem:v24+s25+$0x0], $0xffff  }
0x33e: {  	v39 =	vor.u32 v11, v20;
	[tilespmem:v31+s13+$0x0] =	vst.idx.add.f32.msk $0xffff, v30  }
0x33f: {  	v30 =	vor.u32 v10, v16;
	v31 =	vmul.f32 v34, v13;
	v34 =	vld.idx.msk [tilespmem:v38+s25+$0x0], $0xffff  }
0x340: {  	v40 =	vor.u32 v11, v19;
	v38 =	vor.u32 v11, v21;
	v37 =	vmul.f32 v37, v18  }
0x341: {  	v26 =	vor.u32 v12, v26;
	v29 =	vmul.f32 v33, v29;
	[tilespmem:v35+s13+$0x0] =	vst.idx.add.f32.msk $0xffff, v31  }
0x342: {  	v31 =	vmul.f32 v32, v14;
	[tilespmem:v36+s13+$0x0] =	vst.idx.add.f32.msk $0xffff, v37  }
0x343: {  	v33 =	vor.u32 v11, v25;
	v22 =	vmul.f32 v24, v22;
	v32 =	vld.idx.msk [tilespmem:v39+s25+$0x0], $0xffff  }
0x344: {  	v28 =	vor.u32 v12, v28;
	[tilespmem:v30+s13+$0x0] =	vst.idx.add.f32.msk $0xffff, v31  }
0x345: {  	v23 =	vor.u32 v12, v23;
	v31 =	vmul.f32 v34, v17;
	v30 =	vld.idx.msk [tilespmem:v40+s25+$0x0], $0xffff  }
0x346: {  	[tilespmem:v26+s13+$0x0] =	vst.idx.add.f32.msk $0xffff, v22;
	v22 =	vor.u32 v11, v27  }
0x347: {  	v20 =	vor.u32 v12, v20;
	v34 =	vor.u32 v11, v16;
	v26 =	vld.idx.msk [tilespmem:v38+s25+$0x0], $0xffff  }
0x348: {  	v24 =	vor.u32 v12, v21;
	v21 =	vor.u32 v11, v15;
	[tilespmem:v33+s13+$0x0] =	vst.idx.add.f32.msk $0xffff, v31  }
0x349: {  	v31 =	vor.u32 v12, v19;
	v19 =	vmul.f32 v32, v18;
	[tilespmem:v28+s13+$0x0] =	vst.idx.add.f32.msk $0xffff, v29  }
0x34a: {  	v23 =	vld.idx.msk [tilespmem:v23+s25+$0x0], $0xffff  }
.Ltmp5:
0x34b: {  	v28 =	vmul.f32 v30, v13;
	[tilespmem:v22+s13+$0x0] =	vst.idx.add.f32.msk $0xffff, v19;
	(pc) =	sbr.rel @p0 .LBB2_8-.Ltmp5, $4  }
0x34c: {  	v20 =	vld.idx.msk [tilespmem:v20+s25+$0x0], $0xffff  }
0x34d: {  	v19 =	vor.u32 v12, v25;
	v22 =	vmul.f32 v26, v14;
	[tilespmem:v21+s13+$0x0] =	vst.idx.add.f32.msk $0xffff, v28  }
0x34e: {  	v21 =	vld.idx.msk [tilespmem:v31+s25+$0x0], $0xffff  }
0x34f: {  	s4 =	smov.u32 s11;
	[tilespmem:v34+s13+$0x0] =	vst.idx.add.f32.msk $0xffff, v22;
	v22 =	vor.u32 v12, v27  }
0x350: {  	_ =	sdelay $0x3  }
0x351: {  	v24 =	vld.idx.msk [tilespmem:v24+s25+$0x0], $0xffff  }
0x352: {  	v15 =	vor.u32 v12, v15;
	s10 =	sadd.s32 $0x1, s10  }
0x353: {  	v17 =	vmul.f32 v23, v17;
	v16 =	vor.u32 v12, v16;
	p0 =	sne.s32 s10, s0  }
.Ltmp6:
0x354: {  	v18 =	vmul.f32 v20, v18;
	(pc) =	sbr.rel @p0 .LBB2_5-.Ltmp6, $4  }
.Ltmp7:
0x355: {  	[tilespmem:v19+s13+$0x0] =	vst.idx.add.f32.msk $0xffff, v17;
	v13 =	vmul.f32 v21, v13;
	(pc) =	sbr.rel @!p0 .LBB2_10-.Ltmp7, $4  }
0x356: {  	[tilespmem:v22+s13+$0x0] =	vst.idx.add.f32.msk $0xffff, v18;
	v14 =	vmul.f32 v24, v14  }
0x357: {  	[tilespmem:v15+s13+$0x0] =	vst.idx.add.f32.msk $0xffff, v13  }
0x358: {  	[tilespmem:v16+s13+$0x0] =	vst.idx.add.f32.msk $0xffff, v14  }
0x359: {  	_ = 	snop  }
.LBB2_11:
0x35a: {  	_ =	sfence.sel $0x180000  }
0x35b: {  	[bflag:$0x0] =	sbarrier.arrive $0xFFFF  }
0x35c: {  	_ =	strace $0x90000047  }
0x35d: {  	s0 =	stileid.u32;
	[bflag:$0x2] =	sbarrier.arrive $0xFFFF  }
0x35e: {  	p0 =	sne.s32 s0, $0x0;
	s0 =	rddreg [dreg:$0x3]  }
0x35f: {  	s0 =	sadd.s32 @!p0 $0x100000, s0  }
0x360: {  	[sflag:s0] =	ssyncadd.tile.s32 @!p0 $0x1;
	_ =	shalt  }
.Lfunc_end2:
_tile_overlayer_lowered:
.L_overlay_start_2:
0x361: {  	(tag) =	ssettag $0x2  }
0x362: {  	s0 =	rddreg [dreg:$0x0];
	s2 =	stileid.u32  }
0x363: {  	s1 =	rddreg [dreg:$0x1];
	p0 =	sne.s32 s2, $0x0  }
0x364: {  	s3 =	rddreg [dreg:$0x2];
	[bflag:$0x3] =	sbarrier.arrive $0xFFFF;
	s2 =	simm.s32 @!p0 $0x1C05  }
0x365: {  	[timem:s3], [sflag:s2] =	dma.local @!p0 [hbm:s0], s1  }
0x366: {  	s0 =	simm.s32 @!p0 $0x5  }
0x367: {  	_ =	swait.ge @!p0 [sflag:s0], s1  }
0x368: {  	s1 =	ssub.s32 @!p0 $0x0, s1;
	[sflag:s0] =	ssyncset.done @!p0 $0x0  }
0x369: {  	[sflag:s0] =	ssyncadd.s32 @!p0 s1  }
0x36a: {  	[bflag:$0x3] =	sbarrier.arrive $0xFFFF  }
0x36b: {  	_ =	shalt  }

</sc_bundles>
